<compile_context>
chip_gen: v7x
topology: tpu7x:2x2x1
jax: 0.10.2.dev20260603
libtpu: 0.0.44.dev20260713+nightly
codegen_flags: <defaults>
</compile_context>

<pallas_src>
import functools

import jax
import jax.numpy as jnp
from jax import lax
from jax.experimental import pallas as pl
from jax.experimental.pallas import tpu as pltpu
from jax.experimental.pallas import tpu_sc as plsc

N = 10000
E = 320000
D = 128

NC = 2
NS = 16
NW = NC * NS
C = 128
NCH = 80
E_PAD = NW * NCH * C
N_PAD = 10240
SLAB = N_PAD // NS

_mesh = plsc.VectorSubcoreMesh(core_axis_name="c", subcore_axis_name="s")


def _zero_vmem(ref, nrows, ncol):
    zeros = jnp.zeros((16,), jnp.float32)

    def body(i, _):
        for k in range(ncol // 16):
            ref[i, pl.ds(k * 16, 16)] = zeros
        return 0

    lax.fori_loop(0, nrows, body, 0)


@functools.partial(
    pl.kernel,
    out_type=jax.ShapeDtypeStruct((NC, N_PAD, D), jnp.float32),
    mesh=_mesh,
    scratch_types=[
        pltpu.VMEM((2, C), jnp.int32),
        pltpu.VMEM((2, C), jnp.int32),
        pltpu.VMEM((C, D), jnp.float32),
        pltpu.VMEM((32, D), jnp.float32),
        pltpu.VMEM_SHARED((N_PAD, D), jnp.float32),
        pltpu.SemaphoreType.DMA,
        pltpu.SemaphoreType.DMA,
    ],
)
def _sc_degree(idx_hbm, out_hbm, idx_a, idx_b, ones_v, zb_v, acc_sh,
               semi_a, semi_b):
    c = lax.axis_index("c")
    s = lax.axis_index("s")
    wid = c * NS + s
    idx = (idx_a, idx_b)
    semi = (semi_a, semi_b)

    one = jnp.full((16,), 1.0, jnp.float32)

    def issue_idx(slot, j):
        pltpu.async_copy(idx_hbm.at[wid, j], idx[slot], semi[slot])

    def wait_idx(slot, j):
        pltpu.make_async_copy(idx_hbm.at[wid, j], idx[slot],
                              semi[slot]).wait()

    issue_idx(0, 0)
    issue_idx(1, 1)

    def fill_ones(i, _):
        for k in range(D // 16):
            ones_v[i, pl.ds(k * 16, 16)] = one
        return 0

    lax.fori_loop(0, C, fill_ones, 0)
    _zero_vmem(zb_v, 32, D)
    row0 = s * SLAB
    for k in range(SLAB // 32):
        pltpu.sync_copy(zb_v, acc_sh.at[pl.ds(row0 + k * 32, 32)])
    plsc.subcore_barrier()

    def pair(j, _):
        for b in range(2):
            k = 2 * j + b
            wait_idx(b, k)
            pltpu.sync_copy(ones_v, acc_sh.at[idx[b].at[1]], add=True)
            issue_idx(b, k + 2)
        return 0

    lax.fori_loop(0, NCH // 2 - 1, pair, 0)
    wait_idx(0, NCH - 2)
    pltpu.sync_copy(ones_v, acc_sh.at[idx_a.at[1]], add=True)
    wait_idx(1, NCH - 1)
    pltpu.sync_copy(ones_v, acc_sh.at[idx_b.at[1]], add=True)

    plsc.subcore_barrier()
    pltpu.sync_copy(acc_sh.at[pl.ds(row0, SLAB)],
                    out_hbm.at[c, pl.ds(row0, SLAB)])


@functools.partial(
    pl.kernel,
    out_type=jax.ShapeDtypeStruct((NC, N_PAD, D), jnp.float32),
    mesh=_mesh,
    scratch_types=[
        pltpu.VMEM((2, C), jnp.int32),
        pltpu.VMEM((2, C), jnp.int32),
        pltpu.VMEM((C, D), jnp.float32),
        pltpu.VMEM((C, D), jnp.float32),
        pltpu.VMEM((32, D), jnp.float32),
        pltpu.VMEM_SHARED((N_PAD, D), jnp.float32),
        pltpu.SemaphoreType.DMA,
        pltpu.SemaphoreType.DMA,
        pltpu.SemaphoreType.DMA,
        pltpu.SemaphoreType.DMA,
    ],
)
def _sc_aggregate(g_hbm, idx_hbm, out_hbm,
                  idx_a, idx_b, rows_a, rows_b,
                  zb_v, acc_sh, semg_a, semg_b, semi_a, semi_b):
    c = lax.axis_index("c")
    s = lax.axis_index("s")
    wid = c * NS + s

    idx = (idx_a, idx_b)
    rows = (rows_a, rows_b)
    semg = (semg_a, semg_b)
    semi = (semi_a, semi_b)

    def issue_idx(slot, j):
        pltpu.async_copy(idx_hbm.at[wid, j], idx[slot], semi[slot])

    def wait_idx(slot, j):
        pltpu.make_async_copy(idx_hbm.at[wid, j], idx[slot],
                              semi[slot]).wait()

    def issue_gather(slot):
        pltpu.async_copy(g_hbm.at[idx[slot].at[0]], rows[slot], semg[slot])

    def wait_gather(slot):
        pltpu.make_async_copy(g_hbm.at[idx[slot].at[0]], rows[slot],
                              semg[slot]).wait()

    def scatter(slot):
        pltpu.sync_copy(rows[slot], acc_sh.at[idx[slot].at[1]], add=True)

    issue_idx(0, 0)
    issue_idx(1, 1)
    _zero_vmem(zb_v, 32, D)
    row0 = s * SLAB
    for k in range(SLAB // 32):
        pltpu.sync_copy(zb_v, acc_sh.at[pl.ds(row0 + k * 32, 32)])
    wait_idx(0, 0)
    issue_gather(0)
    plsc.subcore_barrier()

    def pair(j, _):
        for b in range(2):
            k = 2 * j + b
            nb = (b + 1) % 2
            wait_idx(nb, k + 1)
            issue_gather(nb)
            wait_gather(b)
            scatter(b)
            issue_idx(b, k + 2)
        return 0

    lax.fori_loop(0, NCH // 2 - 1, pair, 0)
    wait_idx(1, NCH - 1)
    issue_gather(1)
    wait_gather(0)
    scatter(0)
    wait_gather(1)
    scatter(1)

    plsc.subcore_barrier()
    pltpu.sync_copy(acc_sh.at[pl.ds(row0, SLAB)],
                    out_hbm.at[c, pl.ds(row0, SLAB)])


_R = 2000


def _gelu(z):
    return 0.5 * z * (1.0 + lax.erf(z * 0.7071067811865476))


def _tc_a_body(x_ref, w1_ref, degp_ref, g1_ref, dinvb_ref):
    d = degp_ref[0, :, 0:1] + degp_ref[1, :, 0:1] + 1.0
    dinv = lax.rsqrt(d)
    h = jnp.dot(x_ref[...], w1_ref[...], preferred_element_type=jnp.float32)
    g1_ref[...] = h * dinv
    dinvb_ref[...] = jnp.broadcast_to(dinv, (_R, D))


def _tc_a(x, W1, degp):
    return pl.pallas_call(
        _tc_a_body,
        grid=(N // _R,),
        in_specs=[
            pl.BlockSpec((_R, D), lambda i: (i, 0)),
            pl.BlockSpec((D, D), lambda i: (0, 0)),
            pl.BlockSpec((NC, _R, D), lambda i: (0, i, 0)),
        ],
        out_specs=[
            pl.BlockSpec((_R, D), lambda i: (i, 0)),
            pl.BlockSpec((_R, D), lambda i: (i, 0)),
        ],
        out_shape=[
            jax.ShapeDtypeStruct((N, D), jnp.float32),
            jax.ShapeDtypeStruct((N, D), jnp.float32),
        ],
    )(x, W1, degp)


def _tc_b_body(p_ref, g1_ref, dinvb_ref, b1_ref, w2_ref, g2_ref):
    agg = p_ref[0] + p_ref[1] + g1_ref[...]
    z = agg * dinvb_ref[...] + b1_ref[...][None, :]
    a = _gelu(z)
    h2 = jnp.dot(a, w2_ref[...], preferred_element_type=jnp.float32)
    g2_ref[...] = h2 * dinvb_ref[...]


def _tc_b(p1, g1, dinvb, b1, W2):
    return pl.pallas_call(
        _tc_b_body,
        grid=(N // _R,),
        in_specs=[
            pl.BlockSpec((NC, _R, D), lambda i: (0, i, 0)),
            pl.BlockSpec((_R, D), lambda i: (i, 0)),
            pl.BlockSpec((_R, D), lambda i: (i, 0)),
            pl.BlockSpec((D,), lambda i: (0,)),
            pl.BlockSpec((D, D), lambda i: (0, 0)),
        ],
        out_specs=pl.BlockSpec((_R, D), lambda i: (i, 0)),
        out_shape=jax.ShapeDtypeStruct((N, D), jnp.float32),
    )(p1, g1, dinvb, b1, W2)


def _tc_c_body(p_ref, g2_ref, dinvb_ref, b2_ref, out_ref):
    agg = p_ref[0] + p_ref[1] + g2_ref[...]
    out_ref[...] = agg * dinvb_ref[...] + b2_ref[...][None, :]


def _tc_c(p2, g2, dinvb, b2):
    return pl.pallas_call(
        _tc_c_body,
        grid=(N // _R,),
        in_specs=[
            pl.BlockSpec((NC, _R, D), lambda i: (0, i, 0)),
            pl.BlockSpec((_R, D), lambda i: (i, 0)),
            pl.BlockSpec((_R, D), lambda i: (i, 0)),
            pl.BlockSpec((D,), lambda i: (0,)),
        ],
        out_specs=pl.BlockSpec((_R, D), lambda i: (i, 0)),
        out_shape=jax.ShapeDtypeStruct((N, D), jnp.float32),
    )(p2, g2, dinvb, b2)


def kernel(x, edge_index, W1, b1, W2, b2):
    pad = E_PAD - E
    pad_src = jnp.arange(pad, dtype=jnp.int32) % N
    pad_dst = N + jnp.arange(pad, dtype=jnp.int32) % (N_PAD - N)
    src_p = jnp.concatenate([edge_index[0], pad_src]).reshape(NW, NCH, C)
    dst_p = jnp.concatenate([edge_index[1], pad_dst]).reshape(NW, NCH, C)
    idx3 = jnp.stack([src_p, dst_p], axis=2)

    degp = _sc_degree(idx3)
    g1, dinvb = _tc_a(x, W1, degp)
    p1 = _sc_aggregate(g1, idx3)
    g2 = _tc_b(p1, g1, dinvb, b1, W2)
    p2 = _sc_aggregate(g2, idx3)
    return _tc_c(p2, g2, dinvb, b2)

# --- scband reference (transcript-rebuilt; emitter-appended) ---
"""Pipeline reference for scband-gnnencoder-12867722019239 (READ-ONLY COPY).

The authoritative reference and input builder live on the scoring server;
editing this copy changes nothing except your own understanding.
"""

import jax, jax.numpy as jnp
import numpy as np

N = 10000
E = 320000
D_IN = 128
D_HID = 128


def setup_inputs(seed: int = 0) -> dict:
    key = jax.random.key(seed)
    k1, k2, k3, k4 = jax.random.split(key, 4)
    x = jax.random.normal(k1, (N, D_IN), dtype=jnp.float32)
    edge_index = jax.random.randint(k2, (2, E), 0, N, dtype=jnp.int32)
    # GCNConv layer 1 params (glorot-ish init)
    W1 = jax.random.normal(k3, (D_IN, D_HID), dtype=jnp.float32) * (1.0 / np.sqrt(D_IN))
    b1 = jnp.zeros((D_HID,), dtype=jnp.float32)
    # GCNConv layer 2 params
    W2 = jax.random.normal(k4, (D_HID, D_HID), dtype=jnp.float32) * (1.0 / np.sqrt(D_HID))
    b2 = jnp.zeros((D_HID,), dtype=jnp.float32)
    return {"x": x, "edge_index": edge_index, "W1": W1, "b1": b1, "W2": W2, "b2": b2}


def _gcn_conv(x, src, dst, W, b):
    # PyG GCNConv with add_self_loops=True, normalize=True:
    #   h = x @ W; out[dst] += norm * h[src]; out += b
    n = x.shape[0]
    h = x @ W
    deg = jnp.zeros((n,), dtype=x.dtype).at[dst].add(1.0)
    dinv = jnp.where(deg > 0, jax.lax.rsqrt(deg), 0.0)
    norm = dinv[src] * dinv[dst]
    msg = h[src] * norm[:, None]
    out = jnp.zeros((n, h.shape[1]), dtype=x.dtype).at[dst].add(msg)
    return out + b


def reference(x, edge_index, W1, b1, W2, b2):
    n = x.shape[0]
    loop = jnp.arange(n, dtype=edge_index.dtype)
    src = jnp.concatenate([edge_index[0], loop])
    dst = jnp.concatenate([edge_index[1], loop])
    h = _gcn_conv(x, src, dst, W1, b1)
    h = jax.nn.gelu(h, approximate=False)
    # dropout is identity in eval mode
    out = _gcn_conv(h, src, dst, W2, b2)
    return out

if __name__ == "__main__":
    import jax
    _d = setup_inputs()
    print(jax.jit(kernel)(*tuple(_d.values())))

</pallas_src>

<mosaic_0001>
#map = affine_map<(d0, d1) -> (0, 0)>
#map1 = affine_map<(d0, d1) -> (0, 0, 0, 0)>
#map2 = affine_map<(d0, d1) -> (0, 0, 0)>
module attributes {stable_mosaic.version = 14 : i64} {
  func.func @_sc_aggregate(%arg0: i32, %arg1: i32, %arg2: memref<10000x128xf32, #tpu.memory_space<hbm>>, %arg3: memref<32x80x2x128xi32, #tpu.memory_space<hbm>>, %arg4: memref<2x10240x128xf32, #tpu.memory_space<hbm>>, %arg5: memref<2x128xi32, #tpu.memory_space<vmem>>, %arg6: memref<2x128xi32, #tpu.memory_space<vmem>>, %arg7: memref<128x128xf32, #tpu.memory_space<vmem>>, %arg8: memref<128x128xf32, #tpu.memory_space<vmem>>, %arg9: memref<32x128xf32, #tpu.memory_space<vmem>>, %arg10: memref<10240x128xf32, #tpu.memory_space<vmem_shared>>, %arg11: memref<!tpu.dma_semaphore, #tpu.memory_space<semaphore_mem>>, %arg12: memref<!tpu.dma_semaphore, #tpu.memory_space<semaphore_mem>>, %arg13: memref<!tpu.dma_semaphore, #tpu.memory_space<semaphore_mem>>, %arg14: memref<!tpu.dma_semaphore, #tpu.memory_space<semaphore_mem>>) attributes {dimension_semantics = [#tpu.dimension_semantics<core_parallel>, #tpu.dimension_semantics<subcore_parallel>], iteration_bounds = array<i64: 2, 16>, scalar_prefetch = 0 : i64, scratch_operands = 10 : i64, tpu.core_type = #tpu.core_type<sc_vector_subcore>, window_params = [{transform_indices = #map}, {transform_indices = #map1}, {transform_indices = #map2}]} {
    %mul3A = arith.constant 16 : i32
    %mul3A_0 = arith.muli %arg0, %mul3A : i32
    %add3A = arith.addi %mul3A_0, %arg1 : i32
    %dma_start3A = arith.constant 0 : i32
    %dma_start3A_1 = arith.constant 0 : i32
    %dma_start3A_2 = arith.constant 0 : i32
    %dma_start3A_3 = tpu.memref_slice %arg3[%add3A, %dma_start3A, %dma_start3A_1, %dma_start3A_2] : memref<32x80x2x128xi32, #tpu.memory_space<hbm>> -> memref<1x1x2x128xi32, #tpu.memory_space<hbm>>
    %dma_start3A_4 = tpu.memref_squeeze %dma_start3A_3 : memref<1x1x2x128xi32, #tpu.memory_space<hbm>> -> memref<2x128xi32, #tpu.memory_space<hbm>>
    %dma_start3A_5 = arith.constant 0 : i32
    %dma_start3A_6 = arith.constant 0 : i32
    %dma_start3A_7 = tpu.memref_slice %arg3[%add3A, %dma_start3A, %dma_start3A_5, %dma_start3A_6] : memref<32x80x2x128xi32, #tpu.memory_space<hbm>> -> memref<1x1x2x128xi32, #tpu.memory_space<hbm>>
    %dma_start3A_8 = tpu.memref_squeeze %dma_start3A_7 : memref<1x1x2x128xi32, #tpu.memory_space<hbm>> -> memref<2x128xi32, #tpu.memory_space<hbm>>
    tpu.enqueue_dma source(%dma_start3A_8 : memref<2x128xi32, #tpu.memory_space<hbm>>) target(%arg5 : memref<2x128xi32, #tpu.memory_space<vmem>>) target_semaphore(%arg13 : memref<!tpu.dma_semaphore, #tpu.memory_space<semaphore_mem>>)
    %dma_start3A_9 = arith.constant 1 : i32
    %dma_start3A_10 = arith.constant 0 : i32
    %dma_start3A_11 = arith.constant 0 : i32
    %dma_start3A_12 = tpu.memref_slice %arg3[%add3A, %dma_start3A_9, %dma_start3A_10, %dma_start3A_11] : memref<32x80x2x128xi32, #tpu.memory_space<hbm>> -> memref<1x1x2x128xi32, #tpu.memory_space<hbm>>
    %dma_start3A_13 = tpu.memref_squeeze %dma_start3A_12 : memref<1x1x2x128xi32, #tpu.memory_space<hbm>> -> memref<2x128xi32, #tpu.memory_space<hbm>>
    %dma_start3A_14 = arith.constant 0 : i32
    %dma_start3A_15 = arith.constant 0 : i32
    %dma_start3A_16 = tpu.memref_slice %arg3[%add3A, %dma_start3A_9, %dma_start3A_14, %dma_start3A_15] : memref<32x80x2x128xi32, #tpu.memory_space<hbm>> -> memref<1x1x2x128xi32, #tpu.memory_space<hbm>>
    %dma_start3A_17 = tpu.memref_squeeze %dma_start3A_16 : memref<1x1x2x128xi32, #tpu.memory_space<hbm>> -> memref<2x128xi32, #tpu.memory_space<hbm>>
    tpu.enqueue_dma source(%dma_start3A_17 : memref<2x128xi32, #tpu.memory_space<hbm>>) target(%arg6 : memref<2x128xi32, #tpu.memory_space<vmem>>) target_semaphore(%arg14 : memref<!tpu.dma_semaphore, #tpu.memory_space<semaphore_mem>>)
    %broadcast_in_dim3A = arith.constant 0.000000e+00 : f32
    %broadcast_in_dim3A_18 = vector.broadcast %broadcast_in_dim3A : f32 to vector<16xf32>
    %scan3A = arith.constant 0 : i32
    %scan3A_19 = arith.constant 0 : i32
    %scan3A_20 = arith.constant 32 : i32
    %scan3A_21 = arith.addi %scan3A_19, %scan3A_20 : i32
    %scan3A_22 = arith.constant 1 : i32
    %scan3A_23 = scf.for %scan3A_121 = %scan3A_19 to %scan3A_21 step %scan3A_22 iter_args(%scan3A_122 = %scan3A) -> (i32)  : i32 {
      %swap3A = arith.index_cast %scan3A_121 : i32 to index
      %swap3A_123 = arith.constant 0 : index
      %swap3A_124 = tpu.vector_load %arg9[%swap3A, %swap3A_123] {strides = array<i32>} : memref<32x128xf32, #tpu.memory_space<vmem>>, vector<1x16xf32>,
      %swap3A_125 = vector.shape_cast %swap3A_124 : vector<1x16xf32> to vector<16xf32>
      %swap3A_126 = vector.shape_cast %broadcast_in_dim3A_18 : vector<16xf32> to vector<1x16xf32>
      tpu.vector_store %arg9[%swap3A, %swap3A_123], %swap3A_126 {strides = array<i32>} : memref<32x128xf32, #tpu.memory_space<vmem>>, vector<1x16xf32>,
      %swap3A_127 = arith.index_cast %scan3A_121 : i32 to index
      %swap3A_128 = arith.constant 16 : index
      %swap3A_129 = tpu.vector_load %arg9[%swap3A_127, %swap3A_128] {strides = array<i32>} : memref<32x128xf32, #tpu.memory_space<vmem>>, vector<1x16xf32>,
      %swap3A_130 = vector.shape_cast %swap3A_129 : vector<1x16xf32> to vector<16xf32>
      %swap3A_131 = vector.shape_cast %broadcast_in_dim3A_18 : vector<16xf32> to vector<1x16xf32>
      tpu.vector_store %arg9[%swap3A_127, %swap3A_128], %swap3A_131 {strides = array<i32>} : memref<32x128xf32, #tpu.memory_space<vmem>>, vector<1x16xf32>,
      %swap3A_132 = arith.index_cast %scan3A_121 : i32 to index
      %swap3A_133 = arith.constant 32 : index
      %swap3A_134 = tpu.vector_load %arg9[%swap3A_132, %swap3A_133] {strides = array<i32>} : memref<32x128xf32, #tpu.memory_space<vmem>>, vector<1x16xf32>,
      %swap3A_135 = vector.shape_cast %swap3A_134 : vector<1x16xf32> to vector<16xf32>
      %swap3A_136 = vector.shape_cast %broadcast_in_dim3A_18 : vector<16xf32> to vector<1x16xf32>
      tpu.vector_store %arg9[%swap3A_132, %swap3A_133], %swap3A_136 {strides = array<i32>} : memref<32x128xf32, #tpu.memory_space<vmem>>, vector<1x16xf32>,
      %swap3A_137 = arith.index_cast %scan3A_121 : i32 to index
      %swap3A_138 = arith.constant 48 : index
      %swap3A_139 = tpu.vector_load %arg9[%swap3A_137, %swap3A_138] {strides = array<i32>} : memref<32x128xf32, #tpu.memory_space<vmem>>, vector<1x16xf32>,
      %swap3A_140 = vector.shape_cast %swap3A_139 : vector<1x16xf32> to vector<16xf32>
      %swap3A_141 = vector.shape_cast %broadcast_in_dim3A_18 : vector<16xf32> to vector<1x16xf32>
      tpu.vector_store %arg9[%swap3A_137, %swap3A_138], %swap3A_141 {strides = array<i32>} : memref<32x128xf32, #tpu.memory_space<vmem>>, vector<1x16xf32>,
      %swap3A_142 = arith.index_cast %scan3A_121 : i32 to index
      %swap3A_143 = arith.constant 64 : index
      %swap3A_144 = tpu.vector_load %arg9[%swap3A_142, %swap3A_143] {strides = array<i32>} : memref<32x128xf32, #tpu.memory_space<vmem>>, vector<1x16xf32>,
      %swap3A_145 = vector.shape_cast %swap3A_144 : vector<1x16xf32> to vector<16xf32>
      %swap3A_146 = vector.shape_cast %broadcast_in_dim3A_18 : vector<16xf32> to vector<1x16xf32>
      tpu.vector_store %arg9[%swap3A_142, %swap3A_143], %swap3A_146 {strides = array<i32>} : memref<32x128xf32, #tpu.memory_space<vmem>>, vector<1x16xf32>,
      %swap3A_147 = arith.index_cast %scan3A_121 : i32 to index
      %swap3A_148 = arith.constant 80 : index
      %swap3A_149 = tpu.vector_load %arg9[%swap3A_147, %swap3A_148] {strides = array<i32>} : memref<32x128xf32, #tpu.memory_space<vmem>>, vector<1x16xf32>,
      %swap3A_150 = vector.shape_cast %swap3A_149 : vector<1x16xf32> to vector<16xf32>
      %swap3A_151 = vector.shape_cast %broadcast_in_dim3A_18 : vector<16xf32> to vector<1x16xf32>
      tpu.vector_store %arg9[%swap3A_147, %swap3A_148], %swap3A_151 {strides = array<i32>} : memref<32x128xf32, #tpu.memory_space<vmem>>, vector<1x16xf32>,
      %swap3A_152 = arith.index_cast %scan3A_121 : i32 to index
      %swap3A_153 = arith.constant 96 : index
      %swap3A_154 = tpu.vector_load %arg9[%swap3A_152, %swap3A_153] {strides = array<i32>} : memref<32x128xf32, #tpu.memory_space<vmem>>, vector<1x16xf32>,
      %swap3A_155 = vector.shape_cast %swap3A_154 : vector<1x16xf32> to vector<16xf32>
      %swap3A_156 = vector.shape_cast %broadcast_in_dim3A_18 : vector<16xf32> to vector<1x16xf32>
      tpu.vector_store %arg9[%swap3A_152, %swap3A_153], %swap3A_156 {strides = array<i32>} : memref<32x128xf32, #tpu.memory_space<vmem>>, vector<1x16xf32>,
      %swap3A_157 = arith.index_cast %scan3A_121 : i32 to index
      %swap3A_158 = arith.constant 112 : index
      %swap3A_159 = tpu.vector_load %arg9[%swap3A_157, %swap3A_158] {strides = array<i32>} : memref<32x128xf32, #tpu.memory_space<vmem>>, vector<1x16xf32>,
      %swap3A_160 = vector.shape_cast %swap3A_159 : vector<1x16xf32> to vector<16xf32>
      %swap3A_161 = vector.shape_cast %broadcast_in_dim3A_18 : vector<16xf32> to vector<1x16xf32>
      tpu.vector_store %arg9[%swap3A_157, %swap3A_158], %swap3A_161 {strides = array<i32>} : memref<32x128xf32, #tpu.memory_space<vmem>>, vector<1x16xf32>,
      %scan3A_162 = arith.constant 0 : i32
      scf.yield %scan3A_162 : i32
    }
    %scan3A_24 = arith.constant 32 : i32
    %mul3A_25 = arith.constant 640 : i32
    %mul3A_26 = arith.muli %arg1, %mul3A_25 : i32
    %add3A_27 = arith.constant 0 : i32
    %add3A_28 = arith.addi %mul3A_26, %add3A_27 : i32
    "tpu.region"() ({
      %run_scoped3A_121 = tpu.sem_alloc : memref<!tpu.dma_semaphore, #tpu.memory_space<semaphore_mem>>
      %dma_start3A_122 = arith.constant 0 : i32
      %dma_start3A_123 = tpu.memref_slice %arg10[%add3A_28, %dma_start3A_122] : memref<10240x128xf32, #tpu.memory_space<vmem_shared>> -> memref<32x128xf32, #tpu.memory_space<vmem_shared>>
      %dma_start3A_124 = arith.constant 0 : i32
      %dma_start3A_125 = tpu.memref_slice %arg10[%add3A_28, %dma_start3A_124] : memref<10240x128xf32, #tpu.memory_space<vmem_shared>> -> memref<32x128xf32, #tpu.memory_space<vmem_shared>>
      tpu.enqueue_dma source(%arg9 : memref<32x128xf32, #tpu.memory_space<vmem>>) target(%dma_start3A_125 : memref<32x128xf32, #tpu.memory_space<vmem_shared>>) target_semaphore(%run_scoped3A_121 : memref<!tpu.dma_semaphore, #tpu.memory_space<semaphore_mem>>)
      %dma_wait3A_126 = arith.constant 0 : i32
      %dma_wait3A_127 = tpu.memref_slice %arg10[%add3A_28, %dma_wait3A_126] : memref<10240x128xf32, #tpu.memory_space<vmem_shared>> -> memref<32x128xf32, #tpu.memory_space<vmem_shared>>
      %dma_wait3A_128 = arith.constant 0 : i32
      %dma_wait3A_129 = tpu.memref_slice %arg10[%add3A_28, %dma_wait3A_128] : memref<10240x128xf32, #tpu.memory_space<vmem_shared>> -> memref<32x128xf32, #tpu.memory_space<vmem_shared>>
      tpu.wait_dma2 semaphore(%run_scoped3A_121 : memref<!tpu.dma_semaphore, #tpu.memory_space<semaphore_mem>>) src(%arg9 : memref<32x128xf32, #tpu.memory_space<vmem>>) dst(%dma_wait3A_129 : memref<32x128xf32, #tpu.memory_space<vmem_shared>>)
      tpu.yield
    }) : () -> ()
    %add3A_29 = arith.constant 32 : i32
    %add3A_30 = arith.addi %mul3A_26, %add3A_29 : i32
    "tpu.region"() ({
      %run_scoped3A_121 = tpu.sem_alloc : memref<!tpu.dma_semaphore, #tpu.memory_space<semaphore_mem>>
      %dma_start3A_122 = arith.constant 0 : i32
      %dma_start3A_123 = tpu.memref_slice %arg10[%add3A_30, %dma_start3A_122] : memref<10240x128xf32, #tpu.memory_space<vmem_shared>> -> memref<32x128xf32, #tpu.memory_space<vmem_shared>>
      %dma_start3A_124 = arith.constant 0 : i32
      %dma_start3A_125 = tpu.memref_slice %arg10[%add3A_30, %dma_start3A_124] : memref<10240x128xf32, #tpu.memory_space<vmem_shared>> -> memref<32x128xf32, #tpu.memory_space<vmem_shared>>
      tpu.enqueue_dma source(%arg9 : memref<32x128xf32, #tpu.memory_space<vmem>>) target(%dma_start3A_125 : memref<32x128xf32, #tpu.memory_space<vmem_shared>>) target_semaphore(%run_scoped3A_121 : memref<!tpu.dma_semaphore, #tpu.memory_space<semaphore_mem>>)
      %dma_wait3A_126 = arith.constant 0 : i32
      %dma_wait3A_127 = tpu.memref_slice %arg10[%add3A_30, %dma_wait3A_126] : memref<10240x128xf32, #tpu.memory_space<vmem_shared>> -> memref<32x128xf32, #tpu.memory_space<vmem_shared>>
      %dma_wait3A_128 = arith.constant 0 : i32
      %dma_wait3A_129 = tpu.memref_slice %arg10[%add3A_30, %dma_wait3A_128] : memref<10240x128xf32, #tpu.memory_space<vmem_shared>> -> memref<32x128xf32, #tpu.memory_space<vmem_shared>>
      tpu.wait_dma2 semaphore(%run_scoped3A_121 : memref<!tpu.dma_semaphore, #tpu.memory_space<semaphore_mem>>) src(%arg9 : memref<32x128xf32, #tpu.memory_space<vmem>>) dst(%dma_wait3A_129 : memref<32x128xf32, #tpu.memory_space<vmem_shared>>)
      tpu.yield
    }) : () -> ()
    %add3A_31 = arith.constant 64 : i32
    %add3A_32 = arith.addi %mul3A_26, %add3A_31 : i32
    "tpu.region"() ({
      %run_scoped3A_121 = tpu.sem_alloc : memref<!tpu.dma_semaphore, #tpu.memory_space<semaphore_mem>>
      %dma_start3A_122 = arith.constant 0 : i32
      %dma_start3A_123 = tpu.memref_slice %arg10[%add3A_32, %dma_start3A_122] : memref<10240x128xf32, #tpu.memory_space<vmem_shared>> -> memref<32x128xf32, #tpu.memory_space<vmem_shared>>
      %dma_start3A_124 = arith.constant 0 : i32
      %dma_start3A_125 = tpu.memref_slice %arg10[%add3A_32, %dma_start3A_124] : memref<10240x128xf32, #tpu.memory_space<vmem_shared>> -> memref<32x128xf32, #tpu.memory_space<vmem_shared>>
      tpu.enqueue_dma source(%arg9 : memref<32x128xf32, #tpu.memory_space<vmem>>) target(%dma_start3A_125 : memref<32x128xf32, #tpu.memory_space<vmem_shared>>) target_semaphore(%run_scoped3A_121 : memref<!tpu.dma_semaphore, #tpu.memory_space<semaphore_mem>>)
      %dma_wait3A_126 = arith.constant 0 : i32
      %dma_wait3A_127 = tpu.memref_slice %arg10[%add3A_32, %dma_wait3A_126] : memref<10240x128xf32, #tpu.memory_space<vmem_shared>> -> memref<32x128xf32, #tpu.memory_space<vmem_shared>>
      %dma_wait3A_128 = arith.constant 0 : i32
      %dma_wait3A_129 = tpu.memref_slice %arg10[%add3A_32, %dma_wait3A_128] : memref<10240x128xf32, #tpu.memory_space<vmem_shared>> -> memref<32x128xf32, #tpu.memory_space<vmem_shared>>
      tpu.wait_dma2 semaphore(%run_scoped3A_121 : memref<!tpu.dma_semaphore, #tpu.memory_space<semaphore_mem>>) src(%arg9 : memref<32x128xf32, #tpu.memory_space<vmem>>) dst(%dma_wait3A_129 : memref<32x128xf32, #tpu.memory_space<vmem_shared>>)
      tpu.yield
    }) : () -> ()
    %add3A_33 = arith.constant 96 : i32
    %add3A_34 = arith.addi %mul3A_26, %add3A_33 : i32
    "tpu.region"() ({
      %run_scoped3A_121 = tpu.sem_alloc : memref<!tpu.dma_semaphore, #tpu.memory_space<semaphore_mem>>
      %dma_start3A_122 = arith.constant 0 : i32
      %dma_start3A_123 = tpu.memref_slice %arg10[%add3A_34, %dma_start3A_122] : memref<10240x128xf32, #tpu.memory_space<vmem_shared>> -> memref<32x128xf32, #tpu.memory_space<vmem_shared>>
      %dma_start3A_124 = arith.constant 0 : i32
      %dma_start3A_125 = tpu.memref_slice %arg10[%add3A_34, %dma_start3A_124] : memref<10240x128xf32, #tpu.memory_space<vmem_shared>> -> memref<32x128xf32, #tpu.memory_space<vmem_shared>>
      tpu.enqueue_dma source(%arg9 : memref<32x128xf32, #tpu.memory_space<vmem>>) target(%dma_start3A_125 : memref<32x128xf32, #tpu.memory_space<vmem_shared>>) target_semaphore(%run_scoped3A_121 : memref<!tpu.dma_semaphore, #tpu.memory_space<semaphore_mem>>)
      %dma_wait3A_126 = arith.constant 0 : i32
      %dma_wait3A_127 = tpu.memref_slice %arg10[%add3A_34, %dma_wait3A_126] : memref<10240x128xf32, #tpu.memory_space<vmem_shared>> -> memref<32x128xf32, #tpu.memory_space<vmem_shared>>
      %dma_wait3A_128 = arith.constant 0 : i32
      %dma_wait3A_129 = tpu.memref_slice %arg10[%add3A_34, %dma_wait3A_128] : memref<10240x128xf32, #tpu.memory_space<vmem_shared>> -> memref<32x128xf32, #tpu.memory_space<vmem_shared>>
      tpu.wait_dma2 semaphore(%run_scoped3A_121 : memref<!tpu.dma_semaphore, #tpu.memory_space<semaphore_mem>>) src(%arg9 : memref<32x128xf32, #tpu.memory_space<vmem>>) dst(%dma_wait3A_129 : memref<32x128xf32, #tpu.memory_space<vmem_shared>>)
      tpu.yield
    }) : () -> ()
    %add3A_35 = arith.constant 128 : i32
    %add3A_36 = arith.addi %mul3A_26, %add3A_35 : i32
    "tpu.region"() ({
      %run_scoped3A_121 = tpu.sem_alloc : memref<!tpu.dma_semaphore, #tpu.memory_space<semaphore_mem>>
      %dma_start3A_122 = arith.constant 0 : i32
      %dma_start3A_123 = tpu.memref_slice %arg10[%add3A_36, %dma_start3A_122] : memref<10240x128xf32, #tpu.memory_space<vmem_shared>> -> memref<32x128xf32, #tpu.memory_space<vmem_shared>>
      %dma_start3A_124 = arith.constant 0 : i32
      %dma_start3A_125 = tpu.memref_slice %arg10[%add3A_36, %dma_start3A_124] : memref<10240x128xf32, #tpu.memory_space<vmem_shared>> -> memref<32x128xf32, #tpu.memory_space<vmem_shared>>
      tpu.enqueue_dma source(%arg9 : memref<32x128xf32, #tpu.memory_space<vmem>>) target(%dma_start3A_125 : memref<32x128xf32, #tpu.memory_space<vmem_shared>>) target_semaphore(%run_scoped3A_121 : memref<!tpu.dma_semaphore, #tpu.memory_space<semaphore_mem>>)
      %dma_wait3A_126 = arith.constant 0 : i32
      %dma_wait3A_127 = tpu.memref_slice %arg10[%add3A_36, %dma_wait3A_126] : memref<10240x128xf32, #tpu.memory_space<vmem_shared>> -> memref<32x128xf32, #tpu.memory_space<vmem_shared>>
      %dma_wait3A_128 = arith.constant 0 : i32
      %dma_wait3A_129 = tpu.memref_slice %arg10[%add3A_36, %dma_wait3A_128] : memref<10240x128xf32, #tpu.memory_space<vmem_shared>> -> memref<32x128xf32, #tpu.memory_space<vmem_shared>>
      tpu.wait_dma2 semaphore(%run_scoped3A_121 : memref<!tpu.dma_semaphore, #tpu.memory_space<semaphore_mem>>) src(%arg9 : memref<32x128xf32, #tpu.memory_space<vmem>>) dst(%dma_wait3A_129 : memref<32x128xf32, #tpu.memory_space<vmem_shared>>)
      tpu.yield
    }) : () -> ()
    %add3A_37 = arith.constant 160 : i32
    %add3A_38 = arith.addi %mul3A_26, %add3A_37 : i32
    "tpu.region"() ({
      %run_scoped3A_121 = tpu.sem_alloc : memref<!tpu.dma_semaphore, #tpu.memory_space<semaphore_mem>>
      %dma_start3A_122 = arith.constant 0 : i32
      %dma_start3A_123 = tpu.memref_slice %arg10[%add3A_38, %dma_start3A_122] : memref<10240x128xf32, #tpu.memory_space<vmem_shared>> -> memref<32x128xf32, #tpu.memory_space<vmem_shared>>
      %dma_start3A_124 = arith.constant 0 : i32
      %dma_start3A_125 = tpu.memref_slice %arg10[%add3A_38, %dma_start3A_124] : memref<10240x128xf32, #tpu.memory_space<vmem_shared>> -> memref<32x128xf32, #tpu.memory_space<vmem_shared>>
      tpu.enqueue_dma source(%arg9 : memref<32x128xf32, #tpu.memory_space<vmem>>) target(%dma_start3A_125 : memref<32x128xf32, #tpu.memory_space<vmem_shared>>) target_semaphore(%run_scoped3A_121 : memref<!tpu.dma_semaphore, #tpu.memory_space<semaphore_mem>>)
      %dma_wait3A_126 = arith.constant 0 : i32
      %dma_wait3A_127 = tpu.memref_slice %arg10[%add3A_38, %dma_wait3A_126] : memref<10240x128xf32, #tpu.memory_space<vmem_shared>> -> memref<32x128xf32, #tpu.memory_space<vmem_shared>>
      %dma_wait3A_128 = arith.constant 0 : i32
      %dma_wait3A_129 = tpu.memref_slice %arg10[%add3A_38, %dma_wait3A_128] : memref<10240x128xf32, #tpu.memory_space<vmem_shared>> -> memref<32x128xf32, #tpu.memory_space<vmem_shared>>
      tpu.wait_dma2 semaphore(%run_scoped3A_121 : memref<!tpu.dma_semaphore, #tpu.memory_space<semaphore_mem>>) src(%arg9 : memref<32x128xf32, #tpu.memory_space<vmem>>) dst(%dma_wait3A_129 : memref<32x128xf32, #tpu.memory_space<vmem_shared>>)
      tpu.yield
    }) : () -> ()
    %add3A_39 = arith.constant 192 : i32
    %add3A_40 = arith.addi %mul3A_26, %add3A_39 : i32
    "tpu.region"() ({
      %run_scoped3A_121 = tpu.sem_alloc : memref<!tpu.dma_semaphore, #tpu.memory_space<semaphore_mem>>
      %dma_start3A_122 = arith.constant 0 : i32
      %dma_start3A_123 = tpu.memref_slice %arg10[%add3A_40, %dma_start3A_122] : memref<10240x128xf32, #tpu.memory_space<vmem_shared>> -> memref<32x128xf32, #tpu.memory_space<vmem_shared>>
      %dma_start3A_124 = arith.constant 0 : i32
      %dma_start3A_125 = tpu.memref_slice %arg10[%add3A_40, %dma_start3A_124] : memref<10240x128xf32, #tpu.memory_space<vmem_shared>> -> memref<32x128xf32, #tpu.memory_space<vmem_shared>>
      tpu.enqueue_dma source(%arg9 : memref<32x128xf32, #tpu.memory_space<vmem>>) target(%dma_start3A_125 : memref<32x128xf32, #tpu.memory_space<vmem_shared>>) target_semaphore(%run_scoped3A_121 : memref<!tpu.dma_semaphore, #tpu.memory_space<semaphore_mem>>)
      %dma_wait3A_126 = arith.constant 0 : i32
      %dma_wait3A_127 = tpu.memref_slice %arg10[%add3A_40, %dma_wait3A_126] : memref<10240x128xf32, #tpu.memory_space<vmem_shared>> -> memref<32x128xf32, #tpu.memory_space<vmem_shared>>
      %dma_wait3A_128 = arith.constant 0 : i32
      %dma_wait3A_129 = tpu.memref_slice %arg10[%add3A_40, %dma_wait3A_128] : memref<10240x128xf32, #tpu.memory_space<vmem_shared>> -> memref<32x128xf32, #tpu.memory_space<vmem_shared>>
      tpu.wait_dma2 semaphore(%run_scoped3A_121 : memref<!tpu.dma_semaphore, #tpu.memory_space<semaphore_mem>>) src(%arg9 : memref<32x128xf32, #tpu.memory_space<vmem>>) dst(%dma_wait3A_129 : memref<32x128xf32, #tpu.memory_space<vmem_shared>>)
      tpu.yield
    }) : () -> ()
    %add3A_41 = arith.constant 224 : i32
    %add3A_42 = arith.addi %mul3A_26, %add3A_41 : i32
    "tpu.region"() ({
      %run_scoped3A_121 = tpu.sem_alloc : memref<!tpu.dma_semaphore, #tpu.memory_space<semaphore_mem>>
      %dma_start3A_122 = arith.constant 0 : i32
      %dma_start3A_123 = tpu.memref_slice %arg10[%add3A_42, %dma_start3A_122] : memref<10240x128xf32, #tpu.memory_space<vmem_shared>> -> memref<32x128xf32, #tpu.memory_space<vmem_shared>>
      %dma_start3A_124 = arith.constant 0 : i32
      %dma_start3A_125 = tpu.memref_slice %arg10[%add3A_42, %dma_start3A_124] : memref<10240x128xf32, #tpu.memory_space<vmem_shared>> -> memref<32x128xf32, #tpu.memory_space<vmem_shared>>
      tpu.enqueue_dma source(%arg9 : memref<32x128xf32, #tpu.memory_space<vmem>>) target(%dma_start3A_125 : memref<32x128xf32, #tpu.memory_space<vmem_shared>>) target_semaphore(%run_scoped3A_121 : memref<!tpu.dma_semaphore, #tpu.memory_space<semaphore_mem>>)
      %dma_wait3A_126 = arith.constant 0 : i32
      %dma_wait3A_127 = tpu.memref_slice %arg10[%add3A_42, %dma_wait3A_126] : memref<10240x128xf32, #tpu.memory_space<vmem_shared>> -> memref<32x128xf32, #tpu.memory_space<vmem_shared>>
      %dma_wait3A_128 = arith.constant 0 : i32
      %dma_wait3A_129 = tpu.memref_slice %arg10[%add3A_42, %dma_wait3A_128] : memref<10240x128xf32, #tpu.memory_space<vmem_shared>> -> memref<32x128xf32, #tpu.memory_space<vmem_shared>>
      tpu.wait_dma2 semaphore(%run_scoped3A_121 : memref<!tpu.dma_semaphore, #tpu.memory_space<semaphore_mem>>) src(%arg9 : memref<32x128xf32, #tpu.memory_space<vmem>>) dst(%dma_wait3A_129 : memref<32x128xf32, #tpu.memory_space<vmem_shared>>)
      tpu.yield
    }) : () -> ()
    %add3A_43 = arith.constant 256 : i32
    %add3A_44 = arith.addi %mul3A_26, %add3A_43 : i32
    "tpu.region"() ({
      %run_scoped3A_121 = tpu.sem_alloc : memref<!tpu.dma_semaphore, #tpu.memory_space<semaphore_mem>>
      %dma_start3A_122 = arith.constant 0 : i32
      %dma_start3A_123 = tpu.memref_slice %arg10[%add3A_44, %dma_start3A_122] : memref<10240x128xf32, #tpu.memory_space<vmem_shared>> -> memref<32x128xf32, #tpu.memory_space<vmem_shared>>
      %dma_start3A_124 = arith.constant 0 : i32
      %dma_start3A_125 = tpu.memref_slice %arg10[%add3A_44, %dma_start3A_124] : memref<10240x128xf32, #tpu.memory_space<vmem_shared>> -> memref<32x128xf32, #tpu.memory_space<vmem_shared>>
      tpu.enqueue_dma source(%arg9 : memref<32x128xf32, #tpu.memory_space<vmem>>) target(%dma_start3A_125 : memref<32x128xf32, #tpu.memory_space<vmem_shared>>) target_semaphore(%run_scoped3A_121 : memref<!tpu.dma_semaphore, #tpu.memory_space<semaphore_mem>>)
      %dma_wait3A_126 = arith.constant 0 : i32
      %dma_wait3A_127 = tpu.memref_slice %arg10[%add3A_44, %dma_wait3A_126] : memref<10240x128xf32, #tpu.memory_space<vmem_shared>> -> memref<32x128xf32, #tpu.memory_space<vmem_shared>>
      %dma_wait3A_128 = arith.constant 0 : i32
      %dma_wait3A_129 = tpu.memref_slice %arg10[%add3A_44, %dma_wait3A_128] : memref<10240x128xf32, #tpu.memory_space<vmem_shared>> -> memref<32x128xf32, #tpu.memory_space<vmem_shared>>
      tpu.wait_dma2 semaphore(%run_scoped3A_121 : memref<!tpu.dma_semaphore, #tpu.memory_space<semaphore_mem>>) src(%arg9 : memref<32x128xf32, #tpu.memory_space<vmem>>) dst(%dma_wait3A_129 : memref<32x128xf32, #tpu.memory_space<vmem_shared>>)
      tpu.yield
    }) : () -> ()
    %add3A_45 = arith.constant 288 : i32
    %add3A_46 = arith.addi %mul3A_26, %add3A_45 : i32
    "tpu.region"() ({
      %run_scoped3A_121 = tpu.sem_alloc : memref<!tpu.dma_semaphore, #tpu.memory_space<semaphore_mem>>
      %dma_start3A_122 = arith.constant 0 : i32
      %dma_start3A_123 = tpu.memref_slice %arg10[%add3A_46, %dma_start3A_122] : memref<10240x128xf32, #tpu.memory_space<vmem_shared>> -> memref<32x128xf32, #tpu.memory_space<vmem_shared>>
      %dma_start3A_124 = arith.constant 0 : i32
      %dma_start3A_125 = tpu.memref_slice %arg10[%add3A_46, %dma_start3A_124] : memref<10240x128xf32, #tpu.memory_space<vmem_shared>> -> memref<32x128xf32, #tpu.memory_space<vmem_shared>>
      tpu.enqueue_dma source(%arg9 : memref<32x128xf32, #tpu.memory_space<vmem>>) target(%dma_start3A_125 : memref<32x128xf32, #tpu.memory_space<vmem_shared>>) target_semaphore(%run_scoped3A_121 : memref<!tpu.dma_semaphore, #tpu.memory_space<semaphore_mem>>)
      %dma_wait3A_126 = arith.constant 0 : i32
      %dma_wait3A_127 = tpu.memref_slice %arg10[%add3A_46, %dma_wait3A_126] : memref<10240x128xf32, #tpu.memory_space<vmem_shared>> -> memref<32x128xf32, #tpu.memory_space<vmem_shared>>
      %dma_wait3A_128 = arith.constant 0 : i32
      %dma_wait3A_129 = tpu.memref_slice %arg10[%add3A_46, %dma_wait3A_128] : memref<10240x128xf32, #tpu.memory_space<vmem_shared>> -> memref<32x128xf32, #tpu.memory_space<vmem_shared>>
      tpu.wait_dma2 semaphore(%run_scoped3A_121 : memref<!tpu.dma_semaphore, #tpu.memory_space<semaphore_mem>>) src(%arg9 : memref<32x128xf32, #tpu.memory_space<vmem>>) dst(%dma_wait3A_129 : memref<32x128xf32, #tpu.memory_space<vmem_shared>>)
      tpu.yield
    }) : () -> ()
    %add3A_47 = arith.constant 320 : i32
    %add3A_48 = arith.addi %mul3A_26, %add3A_47 : i32
    "tpu.region"() ({
      %run_scoped3A_121 = tpu.sem_alloc : memref<!tpu.dma_semaphore, #tpu.memory_space<semaphore_mem>>
      %dma_start3A_122 = arith.constant 0 : i32
      %dma_start3A_123 = tpu.memref_slice %arg10[%add3A_48, %dma_start3A_122] : memref<10240x128xf32, #tpu.memory_space<vmem_shared>> -> memref<32x128xf32, #tpu.memory_space<vmem_shared>>
      %dma_start3A_124 = arith.constant 0 : i32
      %dma_start3A_125 = tpu.memref_slice %arg10[%add3A_48, %dma_start3A_124] : memref<10240x128xf32, #tpu.memory_space<vmem_shared>> -> memref<32x128xf32, #tpu.memory_space<vmem_shared>>
      tpu.enqueue_dma source(%arg9 : memref<32x128xf32, #tpu.memory_space<vmem>>) target(%dma_start3A_125 : memref<32x128xf32, #tpu.memory_space<vmem_shared>>) target_semaphore(%run_scoped3A_121 : memref<!tpu.dma_semaphore, #tpu.memory_space<semaphore_mem>>)
      %dma_wait3A_126 = arith.constant 0 : i32
      %dma_wait3A_127 = tpu.memref_slice %arg10[%add3A_48, %dma_wait3A_126] : memref<10240x128xf32, #tpu.memory_space<vmem_shared>> -> memref<32x128xf32, #tpu.memory_space<vmem_shared>>
      %dma_wait3A_128 = arith.constant 0 : i32
      %dma_wait3A_129 = tpu.memref_slice %arg10[%add3A_48, %dma_wait3A_128] : memref<10240x128xf32, #tpu.memory_space<vmem_shared>> -> memref<32x128xf32, #tpu.memory_space<vmem_shared>>
      tpu.wait_dma2 semaphore(%run_scoped3A_121 : memref<!tpu.dma_semaphore, #tpu.memory_space<semaphore_mem>>) src(%arg9 : memref<32x128xf32, #tpu.memory_space<vmem>>) dst(%dma_wait3A_129 : memref<32x128xf32, #tpu.memory_space<vmem_shared>>)
      tpu.yield
    }) : () -> ()
    %add3A_49 = arith.constant 352 : i32
    %add3A_50 = arith.addi %mul3A_26, %add3A_49 : i32
    "tpu.region"() ({
      %run_scoped3A_121 = tpu.sem_alloc : memref<!tpu.dma_semaphore, #tpu.memory_space<semaphore_mem>>
      %dma_start3A_122 = arith.constant 0 : i32
      %dma_start3A_123 = tpu.memref_slice %arg10[%add3A_50, %dma_start3A_122] : memref<10240x128xf32, #tpu.memory_space<vmem_shared>> -> memref<32x128xf32, #tpu.memory_space<vmem_shared>>
      %dma_start3A_124 = arith.constant 0 : i32
      %dma_start3A_125 = tpu.memref_slice %arg10[%add3A_50, %dma_start3A_124] : memref<10240x128xf32, #tpu.memory_space<vmem_shared>> -> memref<32x128xf32, #tpu.memory_space<vmem_shared>>
      tpu.enqueue_dma source(%arg9 : memref<32x128xf32, #tpu.memory_space<vmem>>) target(%dma_start3A_125 : memref<32x128xf32, #tpu.memory_space<vmem_shared>>) target_semaphore(%run_scoped3A_121 : memref<!tpu.dma_semaphore, #tpu.memory_space<semaphore_mem>>)
      %dma_wait3A_126 = arith.constant 0 : i32
      %dma_wait3A_127 = tpu.memref_slice %arg10[%add3A_50, %dma_wait3A_126] : memref<10240x128xf32, #tpu.memory_space<vmem_shared>> -> memref<32x128xf32, #tpu.memory_space<vmem_shared>>
      %dma_wait3A_128 = arith.constant 0 : i32
      %dma_wait3A_129 = tpu.memref_slice %arg10[%add3A_50, %dma_wait3A_128] : memref<10240x128xf32, #tpu.memory_space<vmem_shared>> -> memref<32x128xf32, #tpu.memory_space<vmem_shared>>
      tpu.wait_dma2 semaphore(%run_scoped3A_121 : memref<!tpu.dma_semaphore, #tpu.memory_space<semaphore_mem>>) src(%arg9 : memref<32x128xf32, #tpu.memory_space<vmem>>) dst(%dma_wait3A_129 : memref<32x128xf32, #tpu.memory_space<vmem_shared>>)
      tpu.yield
    }) : () -> ()
    %add3A_51 = arith.constant 384 : i32
    %add3A_52 = arith.addi %mul3A_26, %add3A_51 : i32
    "tpu.region"() ({
      %run_scoped3A_121 = tpu.sem_alloc : memref<!tpu.dma_semaphore, #tpu.memory_space<semaphore_mem>>
      %dma_start3A_122 = arith.constant 0 : i32
      %dma_start3A_123 = tpu.memref_slice %arg10[%add3A_52, %dma_start3A_122] : memref<10240x128xf32, #tpu.memory_space<vmem_shared>> -> memref<32x128xf32, #tpu.memory_space<vmem_shared>>
      %dma_start3A_124 = arith.constant 0 : i32
      %dma_start3A_125 = tpu.memref_slice %arg10[%add3A_52, %dma_start3A_124] : memref<10240x128xf32, #tpu.memory_space<vmem_shared>> -> memref<32x128xf32, #tpu.memory_space<vmem_shared>>
      tpu.enqueue_dma source(%arg9 : memref<32x128xf32, #tpu.memory_space<vmem>>) target(%dma_start3A_125 : memref<32x128xf32, #tpu.memory_space<vmem_shared>>) target_semaphore(%run_scoped3A_121 : memref<!tpu.dma_semaphore, #tpu.memory_space<semaphore_mem>>)
      %dma_wait3A_126 = arith.constant 0 : i32
      %dma_wait3A_127 = tpu.memref_slice %arg10[%add3A_52, %dma_wait3A_126] : memref<10240x128xf32, #tpu.memory_space<vmem_shared>> -> memref<32x128xf32, #tpu.memory_space<vmem_shared>>
      %dma_wait3A_128 = arith.constant 0 : i32
      %dma_wait3A_129 = tpu.memref_slice %arg10[%add3A_52, %dma_wait3A_128] : memref<10240x128xf32, #tpu.memory_space<vmem_shared>> -> memref<32x128xf32, #tpu.memory_space<vmem_shared>>
      tpu.wait_dma2 semaphore(%run_scoped3A_121 : memref<!tpu.dma_semaphore, #tpu.memory_space<semaphore_mem>>) src(%arg9 : memref<32x128xf32, #tpu.memory_space<vmem>>) dst(%dma_wait3A_129 : memref<32x128xf32, #tpu.memory_space<vmem_shared>>)
      tpu.yield
    }) : () -> ()
    %add3A_53 = arith.constant 416 : i32
    %add3A_54 = arith.addi %mul3A_26, %add3A_53 : i32
    "tpu.region"() ({
      %run_scoped3A_121 = tpu.sem_alloc : memref<!tpu.dma_semaphore, #tpu.memory_space<semaphore_mem>>
      %dma_start3A_122 = arith.constant 0 : i32
      %dma_start3A_123 = tpu.memref_slice %arg10[%add3A_54, %dma_start3A_122] : memref<10240x128xf32, #tpu.memory_space<vmem_shared>> -> memref<32x128xf32, #tpu.memory_space<vmem_shared>>
      %dma_start3A_124 = arith.constant 0 : i32
      %dma_start3A_125 = tpu.memref_slice %arg10[%add3A_54, %dma_start3A_124] : memref<10240x128xf32, #tpu.memory_space<vmem_shared>> -> memref<32x128xf32, #tpu.memory_space<vmem_shared>>
      tpu.enqueue_dma source(%arg9 : memref<32x128xf32, #tpu.memory_space<vmem>>) target(%dma_start3A_125 : memref<32x128xf32, #tpu.memory_space<vmem_shared>>) target_semaphore(%run_scoped3A_121 : memref<!tpu.dma_semaphore, #tpu.memory_space<semaphore_mem>>)
      %dma_wait3A_126 = arith.constant 0 : i32
      %dma_wait3A_127 = tpu.memref_slice %arg10[%add3A_54, %dma_wait3A_126] : memref<10240x128xf32, #tpu.memory_space<vmem_shared>> -> memref<32x128xf32, #tpu.memory_space<vmem_shared>>
      %dma_wait3A_128 = arith.constant 0 : i32
      %dma_wait3A_129 = tpu.memref_slice %arg10[%add3A_54, %dma_wait3A_128] : memref<10240x128xf32, #tpu.memory_space<vmem_shared>> -> memref<32x128xf32, #tpu.memory_space<vmem_shared>>
      tpu.wait_dma2 semaphore(%run_scoped3A_121 : memref<!tpu.dma_semaphore, #tpu.memory_space<semaphore_mem>>) src(%arg9 : memref<32x128xf32, #tpu.memory_space<vmem>>) dst(%dma_wait3A_129 : memref<32x128xf32, #tpu.memory_space<vmem_shared>>)
      tpu.yield
    }) : () -> ()
    %add3A_55 = arith.constant 448 : i32
    %add3A_56 = arith.addi %mul3A_26, %add3A_55 : i32
    "tpu.region"() ({
      %run_scoped3A_121 = tpu.sem_alloc : memref<!tpu.dma_semaphore, #tpu.memory_space<semaphore_mem>>
      %dma_start3A_122 = arith.constant 0 : i32
      %dma_start3A_123 = tpu.memref_slice %arg10[%add3A_56, %dma_start3A_122] : memref<10240x128xf32, #tpu.memory_space<vmem_shared>> -> memref<32x128xf32, #tpu.memory_space<vmem_shared>>
      %dma_start3A_124 = arith.constant 0 : i32
      %dma_start3A_125 = tpu.memref_slice %arg10[%add3A_56, %dma_start3A_124] : memref<10240x128xf32, #tpu.memory_space<vmem_shared>> -> memref<32x128xf32, #tpu.memory_space<vmem_shared>>
      tpu.enqueue_dma source(%arg9 : memref<32x128xf32, #tpu.memory_space<vmem>>) target(%dma_start3A_125 : memref<32x128xf32, #tpu.memory_space<vmem_shared>>) target_semaphore(%run_scoped3A_121 : memref<!tpu.dma_semaphore, #tpu.memory_space<semaphore_mem>>)
      %dma_wait3A_126 = arith.constant 0 : i32
      %dma_wait3A_127 = tpu.memref_slice %arg10[%add3A_56, %dma_wait3A_126] : memref<10240x128xf32, #tpu.memory_space<vmem_shared>> -> memref<32x128xf32, #tpu.memory_space<vmem_shared>>
      %dma_wait3A_128 = arith.constant 0 : i32
      %dma_wait3A_129 = tpu.memref_slice %arg10[%add3A_56, %dma_wait3A_128] : memref<10240x128xf32, #tpu.memory_space<vmem_shared>> -> memref<32x128xf32, #tpu.memory_space<vmem_shared>>
      tpu.wait_dma2 semaphore(%run_scoped3A_121 : memref<!tpu.dma_semaphore, #tpu.memory_space<semaphore_mem>>) src(%arg9 : memref<32x128xf32, #tpu.memory_space<vmem>>) dst(%dma_wait3A_129 : memref<32x128xf32, #tpu.memory_space<vmem_shared>>)
      tpu.yield
    }) : () -> ()
    %add3A_57 = arith.constant 480 : i32
    %add3A_58 = arith.addi %mul3A_26, %add3A_57 : i32
    "tpu.region"() ({
      %run_scoped3A_121 = tpu.sem_alloc : memref<!tpu.dma_semaphore, #tpu.memory_space<semaphore_mem>>
      %dma_start3A_122 = arith.constant 0 : i32
      %dma_start3A_123 = tpu.memref_slice %arg10[%add3A_58, %dma_start3A_122] : memref<10240x128xf32, #tpu.memory_space<vmem_shared>> -> memref<32x128xf32, #tpu.memory_space<vmem_shared>>
      %dma_start3A_124 = arith.constant 0 : i32
      %dma_start3A_125 = tpu.memref_slice %arg10[%add3A_58, %dma_start3A_124] : memref<10240x128xf32, #tpu.memory_space<vmem_shared>> -> memref<32x128xf32, #tpu.memory_space<vmem_shared>>
      tpu.enqueue_dma source(%arg9 : memref<32x128xf32, #tpu.memory_space<vmem>>) target(%dma_start3A_125 : memref<32x128xf32, #tpu.memory_space<vmem_shared>>) target_semaphore(%run_scoped3A_121 : memref<!tpu.dma_semaphore, #tpu.memory_space<semaphore_mem>>)
      %dma_wait3A_126 = arith.constant 0 : i32
      %dma_wait3A_127 = tpu.memref_slice %arg10[%add3A_58, %dma_wait3A_126] : memref<10240x128xf32, #tpu.memory_space<vmem_shared>> -> memref<32x128xf32, #tpu.memory_space<vmem_shared>>
      %dma_wait3A_128 = arith.constant 0 : i32
      %dma_wait3A_129 = tpu.memref_slice %arg10[%add3A_58, %dma_wait3A_128] : memref<10240x128xf32, #tpu.memory_space<vmem_shared>> -> memref<32x128xf32, #tpu.memory_space<vmem_shared>>
      tpu.wait_dma2 semaphore(%run_scoped3A_121 : memref<!tpu.dma_semaphore, #tpu.memory_space<semaphore_mem>>) src(%arg9 : memref<32x128xf32, #tpu.memory_space<vmem>>) dst(%dma_wait3A_129 : memref<32x128xf32, #tpu.memory_space<vmem_shared>>)
      tpu.yield
    }) : () -> ()
    %add3A_59 = arith.constant 512 : i32
    %add3A_60 = arith.addi %mul3A_26, %add3A_59 : i32
    "tpu.region"() ({
      %run_scoped3A_121 = tpu.sem_alloc : memref<!tpu.dma_semaphore, #tpu.memory_space<semaphore_mem>>
      %dma_start3A_122 = arith.constant 0 : i32
      %dma_start3A_123 = tpu.memref_slice %arg10[%add3A_60, %dma_start3A_122] : memref<10240x128xf32, #tpu.memory_space<vmem_shared>> -> memref<32x128xf32, #tpu.memory_space<vmem_shared>>
      %dma_start3A_124 = arith.constant 0 : i32
      %dma_start3A_125 = tpu.memref_slice %arg10[%add3A_60, %dma_start3A_124] : memref<10240x128xf32, #tpu.memory_space<vmem_shared>> -> memref<32x128xf32, #tpu.memory_space<vmem_shared>>
      tpu.enqueue_dma source(%arg9 : memref<32x128xf32, #tpu.memory_space<vmem>>) target(%dma_start3A_125 : memref<32x128xf32, #tpu.memory_space<vmem_shared>>) target_semaphore(%run_scoped3A_121 : memref<!tpu.dma_semaphore, #tpu.memory_space<semaphore_mem>>)
      %dma_wait3A_126 = arith.constant 0 : i32
      %dma_wait3A_127 = tpu.memref_slice %arg10[%add3A_60, %dma_wait3A_126] : memref<10240x128xf32, #tpu.memory_space<vmem_shared>> -> memref<32x128xf32, #tpu.memory_space<vmem_shared>>
      %dma_wait3A_128 = arith.constant 0 : i32
      %dma_wait3A_129 = tpu.memref_slice %arg10[%add3A_60, %dma_wait3A_128] : memref<10240x128xf32, #tpu.memory_space<vmem_shared>> -> memref<32x128xf32, #tpu.memory_space<vmem_shared>>
      tpu.wait_dma2 semaphore(%run_scoped3A_121 : memref<!tpu.dma_semaphore, #tpu.memory_space<semaphore_mem>>) src(%arg9 : memref<32x128xf32, #tpu.memory_space<vmem>>) dst(%dma_wait3A_129 : memref<32x128xf32, #tpu.memory_space<vmem_shared>>)
      tpu.yield
    }) : () -> ()
    %add3A_61 = arith.constant 544 : i32
    %add3A_62 = arith.addi %mul3A_26, %add3A_61 : i32
    "tpu.region"() ({
      %run_scoped3A_121 = tpu.sem_alloc : memref<!tpu.dma_semaphore, #tpu.memory_space<semaphore_mem>>
      %dma_start3A_122 = arith.constant 0 : i32
      %dma_start3A_123 = tpu.memref_slice %arg10[%add3A_62, %dma_start3A_122] : memref<10240x128xf32, #tpu.memory_space<vmem_shared>> -> memref<32x128xf32, #tpu.memory_space<vmem_shared>>
      %dma_start3A_124 = arith.constant 0 : i32
      %dma_start3A_125 = tpu.memref_slice %arg10[%add3A_62, %dma_start3A_124] : memref<10240x128xf32, #tpu.memory_space<vmem_shared>> -> memref<32x128xf32, #tpu.memory_space<vmem_shared>>
      tpu.enqueue_dma source(%arg9 : memref<32x128xf32, #tpu.memory_space<vmem>>) target(%dma_start3A_125 : memref<32x128xf32, #tpu.memory_space<vmem_shared>>) target_semaphore(%run_scoped3A_121 : memref<!tpu.dma_semaphore, #tpu.memory_space<semaphore_mem>>)
      %dma_wait3A_126 = arith.constant 0 : i32
      %dma_wait3A_127 = tpu.memref_slice %arg10[%add3A_62, %dma_wait3A_126] : memref<10240x128xf32, #tpu.memory_space<vmem_shared>> -> memref<32x128xf32, #tpu.memory_space<vmem_shared>>
      %dma_wait3A_128 = arith.constant 0 : i32
      %dma_wait3A_129 = tpu.memref_slice %arg10[%add3A_62, %dma_wait3A_128] : memref<10240x128xf32, #tpu.memory_space<vmem_shared>> -> memref<32x128xf32, #tpu.memory_space<vmem_shared>>
      tpu.wait_dma2 semaphore(%run_scoped3A_121 : memref<!tpu.dma_semaphore, #tpu.memory_space<semaphore_mem>>) src(%arg9 : memref<32x128xf32, #tpu.memory_space<vmem>>) dst(%dma_wait3A_129 : memref<32x128xf32, #tpu.memory_space<vmem_shared>>)
      tpu.yield
    }) : () -> ()
    %add3A_63 = arith.constant 576 : i32
    %add3A_64 = arith.addi %mul3A_26, %add3A_63 : i32
    "tpu.region"() ({
      %run_scoped3A_121 = tpu.sem_alloc : memref<!tpu.dma_semaphore, #tpu.memory_space<semaphore_mem>>
      %dma_start3A_122 = arith.constant 0 : i32
      %dma_start3A_123 = tpu.memref_slice %arg10[%add3A_64, %dma_start3A_122] : memref<10240x128xf32, #tpu.memory_space<vmem_shared>> -> memref<32x128xf32, #tpu.memory_space<vmem_shared>>
      %dma_start3A_124 = arith.constant 0 : i32
      %dma_start3A_125 = tpu.memref_slice %arg10[%add3A_64, %dma_start3A_124] : memref<10240x128xf32, #tpu.memory_space<vmem_shared>> -> memref<32x128xf32, #tpu.memory_space<vmem_shared>>
      tpu.enqueue_dma source(%arg9 : memref<32x128xf32, #tpu.memory_space<vmem>>) target(%dma_start3A_125 : memref<32x128xf32, #tpu.memory_space<vmem_shared>>) target_semaphore(%run_scoped3A_121 : memref<!tpu.dma_semaphore, #tpu.memory_space<semaphore_mem>>)
      %dma_wait3A_126 = arith.constant 0 : i32
      %dma_wait3A_127 = tpu.memref_slice %arg10[%add3A_64, %dma_wait3A_126] : memref<10240x128xf32, #tpu.memory_space<vmem_shared>> -> memref<32x128xf32, #tpu.memory_space<vmem_shared>>
      %dma_wait3A_128 = arith.constant 0 : i32
      %dma_wait3A_129 = tpu.memref_slice %arg10[%add3A_64, %dma_wait3A_128] : memref<10240x128xf32, #tpu.memory_space<vmem_shared>> -> memref<32x128xf32, #tpu.memory_space<vmem_shared>>
      tpu.wait_dma2 semaphore(%run_scoped3A_121 : memref<!tpu.dma_semaphore, #tpu.memory_space<semaphore_mem>>) src(%arg9 : memref<32x128xf32, #tpu.memory_space<vmem>>) dst(%dma_wait3A_129 : memref<32x128xf32, #tpu.memory_space<vmem_shared>>)
      tpu.yield
    }) : () -> ()
    %add3A_65 = arith.constant 608 : i32
    %add3A_66 = arith.addi %mul3A_26, %add3A_65 : i32
    "tpu.region"() ({
      %run_scoped3A_121 = tpu.sem_alloc : memref<!tpu.dma_semaphore, #tpu.memory_space<semaphore_mem>>
      %dma_start3A_122 = arith.constant 0 : i32
      %dma_start3A_123 = tpu.memref_slice %arg10[%add3A_66, %dma_start3A_122] : memref<10240x128xf32, #tpu.memory_space<vmem_shared>> -> memref<32x128xf32, #tpu.memory_space<vmem_shared>>
      %dma_start3A_124 = arith.constant 0 : i32
      %dma_start3A_125 = tpu.memref_slice %arg10[%add3A_66, %dma_start3A_124] : memref<10240x128xf32, #tpu.memory_space<vmem_shared>> -> memref<32x128xf32, #tpu.memory_space<vmem_shared>>
      tpu.enqueue_dma source(%arg9 : memref<32x128xf32, #tpu.memory_space<vmem>>) target(%dma_start3A_125 : memref<32x128xf32, #tpu.memory_space<vmem_shared>>) target_semaphore(%run_scoped3A_121 : memref<!tpu.dma_semaphore, #tpu.memory_space<semaphore_mem>>)
      %dma_wait3A_126 = arith.constant 0 : i32
      %dma_wait3A_127 = tpu.memref_slice %arg10[%add3A_66, %dma_wait3A_126] : memref<10240x128xf32, #tpu.memory_space<vmem_shared>> -> memref<32x128xf32, #tpu.memory_space<vmem_shared>>
      %dma_wait3A_128 = arith.constant 0 : i32
      %dma_wait3A_129 = tpu.memref_slice %arg10[%add3A_66, %dma_wait3A_128] : memref<10240x128xf32, #tpu.memory_space<vmem_shared>> -> memref<32x128xf32, #tpu.memory_space<vmem_shared>>
      tpu.wait_dma2 semaphore(%run_scoped3A_121 : memref<!tpu.dma_semaphore, #tpu.memory_space<semaphore_mem>>) src(%arg9 : memref<32x128xf32, #tpu.memory_space<vmem>>) dst(%dma_wait3A_129 : memref<32x128xf32, #tpu.memory_space<vmem_shared>>)
      tpu.yield
    }) : () -> ()
    %dma_wait3A = arith.constant 0 : i32
    %dma_wait3A_67 = arith.constant 0 : i32
    %dma_wait3A_68 = arith.constant 0 : i32
    %dma_wait3A_69 = tpu.memref_slice %arg3[%add3A, %dma_wait3A, %dma_wait3A_67, %dma_wait3A_68] : memref<32x80x2x128xi32, #tpu.memory_space<hbm>> -> memref<1x1x2x128xi32, #tpu.memory_space<hbm>>
    %dma_wait3A_70 = tpu.memref_squeeze %dma_wait3A_69 : memref<1x1x2x128xi32, #tpu.memory_space<hbm>> -> memref<2x128xi32, #tpu.memory_space<hbm>>
    %dma_wait3A_71 = arith.constant 0 : i32
    %dma_wait3A_72 = arith.constant 0 : i32
    %dma_wait3A_73 = tpu.memref_slice %arg3[%add3A, %dma_wait3A, %dma_wait3A_71, %dma_wait3A_72] : memref<32x80x2x128xi32, #tpu.memory_space<hbm>> -> memref<1x1x2x128xi32, #tpu.memory_space<hbm>>
    %dma_wait3A_74 = tpu.memref_squeeze %dma_wait3A_73 : memref<1x1x2x128xi32, #tpu.memory_space<hbm>> -> memref<2x128xi32, #tpu.memory_space<hbm>>
    tpu.wait_dma2 semaphore(%arg13 : memref<!tpu.dma_semaphore, #tpu.memory_space<semaphore_mem>>) src(%dma_wait3A_74 : memref<2x128xi32, #tpu.memory_space<hbm>>) dst(%arg5 : memref<2x128xi32, #tpu.memory_space<vmem>>)
    %dma_start3A_75 = arith.constant 0 : i32
    %dma_start3A_76 = arith.constant 0 : i32
    %dma_start3A_77 = tpu.memref_slice %arg5[%dma_start3A_75, %dma_start3A_76] : memref<2x128xi32, #tpu.memory_space<vmem>> -> memref<1x128xi32, #tpu.memory_space<vmem>>
    %dma_start3A_78 = tpu.memref_squeeze %dma_start3A_77 : memref<1x128xi32, #tpu.memory_space<vmem>> -> memref<128xi32, #tpu.memory_space<vmem>>
    %dma_start3A_79 = arith.constant 0 : i32
    %dma_start3A_80 = arith.constant 0 : i32
    %dma_start3A_81 = tpu.memref_slice %arg2[%dma_start3A_79, %dma_start3A_80] : memref<10000x128xf32, #tpu.memory_space<hbm>> -> memref<10000x128xf32, #tpu.memory_space<hbm>>
    tpu.enqueue_indirect_dma source(%dma_start3A_81 : memref<10000x128xf32, #tpu.memory_space<hbm>>) target(%arg7 : memref<128x128xf32, #tpu.memory_space<vmem>>) offsets(%dma_start3A_78 : memref<128xi32, #tpu.memory_space<vmem>>) semaphore(%arg11 : memref<!tpu.dma_semaphore, #tpu.memory_space<semaphore_mem>>)
    %barrier3A = arith.constant 0 : index
    tpu.barrier barrier_id(%barrier3A)
    %scan3A_82 = arith.constant 0 : i32
    %scan3A_83 = arith.constant 0 : i32
    %scan3A_84 = arith.constant 39 : i32
    %scan3A_85 = arith.addi %scan3A_83, %scan3A_84 : i32
    %scan3A_86 = arith.constant 1 : i32
    %scan3A_87 = scf.for %scan3A_121 = %scan3A_83 to %scan3A_85 step %scan3A_86 iter_args(%scan3A_122 = %scan3A_82) -> (i32)  : i32 {
      %mul3A_123 = arith.constant 2 : i32
      %mul3A_124 = arith.muli %mul3A_123, %scan3A_121 : i32
      %add3A_125 = arith.constant 0 : i32
      %add3A_126 = arith.addi %mul3A_124, %add3A_125 : i32
      %add3A_127 = arith.constant 1 : i32
      %add3A_128 = arith.addi %add3A_126, %add3A_127 : i32
      %dma_wait3A_129 = arith.constant 0 : i32
      %dma_wait3A_130 = arith.constant 0 : i32
      %dma_wait3A_131 = tpu.memref_slice %arg3[%add3A, %add3A_128, %dma_wait3A_129, %dma_wait3A_130] : memref<32x80x2x128xi32, #tpu.memory_space<hbm>> -> memref<1x1x2x128xi32, #tpu.memory_space<hbm>>
      %dma_wait3A_132 = tpu.memref_squeeze %dma_wait3A_131 : memref<1x1x2x128xi32, #tpu.memory_space<hbm>> -> memref<2x128xi32, #tpu.memory_space<hbm>>
      %dma_wait3A_133 = arith.constant 0 : i32
      %dma_wait3A_134 = arith.constant 0 : i32
      %dma_wait3A_135 = tpu.memref_slice %arg3[%add3A, %add3A_128, %dma_wait3A_133, %dma_wait3A_134] : memref<32x80x2x128xi32, #tpu.memory_space<hbm>> -> memref<1x1x2x128xi32, #tpu.memory_space<hbm>>
      %dma_wait3A_136 = tpu.memref_squeeze %dma_wait3A_135 : memref<1x1x2x128xi32, #tpu.memory_space<hbm>> -> memref<2x128xi32, #tpu.memory_space<hbm>>
      tpu.wait_dma2 semaphore(%arg14 : memref<!tpu.dma_semaphore, #tpu.memory_space<semaphore_mem>>) src(%dma_wait3A_136 : memref<2x128xi32, #tpu.memory_space<hbm>>) dst(%arg6 : memref<2x128xi32, #tpu.memory_space<vmem>>)
      %dma_start3A_137 = arith.constant 0 : i32
      %dma_start3A_138 = arith.constant 0 : i32
      %dma_start3A_139 = tpu.memref_slice %arg6[%dma_start3A_137, %dma_start3A_138] : memref<2x128xi32, #tpu.memory_space<vmem>> -> memref<1x128xi32, #tpu.memory_space<vmem>>
      %dma_start3A_140 = tpu.memref_squeeze %dma_start3A_139 : memref<1x128xi32, #tpu.memory_space<vmem>> -> memref<128xi32, #tpu.memory_space<vmem>>
      %dma_start3A_141 = arith.constant 0 : i32
      %dma_start3A_142 = arith.constant 0 : i32
      %dma_start3A_143 = tpu.memref_slice %arg2[%dma_start3A_141, %dma_start3A_142] : memref<10000x128xf32, #tpu.memory_space<hbm>> -> memref<10000x128xf32, #tpu.memory_space<hbm>>
      tpu.enqueue_indirect_dma source(%dma_start3A_143 : memref<10000x128xf32, #tpu.memory_space<hbm>>) target(%arg8 : memref<128x128xf32, #tpu.memory_space<vmem>>) offsets(%dma_start3A_140 : memref<128xi32, #tpu.memory_space<vmem>>) semaphore(%arg12 : memref<!tpu.dma_semaphore, #tpu.memory_space<semaphore_mem>>)
      %dma_wait3A_144 = arith.constant 0 : i32
      %dma_wait3A_145 = arith.constant 0 : i32
      %dma_wait3A_146 = tpu.memref_slice %arg5[%dma_wait3A_144, %dma_wait3A_145] : memref<2x128xi32, #tpu.memory_space<vmem>> -> memref<1x128xi32, #tpu.memory_space<vmem>>
      %dma_wait3A_147 = tpu.memref_squeeze %dma_wait3A_146 : memref<1x128xi32, #tpu.memory_space<vmem>> -> memref<128xi32, #tpu.memory_space<vmem>>
      %dma_wait3A_148 = arith.constant 0 : i32
      %dma_wait3A_149 = arith.constant 0 : i32
      %dma_wait3A_150 = tpu.memref_slice %arg2[%dma_wait3A_148, %dma_wait3A_149] : memref<10000x128xf32, #tpu.memory_space<hbm>> -> memref<10000x128xf32, #tpu.memory_space<hbm>>
      tpu.wait_indirect_dma semaphore(%arg11 : memref<!tpu.dma_semaphore, #tpu.memory_space<semaphore_mem>>) src(%dma_wait3A_150 : memref<10000x128xf32, #tpu.memory_space<hbm>>) dst(%arg7 : memref<128x128xf32, #tpu.memory_space<vmem>>)
      %run_scoped3A_151 = arith.constant 1 : i32
      "tpu.region"() ({
        %run_scoped3A_202 = tpu.sem_alloc : memref<!tpu.dma_semaphore, #tpu.memory_space<semaphore_mem>>
        %dma_start3A_203 = arith.constant 0 : i32
        %dma_start3A_204 = tpu.memref_slice %arg5[%run_scoped3A_151, %dma_start3A_203] : memref<2x128xi32, #tpu.memory_space<vmem>> -> memref<1x128xi32, #tpu.memory_space<vmem>>
        %dma_start3A_205 = tpu.memref_squeeze %dma_start3A_204 : memref<1x128xi32, #tpu.memory_space<vmem>> -> memref<128xi32, #tpu.memory_space<vmem>>
        %dma_start3A_206 = arith.constant 0 : i32
        %dma_start3A_207 = arith.constant 0 : i32
        %dma_start3A_208 = tpu.memref_slice %arg10[%dma_start3A_206, %dma_start3A_207] : memref<10240x128xf32, #tpu.memory_space<vmem_shared>> -> memref<10240x128xf32, #tpu.memory_space<vmem_shared>>
        tpu.enqueue_indirect_dma source(%arg7 : memref<128x128xf32, #tpu.memory_space<vmem>>) target(%dma_start3A_208 : memref<10240x128xf32, #tpu.memory_space<vmem_shared>>) offsets(%dma_start3A_205 : memref<128xi32, #tpu.memory_space<vmem>>) semaphore(%run_scoped3A_202 : memref<!tpu.dma_semaphore, #tpu.memory_space<semaphore_mem>>) {add = true}
        %dma_wait3A_209 = arith.constant 0 : i32
        %dma_wait3A_210 = tpu.memref_slice %arg5[%run_scoped3A_151, %dma_wait3A_209] : memref<2x128xi32, #tpu.memory_space<vmem>> -> memref<1x128xi32, #tpu.memory_space<vmem>>
        %dma_wait3A_211 = tpu.memref_squeeze %dma_wait3A_210 : memref<1x128xi32, #tpu.memory_space<vmem>> -> memref<128xi32, #tpu.memory_space<vmem>>
        %dma_wait3A_212 = arith.constant 0 : i32
        %dma_wait3A_213 = arith.constant 0 : i32
        %dma_wait3A_214 = tpu.memref_slice %arg10[%dma_wait3A_212, %dma_wait3A_213] : memref<10240x128xf32, #tpu.memory_space<vmem_shared>> -> memref<10240x128xf32, #tpu.memory_space<vmem_shared>>
        tpu.wait_indirect_dma semaphore(%run_scoped3A_202 : memref<!tpu.dma_semaphore, #tpu.memory_space<semaphore_mem>>) src(%arg7 : memref<128x128xf32, #tpu.memory_space<vmem>>) dst(%dma_wait3A_214 : memref<10240x128xf32, #tpu.memory_space<vmem_shared>>)
        tpu.yield
      }) : () -> ()
      %add3A_152 = arith.constant 2 : i32
      %add3A_153 = arith.addi %add3A_126, %add3A_152 : i32
      %dma_start3A_154 = arith.constant 0 : i32
      %dma_start3A_155 = arith.constant 0 : i32
      %dma_start3A_156 = tpu.memref_slice %arg3[%add3A, %add3A_153, %dma_start3A_154, %dma_start3A_155] : memref<32x80x2x128xi32, #tpu.memory_space<hbm>> -> memref<1x1x2x128xi32, #tpu.memory_space<hbm>>
      %dma_start3A_157 = tpu.memref_squeeze %dma_start3A_156 : memref<1x1x2x128xi32, #tpu.memory_space<hbm>> -> memref<2x128xi32, #tpu.memory_space<hbm>>
      %dma_start3A_158 = arith.constant 0 : i32
      %dma_start3A_159 = arith.constant 0 : i32
      %dma_start3A_160 = tpu.memref_slice %arg3[%add3A, %add3A_153, %dma_start3A_158, %dma_start3A_159] : memref<32x80x2x128xi32, #tpu.memory_space<hbm>> -> memref<1x1x2x128xi32, #tpu.memory_space<hbm>>
      %dma_start3A_161 = tpu.memref_squeeze %dma_start3A_160 : memref<1x1x2x128xi32, #tpu.memory_space<hbm>> -> memref<2x128xi32, #tpu.memory_space<hbm>>
      tpu.enqueue_dma source(%dma_start3A_161 : memref<2x128xi32, #tpu.memory_space<hbm>>) target(%arg5 : memref<2x128xi32, #tpu.memory_space<vmem>>) target_semaphore(%arg13 : memref<!tpu.dma_semaphore, #tpu.memory_space<semaphore_mem>>)
      %mul3A_162 = arith.constant 2 : i32
      %mul3A_163 = arith.muli %mul3A_162, %scan3A_121 : i32
      %add3A_164 = arith.constant 1 : i32
      %add3A_165 = arith.addi %mul3A_163, %add3A_164 : i32
      %add3A_166 = arith.constant 1 : i32
      %add3A_167 = arith.addi %add3A_165, %add3A_166 : i32
      %dma_wait3A_168 = arith.constant 0 : i32
      %dma_wait3A_169 = arith.constant 0 : i32
      %dma_wait3A_170 = tpu.memref_slice %arg3[%add3A, %add3A_167, %dma_wait3A_168, %dma_wait3A_169] : memref<32x80x2x128xi32, #tpu.memory_space<hbm>> -> memref<1x1x2x128xi32, #tpu.memory_space<hbm>>
      %dma_wait3A_171 = tpu.memref_squeeze %dma_wait3A_170 : memref<1x1x2x128xi32, #tpu.memory_space<hbm>> -> memref<2x128xi32, #tpu.memory_space<hbm>>
      %dma_wait3A_172 = arith.constant 0 : i32
      %dma_wait3A_173 = arith.constant 0 : i32
      %dma_wait3A_174 = tpu.memref_slice %arg3[%add3A, %add3A_167, %dma_wait3A_172, %dma_wait3A_173] : memref<32x80x2x128xi32, #tpu.memory_space<hbm>> -> memref<1x1x2x128xi32, #tpu.memory_space<hbm>>
      %dma_wait3A_175 = tpu.memref_squeeze %dma_wait3A_174 : memref<1x1x2x128xi32, #tpu.memory_space<hbm>> -> memref<2x128xi32, #tpu.memory_space<hbm>>
      tpu.wait_dma2 semaphore(%arg13 : memref<!tpu.dma_semaphore, #tpu.memory_space<semaphore_mem>>) src(%dma_wait3A_175 : memref<2x128xi32, #tpu.memory_space<hbm>>) dst(%arg5 : memref<2x128xi32, #tpu.memory_space<vmem>>)
      %dma_start3A_176 = arith.constant 0 : i32
      %dma_start3A_177 = arith.constant 0 : i32
      %dma_start3A_178 = tpu.memref_slice %arg5[%dma_start3A_176, %dma_start3A_177] : memref<2x128xi32, #tpu.memory_space<vmem>> -> memref<1x128xi32, #tpu.memory_space<vmem>>
      %dma_start3A_179 = tpu.memref_squeeze %dma_start3A_178 : memref<1x128xi32, #tpu.memory_space<vmem>> -> memref<128xi32, #tpu.memory_space<vmem>>
      %dma_start3A_180 = arith.constant 0 : i32
      %dma_start3A_181 = arith.constant 0 : i32
      %dma_start3A_182 = tpu.memref_slice %arg2[%dma_start3A_180, %dma_start3A_181] : memref<10000x128xf32, #tpu.memory_space<hbm>> -> memref<10000x128xf32, #tpu.memory_space<hbm>>
      tpu.enqueue_indirect_dma source(%dma_start3A_182 : memref<10000x128xf32, #tpu.memory_space<hbm>>) target(%arg7 : memref<128x128xf32, #tpu.memory_space<vmem>>) offsets(%dma_start3A_179 : memref<128xi32, #tpu.memory_space<vmem>>) semaphore(%arg11 : memref<!tpu.dma_semaphore, #tpu.memory_space<semaphore_mem>>)
      %dma_wait3A_183 = arith.constant 0 : i32
      %dma_wait3A_184 = arith.constant 0 : i32
      %dma_wait3A_185 = tpu.memref_slice %arg6[%dma_wait3A_183, %dma_wait3A_184] : memref<2x128xi32, #tpu.memory_space<vmem>> -> memref<1x128xi32, #tpu.memory_space<vmem>>
      %dma_wait3A_186 = tpu.memref_squeeze %dma_wait3A_185 : memref<1x128xi32, #tpu.memory_space<vmem>> -> memref<128xi32, #tpu.memory_space<vmem>>
      %dma_wait3A_187 = arith.constant 0 : i32
      %dma_wait3A_188 = arith.constant 0 : i32
      %dma_wait3A_189 = tpu.memref_slice %arg2[%dma_wait3A_187, %dma_wait3A_188] : memref<10000x128xf32, #tpu.memory_space<hbm>> -> memref<10000x128xf32, #tpu.memory_space<hbm>>
      tpu.wait_indirect_dma semaphore(%arg12 : memref<!tpu.dma_semaphore, #tpu.memory_space<semaphore_mem>>) src(%dma_wait3A_189 : memref<10000x128xf32, #tpu.memory_space<hbm>>) dst(%arg8 : memref<128x128xf32, #tpu.memory_space<vmem>>)
      %run_scoped3A_190 = arith.constant 1 : i32
      "tpu.region"() ({
        %run_scoped3A_202 = tpu.sem_alloc : memref<!tpu.dma_semaphore, #tpu.memory_space<semaphore_mem>>
        %dma_start3A_203 = arith.constant 0 : i32
        %dma_start3A_204 = tpu.memref_slice %arg6[%run_scoped3A_190, %dma_start3A_203] : memref<2x128xi32, #tpu.memory_space<vmem>> -> memref<1x128xi32, #tpu.memory_space<vmem>>
        %dma_start3A_205 = tpu.memref_squeeze %dma_start3A_204 : memref<1x128xi32, #tpu.memory_space<vmem>> -> memref<128xi32, #tpu.memory_space<vmem>>
        %dma_start3A_206 = arith.constant 0 : i32
        %dma_start3A_207 = arith.constant 0 : i32
        %dma_start3A_208 = tpu.memref_slice %arg10[%dma_start3A_206, %dma_start3A_207] : memref<10240x128xf32, #tpu.memory_space<vmem_shared>> -> memref<10240x128xf32, #tpu.memory_space<vmem_shared>>
        tpu.enqueue_indirect_dma source(%arg8 : memref<128x128xf32, #tpu.memory_space<vmem>>) target(%dma_start3A_208 : memref<10240x128xf32, #tpu.memory_space<vmem_shared>>) offsets(%dma_start3A_205 : memref<128xi32, #tpu.memory_space<vmem>>) semaphore(%run_scoped3A_202 : memref<!tpu.dma_semaphore, #tpu.memory_space<semaphore_mem>>) {add = true}
        %dma_wait3A_209 = arith.constant 0 : i32
        %dma_wait3A_210 = tpu.memref_slice %arg6[%run_scoped3A_190, %dma_wait3A_209] : memref<2x128xi32, #tpu.memory_space<vmem>> -> memref<1x128xi32, #tpu.memory_space<vmem>>
        %dma_wait3A_211 = tpu.memref_squeeze %dma_wait3A_210 : memref<1x128xi32, #tpu.memory_space<vmem>> -> memref<128xi32, #tpu.memory_space<vmem>>
        %dma_wait3A_212 = arith.constant 0 : i32
        %dma_wait3A_213 = arith.constant 0 : i32
        %dma_wait3A_214 = tpu.memref_slice %arg10[%dma_wait3A_212, %dma_wait3A_213] : memref<10240x128xf32, #tpu.memory_space<vmem_shared>> -> memref<10240x128xf32, #tpu.memory_space<vmem_shared>>
        tpu.wait_indirect_dma semaphore(%run_scoped3A_202 : memref<!tpu.dma_semaphore, #tpu.memory_space<semaphore_mem>>) src(%arg8 : memref<128x128xf32, #tpu.memory_space<vmem>>) dst(%dma_wait3A_214 : memref<10240x128xf32, #tpu.memory_space<vmem_shared>>)
        tpu.yield
      }) : () -> ()
      %add3A_191 = arith.constant 2 : i32
      %add3A_192 = arith.addi %add3A_165, %add3A_191 : i32
      %dma_start3A_193 = arith.constant 0 : i32
      %dma_start3A_194 = arith.constant 0 : i32
      %dma_start3A_195 = tpu.memref_slice %arg3[%add3A, %add3A_192, %dma_start3A_193, %dma_start3A_194] : memref<32x80x2x128xi32, #tpu.memory_space<hbm>> -> memref<1x1x2x128xi32, #tpu.memory_space<hbm>>
      %dma_start3A_196 = tpu.memref_squeeze %dma_start3A_195 : memref<1x1x2x128xi32, #tpu.memory_space<hbm>> -> memref<2x128xi32, #tpu.memory_space<hbm>>
      %dma_start3A_197 = arith.constant 0 : i32
      %dma_start3A_198 = arith.constant 0 : i32
      %dma_start3A_199 = tpu.memref_slice %arg3[%add3A, %add3A_192, %dma_start3A_197, %dma_start3A_198] : memref<32x80x2x128xi32, #tpu.memory_space<hbm>> -> memref<1x1x2x128xi32, #tpu.memory_space<hbm>>
      %dma_start3A_200 = tpu.memref_squeeze %dma_start3A_199 : memref<1x1x2x128xi32, #tpu.memory_space<hbm>> -> memref<2x128xi32, #tpu.memory_space<hbm>>
      tpu.enqueue_dma source(%dma_start3A_200 : memref<2x128xi32, #tpu.memory_space<hbm>>) target(%arg6 : memref<2x128xi32, #tpu.memory_space<vmem>>) target_semaphore(%arg14 : memref<!tpu.dma_semaphore, #tpu.memory_space<semaphore_mem>>)
      %scan3A_201 = arith.constant 0 : i32
      scf.yield %scan3A_201 : i32
    }
    %scan3A_88 = arith.constant 39 : i32
    %dma_wait3A_89 = arith.constant 79 : i32
    %dma_wait3A_90 = arith.constant 0 : i32
    %dma_wait3A_91 = arith.constant 0 : i32
    %dma_wait3A_92 = tpu.memref_slice %arg3[%add3A, %dma_wait3A_89, %dma_wait3A_90, %dma_wait3A_91] : memref<32x80x2x128xi32, #tpu.memory_space<hbm>> -> memref<1x1x2x128xi32, #tpu.memory_space<hbm>>
    %dma_wait3A_93 = tpu.memref_squeeze %dma_wait3A_92 : memref<1x1x2x128xi32, #tpu.memory_space<hbm>> -> memref<2x128xi32, #tpu.memory_space<hbm>>
    %dma_wait3A_94 = arith.constant 0 : i32
    %dma_wait3A_95 = arith.constant 0 : i32
    %dma_wait3A_96 = tpu.memref_slice %arg3[%add3A, %dma_wait3A_89, %dma_wait3A_94, %dma_wait3A_95] : memref<32x80x2x128xi32, #tpu.memory_space<hbm>> -> memref<1x1x2x128xi32, #tpu.memory_space<hbm>>
    %dma_wait3A_97 = tpu.memref_squeeze %dma_wait3A_96 : memref<1x1x2x128xi32, #tpu.memory_space<hbm>> -> memref<2x128xi32, #tpu.memory_space<hbm>>
    tpu.wait_dma2 semaphore(%arg14 : memref<!tpu.dma_semaphore, #tpu.memory_space<semaphore_mem>>) src(%dma_wait3A_97 : memref<2x128xi32, #tpu.memory_space<hbm>>) dst(%arg6 : memref<2x128xi32, #tpu.memory_space<vmem>>)
    %dma_start3A_98 = arith.constant 0 : i32
    %dma_start3A_99 = arith.constant 0 : i32
    %dma_start3A_100 = tpu.memref_slice %arg6[%dma_start3A_98, %dma_start3A_99] : memref<2x128xi32, #tpu.memory_space<vmem>> -> memref<1x128xi32, #tpu.memory_space<vmem>>
    %dma_start3A_101 = tpu.memref_squeeze %dma_start3A_100 : memref<1x128xi32, #tpu.memory_space<vmem>> -> memref<128xi32, #tpu.memory_space<vmem>>
    %dma_start3A_102 = arith.constant 0 : i32
    %dma_start3A_103 = arith.constant 0 : i32
    %dma_start3A_104 = tpu.memref_slice %arg2[%dma_start3A_102, %dma_start3A_103] : memref<10000x128xf32, #tpu.memory_space<hbm>> -> memref<10000x128xf32, #tpu.memory_space<hbm>>
    tpu.enqueue_indirect_dma source(%dma_start3A_104 : memref<10000x128xf32, #tpu.memory_space<hbm>>) target(%arg8 : memref<128x128xf32, #tpu.memory_space<vmem>>) offsets(%dma_start3A_101 : memref<128xi32, #tpu.memory_space<vmem>>) semaphore(%arg12 : memref<!tpu.dma_semaphore, #tpu.memory_space<semaphore_mem>>)
    %dma_wait3A_105 = arith.constant 0 : i32
    %dma_wait3A_106 = arith.constant 0 : i32
    %dma_wait3A_107 = tpu.memref_slice %arg5[%dma_wait3A_105, %dma_wait3A_106] : memref<2x128xi32, #tpu.memory_space<vmem>> -> memref<1x128xi32, #tpu.memory_space<vmem>>
    %dma_wait3A_108 = tpu.memref_squeeze %dma_wait3A_107 : memref<1x128xi32, #tpu.memory_space<vmem>> -> memref<128xi32, #tpu.memory_space<vmem>>
    %dma_wait3A_109 = arith.constant 0 : i32
    %dma_wait3A_110 = arith.constant 0 : i32
    %dma_wait3A_111 = tpu.memref_slice %arg2[%dma_wait3A_109, %dma_wait3A_110] : memref<10000x128xf32, #tpu.memory_space<hbm>> -> memref<10000x128xf32, #tpu.memory_space<hbm>>
    tpu.wait_indirect_dma semaphore(%arg11 : memref<!tpu.dma_semaphore, #tpu.memory_space<semaphore_mem>>) src(%dma_wait3A_111 : memref<10000x128xf32, #tpu.memory_space<hbm>>) dst(%arg7 : memref<128x128xf32, #tpu.memory_space<vmem>>)
    %run_scoped3A = arith.constant 1 : i32
    "tpu.region"() ({
      %run_scoped3A_121 = tpu.sem_alloc : memref<!tpu.dma_semaphore, #tpu.memory_space<semaphore_mem>>
      %dma_start3A_122 = arith.constant 0 : i32
      %dma_start3A_123 = tpu.memref_slice %arg5[%run_scoped3A, %dma_start3A_122] : memref<2x128xi32, #tpu.memory_space<vmem>> -> memref<1x128xi32, #tpu.memory_space<vmem>>
      %dma_start3A_124 = tpu.memref_squeeze %dma_start3A_123 : memref<1x128xi32, #tpu.memory_space<vmem>> -> memref<128xi32, #tpu.memory_space<vmem>>
      %dma_start3A_125 = arith.constant 0 : i32
      %dma_start3A_126 = arith.constant 0 : i32
      %dma_start3A_127 = tpu.memref_slice %arg10[%dma_start3A_125, %dma_start3A_126] : memref<10240x128xf32, #tpu.memory_space<vmem_shared>> -> memref<10240x128xf32, #tpu.memory_space<vmem_shared>>
      tpu.enqueue_indirect_dma source(%arg7 : memref<128x128xf32, #tpu.memory_space<vmem>>) target(%dma_start3A_127 : memref<10240x128xf32, #tpu.memory_space<vmem_shared>>) offsets(%dma_start3A_124 : memref<128xi32, #tpu.memory_space<vmem>>) semaphore(%run_scoped3A_121 : memref<!tpu.dma_semaphore, #tpu.memory_space<semaphore_mem>>) {add = true}
      %dma_wait3A_128 = arith.constant 0 : i32
      %dma_wait3A_129 = tpu.memref_slice %arg5[%run_scoped3A, %dma_wait3A_128] : memref<2x128xi32, #tpu.memory_space<vmem>> -> memref<1x128xi32, #tpu.memory_space<vmem>>
      %dma_wait3A_130 = tpu.memref_squeeze %dma_wait3A_129 : memref<1x128xi32, #tpu.memory_space<vmem>> -> memref<128xi32, #tpu.memory_space<vmem>>
      %dma_wait3A_131 = arith.constant 0 : i32
      %dma_wait3A_132 = arith.constant 0 : i32
      %dma_wait3A_133 = tpu.memref_slice %arg10[%dma_wait3A_131, %dma_wait3A_132] : memref<10240x128xf32, #tpu.memory_space<vmem_shared>> -> memref<10240x128xf32, #tpu.memory_space<vmem_shared>>
      tpu.wait_indirect_dma semaphore(%run_scoped3A_121 : memref<!tpu.dma_semaphore, #tpu.memory_space<semaphore_mem>>) src(%arg7 : memref<128x128xf32, #tpu.memory_space<vmem>>) dst(%dma_wait3A_133 : memref<10240x128xf32, #tpu.memory_space<vmem_shared>>)
      tpu.yield
    }) : () -> ()
    %dma_wait3A_112 = arith.constant 0 : i32
    %dma_wait3A_113 = arith.constant 0 : i32
    %dma_wait3A_114 = tpu.memref_slice %arg6[%dma_wait3A_112, %dma_wait3A_113] : memref<2x128xi32, #tpu.memory_space<vmem>> -> memref<1x128xi32, #tpu.memory_space<vmem>>
    %dma_wait3A_115 = tpu.memref_squeeze %dma_wait3A_114 : memref<1x128xi32, #tpu.memory_space<vmem>> -> memref<128xi32, #tpu.memory_space<vmem>>
    %dma_wait3A_116 = arith.constant 0 : i32
    %dma_wait3A_117 = arith.constant 0 : i32
    %dma_wait3A_118 = tpu.memref_slice %arg2[%dma_wait3A_116, %dma_wait3A_117] : memref<10000x128xf32, #tpu.memory_space<hbm>> -> memref<10000x128xf32, #tpu.memory_space<hbm>>
    tpu.wait_indirect_dma semaphore(%arg12 : memref<!tpu.dma_semaphore, #tpu.memory_space<semaphore_mem>>) src(%dma_wait3A_118 : memref<10000x128xf32, #tpu.memory_space<hbm>>) dst(%arg8 : memref<128x128xf32, #tpu.memory_space<vmem>>)
    %run_scoped3A_119 = arith.constant 1 : i32
    "tpu.region"() ({
      %run_scoped3A_121 = tpu.sem_alloc : memref<!tpu.dma_semaphore, #tpu.memory_space<semaphore_mem>>
      %dma_start3A_122 = arith.constant 0 : i32
      %dma_start3A_123 = tpu.memref_slice %arg6[%run_scoped3A_119, %dma_start3A_122] : memref<2x128xi32, #tpu.memory_space<vmem>> -> memref<1x128xi32, #tpu.memory_space<vmem>>
      %dma_start3A_124 = tpu.memref_squeeze %dma_start3A_123 : memref<1x128xi32, #tpu.memory_space<vmem>> -> memref<128xi32, #tpu.memory_space<vmem>>
      %dma_start3A_125 = arith.constant 0 : i32
      %dma_start3A_126 = arith.constant 0 : i32
      %dma_start3A_127 = tpu.memref_slice %arg10[%dma_start3A_125, %dma_start3A_126] : memref<10240x128xf32, #tpu.memory_space<vmem_shared>> -> memref<10240x128xf32, #tpu.memory_space<vmem_shared>>
      tpu.enqueue_indirect_dma source(%arg8 : memref<128x128xf32, #tpu.memory_space<vmem>>) target(%dma_start3A_127 : memref<10240x128xf32, #tpu.memory_space<vmem_shared>>) offsets(%dma_start3A_124 : memref<128xi32, #tpu.memory_space<vmem>>) semaphore(%run_scoped3A_121 : memref<!tpu.dma_semaphore, #tpu.memory_space<semaphore_mem>>) {add = true}
      %dma_wait3A_128 = arith.constant 0 : i32
      %dma_wait3A_129 = tpu.memref_slice %arg6[%run_scoped3A_119, %dma_wait3A_128] : memref<2x128xi32, #tpu.memory_space<vmem>> -> memref<1x128xi32, #tpu.memory_space<vmem>>
      %dma_wait3A_130 = tpu.memref_squeeze %dma_wait3A_129 : memref<1x128xi32, #tpu.memory_space<vmem>> -> memref<128xi32, #tpu.memory_space<vmem>>
      %dma_wait3A_131 = arith.constant 0 : i32
      %dma_wait3A_132 = arith.constant 0 : i32
      %dma_wait3A_133 = tpu.memref_slice %arg10[%dma_wait3A_131, %dma_wait3A_132] : memref<10240x128xf32, #tpu.memory_space<vmem_shared>> -> memref<10240x128xf32, #tpu.memory_space<vmem_shared>>
      tpu.wait_indirect_dma semaphore(%run_scoped3A_121 : memref<!tpu.dma_semaphore, #tpu.memory_space<semaphore_mem>>) src(%arg8 : memref<128x128xf32, #tpu.memory_space<vmem>>) dst(%dma_wait3A_133 : memref<10240x128xf32, #tpu.memory_space<vmem_shared>>)
      tpu.yield
    }) : () -> ()
    %barrier3A_120 = arith.constant 0 : index
    tpu.barrier barrier_id(%barrier3A_120)
    "tpu.region"() ({
      %run_scoped3A_121 = tpu.sem_alloc : memref<!tpu.dma_semaphore, #tpu.memory_space<semaphore_mem>>
      %dma_start3A_122 = arith.constant 0 : i32
      %dma_start3A_123 = tpu.memref_slice %arg4[%arg0, %mul3A_26, %dma_start3A_122] : memref<2x10240x128xf32, #tpu.memory_space<hbm>> -> memref<1x640x128xf32, #tpu.memory_space<hbm>>
      %dma_start3A_124 = tpu.memref_squeeze %dma_start3A_123 : memref<1x640x128xf32, #tpu.memory_space<hbm>> -> memref<640x128xf32, #tpu.memory_space<hbm>>
      %dma_start3A_125 = arith.constant 0 : i32
      %dma_start3A_126 = tpu.memref_slice %arg10[%mul3A_26, %dma_start3A_125] : memref<10240x128xf32, #tpu.memory_space<vmem_shared>> -> memref<640x128xf32, #tpu.memory_space<vmem_shared>>
      tpu.enqueue_dma source(%dma_start3A_126 : memref<640x128xf32, #tpu.memory_space<vmem_shared>>) target(%dma_start3A_124 : memref<640x128xf32, #tpu.memory_space<hbm>>) target_semaphore(%run_scoped3A_121 : memref<!tpu.dma_semaphore, #tpu.memory_space<semaphore_mem>>)
      %dma_wait3A_127 = arith.constant 0 : i32
      %dma_wait3A_128 = tpu.memref_slice %arg4[%arg0, %mul3A_26, %dma_wait3A_127] : memref<2x10240x128xf32, #tpu.memory_space<hbm>> -> memref<1x640x128xf32, #tpu.memory_space<hbm>>
      %dma_wait3A_129 = tpu.memref_squeeze %dma_wait3A_128 : memref<1x640x128xf32, #tpu.memory_space<hbm>> -> memref<640x128xf32, #tpu.memory_space<hbm>>
      %dma_wait3A_130 = arith.constant 0 : i32
      %dma_wait3A_131 = tpu.memref_slice %arg10[%mul3A_26, %dma_wait3A_130] : memref<10240x128xf32, #tpu.memory_space<vmem_shared>> -> memref<640x128xf32, #tpu.memory_space<vmem_shared>>
      tpu.wait_dma2 semaphore(%run_scoped3A_121 : memref<!tpu.dma_semaphore, #tpu.memory_space<semaphore_mem>>) src(%dma_wait3A_131 : memref<640x128xf32, #tpu.memory_space<vmem_shared>>) dst(%dma_wait3A_129 : memref<640x128xf32, #tpu.memory_space<hbm>>)
      tpu.yield
    }) : () -> ()
    return
  }
}

#map = affine_map<(d0, d1) -> (0, 0, 0, 0)>
#map1 = affine_map<(d0, d1) -> (0, 0, 0)>
module attributes {stable_mosaic.version = 14 : i64} {
  func.func @_sc_degree(%arg0: i32, %arg1: i32, %arg2: memref<32x80x2x128xi32, #tpu.memory_space<hbm>>, %arg3: memref<2x10240x128xf32, #tpu.memory_space<hbm>>, %arg4: memref<2x128xi32, #tpu.memory_space<vmem>>, %arg5: memref<2x128xi32, #tpu.memory_space<vmem>>, %arg6: memref<128x128xf32, #tpu.memory_space<vmem>>, %arg7: memref<32x128xf32, #tpu.memory_space<vmem>>, %arg8: memref<10240x128xf32, #tpu.memory_space<vmem_shared>>, %arg9: memref<!tpu.dma_semaphore, #tpu.memory_space<semaphore_mem>>, %arg10: memref<!tpu.dma_semaphore, #tpu.memory_space<semaphore_mem>>) attributes {dimension_semantics = [#tpu.dimension_semantics<core_parallel>, #tpu.dimension_semantics<subcore_parallel>], iteration_bounds = array<i64: 2, 16>, scalar_prefetch = 0 : i64, scratch_operands = 7 : i64, tpu.core_type = #tpu.core_type<sc_vector_subcore>, window_params = [{transform_indices = #map}, {transform_indices = #map1}]} {
    %mul3A = arith.constant 16 : i32
    %mul3A_0 = arith.muli %arg0, %mul3A : i32
    %add3A = arith.addi %mul3A_0, %arg1 : i32
    %broadcast_in_dim3A = arith.constant 1.000000e+00 : f32
    %broadcast_in_dim3A_1 = vector.broadcast %broadcast_in_dim3A : f32 to vector<16xf32>
    %dma_start3A = arith.constant 0 : i32
    %dma_start3A_2 = arith.constant 0 : i32
    %dma_start3A_3 = arith.constant 0 : i32
    %dma_start3A_4 = tpu.memref_slice %arg2[%add3A, %dma_start3A, %dma_start3A_2, %dma_start3A_3] : memref<32x80x2x128xi32, #tpu.memory_space<hbm>> -> memref<1x1x2x128xi32, #tpu.memory_space<hbm>>
    %dma_start3A_5 = tpu.memref_squeeze %dma_start3A_4 : memref<1x1x2x128xi32, #tpu.memory_space<hbm>> -> memref<2x128xi32, #tpu.memory_space<hbm>>
    %dma_start3A_6 = arith.constant 0 : i32
    %dma_start3A_7 = arith.constant 0 : i32
    %dma_start3A_8 = tpu.memref_slice %arg2[%add3A, %dma_start3A, %dma_start3A_6, %dma_start3A_7] : memref<32x80x2x128xi32, #tpu.memory_space<hbm>> -> memref<1x1x2x128xi32, #tpu.memory_space<hbm>>
    %dma_start3A_9 = tpu.memref_squeeze %dma_start3A_8 : memref<1x1x2x128xi32, #tpu.memory_space<hbm>> -> memref<2x128xi32, #tpu.memory_space<hbm>>
    tpu.enqueue_dma source(%dma_start3A_9 : memref<2x128xi32, #tpu.memory_space<hbm>>) target(%arg4 : memref<2x128xi32, #tpu.memory_space<vmem>>) target_semaphore(%arg9 : memref<!tpu.dma_semaphore, #tpu.memory_space<semaphore_mem>>)
    %dma_start3A_10 = arith.constant 1 : i32
    %dma_start3A_11 = arith.constant 0 : i32
    %dma_start3A_12 = arith.constant 0 : i32
    %dma_start3A_13 = tpu.memref_slice %arg2[%add3A, %dma_start3A_10, %dma_start3A_11, %dma_start3A_12] : memref<32x80x2x128xi32, #tpu.memory_space<hbm>> -> memref<1x1x2x128xi32, #tpu.memory_space<hbm>>
    %dma_start3A_14 = tpu.memref_squeeze %dma_start3A_13 : memref<1x1x2x128xi32, #tpu.memory_space<hbm>> -> memref<2x128xi32, #tpu.memory_space<hbm>>
    %dma_start3A_15 = arith.constant 0 : i32
    %dma_start3A_16 = arith.constant 0 : i32
    %dma_start3A_17 = tpu.memref_slice %arg2[%add3A, %dma_start3A_10, %dma_start3A_15, %dma_start3A_16] : memref<32x80x2x128xi32, #tpu.memory_space<hbm>> -> memref<1x1x2x128xi32, #tpu.memory_space<hbm>>
    %dma_start3A_18 = tpu.memref_squeeze %dma_start3A_17 : memref<1x1x2x128xi32, #tpu.memory_space<hbm>> -> memref<2x128xi32, #tpu.memory_space<hbm>>
    tpu.enqueue_dma source(%dma_start3A_18 : memref<2x128xi32, #tpu.memory_space<hbm>>) target(%arg5 : memref<2x128xi32, #tpu.memory_space<vmem>>) target_semaphore(%arg10 : memref<!tpu.dma_semaphore, #tpu.memory_space<semaphore_mem>>)
    %scan3A = arith.constant 0 : i32
    %scan3A_19 = arith.constant 0 : i32
    %scan3A_20 = arith.constant 128 : i32
    %scan3A_21 = arith.addi %scan3A_19, %scan3A_20 : i32
    %scan3A_22 = arith.constant 1 : i32
    %scan3A_23 = scf.for %scan3A_102 = %scan3A_19 to %scan3A_21 step %scan3A_22 iter_args(%scan3A_103 = %scan3A) -> (i32)  : i32 {
      %swap3A = arith.index_cast %scan3A_102 : i32 to index
      %swap3A_104 = arith.constant 0 : index
      %swap3A_105 = tpu.vector_load %arg6[%swap3A, %swap3A_104] {strides = array<i32>} : memref<128x128xf32, #tpu.memory_space<vmem>>, vector<1x16xf32>,
      %swap3A_106 = vector.shape_cast %swap3A_105 : vector<1x16xf32> to vector<16xf32>
      %swap3A_107 = vector.shape_cast %broadcast_in_dim3A_1 : vector<16xf32> to vector<1x16xf32>
      tpu.vector_store %arg6[%swap3A, %swap3A_104], %swap3A_107 {strides = array<i32>} : memref<128x128xf32, #tpu.memory_space<vmem>>, vector<1x16xf32>,
      %swap3A_108 = arith.index_cast %scan3A_102 : i32 to index
      %swap3A_109 = arith.constant 16 : index
      %swap3A_110 = tpu.vector_load %arg6[%swap3A_108, %swap3A_109] {strides = array<i32>} : memref<128x128xf32, #tpu.memory_space<vmem>>, vector<1x16xf32>,
      %swap3A_111 = vector.shape_cast %swap3A_110 : vector<1x16xf32> to vector<16xf32>
      %swap3A_112 = vector.shape_cast %broadcast_in_dim3A_1 : vector<16xf32> to vector<1x16xf32>
      tpu.vector_store %arg6[%swap3A_108, %swap3A_109], %swap3A_112 {strides = array<i32>} : memref<128x128xf32, #tpu.memory_space<vmem>>, vector<1x16xf32>,
      %swap3A_113 = arith.index_cast %scan3A_102 : i32 to index
      %swap3A_114 = arith.constant 32 : index
      %swap3A_115 = tpu.vector_load %arg6[%swap3A_113, %swap3A_114] {strides = array<i32>} : memref<128x128xf32, #tpu.memory_space<vmem>>, vector<1x16xf32>,
      %swap3A_116 = vector.shape_cast %swap3A_115 : vector<1x16xf32> to vector<16xf32>
      %swap3A_117 = vector.shape_cast %broadcast_in_dim3A_1 : vector<16xf32> to vector<1x16xf32>
      tpu.vector_store %arg6[%swap3A_113, %swap3A_114], %swap3A_117 {strides = array<i32>} : memref<128x128xf32, #tpu.memory_space<vmem>>, vector<1x16xf32>,
      %swap3A_118 = arith.index_cast %scan3A_102 : i32 to index
      %swap3A_119 = arith.constant 48 : index
      %swap3A_120 = tpu.vector_load %arg6[%swap3A_118, %swap3A_119] {strides = array<i32>} : memref<128x128xf32, #tpu.memory_space<vmem>>, vector<1x16xf32>,
      %swap3A_121 = vector.shape_cast %swap3A_120 : vector<1x16xf32> to vector<16xf32>
      %swap3A_122 = vector.shape_cast %broadcast_in_dim3A_1 : vector<16xf32> to vector<1x16xf32>
      tpu.vector_store %arg6[%swap3A_118, %swap3A_119], %swap3A_122 {strides = array<i32>} : memref<128x128xf32, #tpu.memory_space<vmem>>, vector<1x16xf32>,
      %swap3A_123 = arith.index_cast %scan3A_102 : i32 to index
      %swap3A_124 = arith.constant 64 : index
      %swap3A_125 = tpu.vector_load %arg6[%swap3A_123, %swap3A_124] {strides = array<i32>} : memref<128x128xf32, #tpu.memory_space<vmem>>, vector<1x16xf32>,
      %swap3A_126 = vector.shape_cast %swap3A_125 : vector<1x16xf32> to vector<16xf32>
      %swap3A_127 = vector.shape_cast %broadcast_in_dim3A_1 : vector<16xf32> to vector<1x16xf32>
      tpu.vector_store %arg6[%swap3A_123, %swap3A_124], %swap3A_127 {strides = array<i32>} : memref<128x128xf32, #tpu.memory_space<vmem>>, vector<1x16xf32>,
      %swap3A_128 = arith.index_cast %scan3A_102 : i32 to index
      %swap3A_129 = arith.constant 80 : index
      %swap3A_130 = tpu.vector_load %arg6[%swap3A_128, %swap3A_129] {strides = array<i32>} : memref<128x128xf32, #tpu.memory_space<vmem>>, vector<1x16xf32>,
      %swap3A_131 = vector.shape_cast %swap3A_130 : vector<1x16xf32> to vector<16xf32>
      %swap3A_132 = vector.shape_cast %broadcast_in_dim3A_1 : vector<16xf32> to vector<1x16xf32>
      tpu.vector_store %arg6[%swap3A_128, %swap3A_129], %swap3A_132 {strides = array<i32>} : memref<128x128xf32, #tpu.memory_space<vmem>>, vector<1x16xf32>,
      %swap3A_133 = arith.index_cast %scan3A_102 : i32 to index
      %swap3A_134 = arith.constant 96 : index
      %swap3A_135 = tpu.vector_load %arg6[%swap3A_133, %swap3A_134] {strides = array<i32>} : memref<128x128xf32, #tpu.memory_space<vmem>>, vector<1x16xf32>,
      %swap3A_136 = vector.shape_cast %swap3A_135 : vector<1x16xf32> to vector<16xf32>
      %swap3A_137 = vector.shape_cast %broadcast_in_dim3A_1 : vector<16xf32> to vector<1x16xf32>
      tpu.vector_store %arg6[%swap3A_133, %swap3A_134], %swap3A_137 {strides = array<i32>} : memref<128x128xf32, #tpu.memory_space<vmem>>, vector<1x16xf32>,
      %swap3A_138 = arith.index_cast %scan3A_102 : i32 to index
      %swap3A_139 = arith.constant 112 : index
      %swap3A_140 = tpu.vector_load %arg6[%swap3A_138, %swap3A_139] {strides = array<i32>} : memref<128x128xf32, #tpu.memory_space<vmem>>, vector<1x16xf32>,
      %swap3A_141 = vector.shape_cast %swap3A_140 : vector<1x16xf32> to vector<16xf32>
      %swap3A_142 = vector.shape_cast %broadcast_in_dim3A_1 : vector<16xf32> to vector<1x16xf32>
      tpu.vector_store %arg6[%swap3A_138, %swap3A_139], %swap3A_142 {strides = array<i32>} : memref<128x128xf32, #tpu.memory_space<vmem>>, vector<1x16xf32>,
      %scan3A_143 = arith.constant 0 : i32
      scf.yield %scan3A_143 : i32
    }
    %scan3A_24 = arith.constant 128 : i32
    %broadcast_in_dim3A_25 = arith.constant 0.000000e+00 : f32
    %broadcast_in_dim3A_26 = vector.broadcast %broadcast_in_dim3A_25 : f32 to vector<16xf32>
    %scan3A_27 = arith.constant 0 : i32
    %scan3A_28 = arith.constant 0 : i32
    %scan3A_29 = arith.constant 32 : i32
    %scan3A_30 = arith.addi %scan3A_28, %scan3A_29 : i32
    %scan3A_31 = arith.constant 1 : i32
    %scan3A_32 = scf.for %scan3A_102 = %scan3A_28 to %scan3A_30 step %scan3A_31 iter_args(%scan3A_103 = %scan3A_27) -> (i32)  : i32 {
      %swap3A = arith.index_cast %scan3A_102 : i32 to index
      %swap3A_104 = arith.constant 0 : index
      %swap3A_105 = tpu.vector_load %arg7[%swap3A, %swap3A_104] {strides = array<i32>} : memref<32x128xf32, #tpu.memory_space<vmem>>, vector<1x16xf32>,
      %swap3A_106 = vector.shape_cast %swap3A_105 : vector<1x16xf32> to vector<16xf32>
      %swap3A_107 = vector.shape_cast %broadcast_in_dim3A_26 : vector<16xf32> to vector<1x16xf32>
      tpu.vector_store %arg7[%swap3A, %swap3A_104], %swap3A_107 {strides = array<i32>} : memref<32x128xf32, #tpu.memory_space<vmem>>, vector<1x16xf32>,
      %swap3A_108 = arith.index_cast %scan3A_102 : i32 to index
      %swap3A_109 = arith.constant 16 : index
      %swap3A_110 = tpu.vector_load %arg7[%swap3A_108, %swap3A_109] {strides = array<i32>} : memref<32x128xf32, #tpu.memory_space<vmem>>, vector<1x16xf32>,
      %swap3A_111 = vector.shape_cast %swap3A_110 : vector<1x16xf32> to vector<16xf32>
      %swap3A_112 = vector.shape_cast %broadcast_in_dim3A_26 : vector<16xf32> to vector<1x16xf32>
      tpu.vector_store %arg7[%swap3A_108, %swap3A_109], %swap3A_112 {strides = array<i32>} : memref<32x128xf32, #tpu.memory_space<vmem>>, vector<1x16xf32>,
      %swap3A_113 = arith.index_cast %scan3A_102 : i32 to index
      %swap3A_114 = arith.constant 32 : index
      %swap3A_115 = tpu.vector_load %arg7[%swap3A_113, %swap3A_114] {strides = array<i32>} : memref<32x128xf32, #tpu.memory_space<vmem>>, vector<1x16xf32>,
      %swap3A_116 = vector.shape_cast %swap3A_115 : vector<1x16xf32> to vector<16xf32>
      %swap3A_117 = vector.shape_cast %broadcast_in_dim3A_26 : vector<16xf32> to vector<1x16xf32>
      tpu.vector_store %arg7[%swap3A_113, %swap3A_114], %swap3A_117 {strides = array<i32>} : memref<32x128xf32, #tpu.memory_space<vmem>>, vector<1x16xf32>,
      %swap3A_118 = arith.index_cast %scan3A_102 : i32 to index
      %swap3A_119 = arith.constant 48 : index
      %swap3A_120 = tpu.vector_load %arg7[%swap3A_118, %swap3A_119] {strides = array<i32>} : memref<32x128xf32, #tpu.memory_space<vmem>>, vector<1x16xf32>,
      %swap3A_121 = vector.shape_cast %swap3A_120 : vector<1x16xf32> to vector<16xf32>
      %swap3A_122 = vector.shape_cast %broadcast_in_dim3A_26 : vector<16xf32> to vector<1x16xf32>
      tpu.vector_store %arg7[%swap3A_118, %swap3A_119], %swap3A_122 {strides = array<i32>} : memref<32x128xf32, #tpu.memory_space<vmem>>, vector<1x16xf32>,
      %swap3A_123 = arith.index_cast %scan3A_102 : i32 to index
      %swap3A_124 = arith.constant 64 : index
      %swap3A_125 = tpu.vector_load %arg7[%swap3A_123, %swap3A_124] {strides = array<i32>} : memref<32x128xf32, #tpu.memory_space<vmem>>, vector<1x16xf32>,
      %swap3A_126 = vector.shape_cast %swap3A_125 : vector<1x16xf32> to vector<16xf32>
      %swap3A_127 = vector.shape_cast %broadcast_in_dim3A_26 : vector<16xf32> to vector<1x16xf32>
      tpu.vector_store %arg7[%swap3A_123, %swap3A_124], %swap3A_127 {strides = array<i32>} : memref<32x128xf32, #tpu.memory_space<vmem>>, vector<1x16xf32>,
      %swap3A_128 = arith.index_cast %scan3A_102 : i32 to index
      %swap3A_129 = arith.constant 80 : index
      %swap3A_130 = tpu.vector_load %arg7[%swap3A_128, %swap3A_129] {strides = array<i32>} : memref<32x128xf32, #tpu.memory_space<vmem>>, vector<1x16xf32>,
      %swap3A_131 = vector.shape_cast %swap3A_130 : vector<1x16xf32> to vector<16xf32>
      %swap3A_132 = vector.shape_cast %broadcast_in_dim3A_26 : vector<16xf32> to vector<1x16xf32>
      tpu.vector_store %arg7[%swap3A_128, %swap3A_129], %swap3A_132 {strides = array<i32>} : memref<32x128xf32, #tpu.memory_space<vmem>>, vector<1x16xf32>,
      %swap3A_133 = arith.index_cast %scan3A_102 : i32 to index
      %swap3A_134 = arith.constant 96 : index
      %swap3A_135 = tpu.vector_load %arg7[%swap3A_133, %swap3A_134] {strides = array<i32>} : memref<32x128xf32, #tpu.memory_space<vmem>>, vector<1x16xf32>,
      %swap3A_136 = vector.shape_cast %swap3A_135 : vector<1x16xf32> to vector<16xf32>
      %swap3A_137 = vector.shape_cast %broadcast_in_dim3A_26 : vector<16xf32> to vector<1x16xf32>
      tpu.vector_store %arg7[%swap3A_133, %swap3A_134], %swap3A_137 {strides = array<i32>} : memref<32x128xf32, #tpu.memory_space<vmem>>, vector<1x16xf32>,
      %swap3A_138 = arith.index_cast %scan3A_102 : i32 to index
      %swap3A_139 = arith.constant 112 : index
      %swap3A_140 = tpu.vector_load %arg7[%swap3A_138, %swap3A_139] {strides = array<i32>} : memref<32x128xf32, #tpu.memory_space<vmem>>, vector<1x16xf32>,
      %swap3A_141 = vector.shape_cast %swap3A_140 : vector<1x16xf32> to vector<16xf32>
      %swap3A_142 = vector.shape_cast %broadcast_in_dim3A_26 : vector<16xf32> to vector<1x16xf32>
      tpu.vector_store %arg7[%swap3A_138, %swap3A_139], %swap3A_142 {strides = array<i32>} : memref<32x128xf32, #tpu.memory_space<vmem>>, vector<1x16xf32>,
      %scan3A_143 = arith.constant 0 : i32
      scf.yield %scan3A_143 : i32
    }
    %scan3A_33 = arith.constant 32 : i32
    %mul3A_34 = arith.constant 640 : i32
    %mul3A_35 = arith.muli %arg1, %mul3A_34 : i32
    %add3A_36 = arith.constant 0 : i32
    %add3A_37 = arith.addi %mul3A_35, %add3A_36 : i32
    "tpu.region"() ({
      %run_scoped3A_102 = tpu.sem_alloc : memref<!tpu.dma_semaphore, #tpu.memory_space<semaphore_mem>>
      %dma_start3A_103 = arith.constant 0 : i32
      %dma_start3A_104 = tpu.memref_slice %arg8[%add3A_37, %dma_start3A_103] : memref<10240x128xf32, #tpu.memory_space<vmem_shared>> -> memref<32x128xf32, #tpu.memory_space<vmem_shared>>
      %dma_start3A_105 = arith.constant 0 : i32
      %dma_start3A_106 = tpu.memref_slice %arg8[%add3A_37, %dma_start3A_105] : memref<10240x128xf32, #tpu.memory_space<vmem_shared>> -> memref<32x128xf32, #tpu.memory_space<vmem_shared>>
      tpu.enqueue_dma source(%arg7 : memref<32x128xf32, #tpu.memory_space<vmem>>) target(%dma_start3A_106 : memref<32x128xf32, #tpu.memory_space<vmem_shared>>) target_semaphore(%run_scoped3A_102 : memref<!tpu.dma_semaphore, #tpu.memory_space<semaphore_mem>>)
      %dma_wait3A_107 = arith.constant 0 : i32
      %dma_wait3A_108 = tpu.memref_slice %arg8[%add3A_37, %dma_wait3A_107] : memref<10240x128xf32, #tpu.memory_space<vmem_shared>> -> memref<32x128xf32, #tpu.memory_space<vmem_shared>>
      %dma_wait3A_109 = arith.constant 0 : i32
      %dma_wait3A_110 = tpu.memref_slice %arg8[%add3A_37, %dma_wait3A_109] : memref<10240x128xf32, #tpu.memory_space<vmem_shared>> -> memref<32x128xf32, #tpu.memory_space<vmem_shared>>
      tpu.wait_dma2 semaphore(%run_scoped3A_102 : memref<!tpu.dma_semaphore, #tpu.memory_space<semaphore_mem>>) src(%arg7 : memref<32x128xf32, #tpu.memory_space<vmem>>) dst(%dma_wait3A_110 : memref<32x128xf32, #tpu.memory_space<vmem_shared>>)
      tpu.yield
    }) : () -> ()
    %add3A_38 = arith.constant 32 : i32
    %add3A_39 = arith.addi %mul3A_35, %add3A_38 : i32
    "tpu.region"() ({
      %run_scoped3A_102 = tpu.sem_alloc : memref<!tpu.dma_semaphore, #tpu.memory_space<semaphore_mem>>
      %dma_start3A_103 = arith.constant 0 : i32
      %dma_start3A_104 = tpu.memref_slice %arg8[%add3A_39, %dma_start3A_103] : memref<10240x128xf32, #tpu.memory_space<vmem_shared>> -> memref<32x128xf32, #tpu.memory_space<vmem_shared>>
      %dma_start3A_105 = arith.constant 0 : i32
      %dma_start3A_106 = tpu.memref_slice %arg8[%add3A_39, %dma_start3A_105] : memref<10240x128xf32, #tpu.memory_space<vmem_shared>> -> memref<32x128xf32, #tpu.memory_space<vmem_shared>>
      tpu.enqueue_dma source(%arg7 : memref<32x128xf32, #tpu.memory_space<vmem>>) target(%dma_start3A_106 : memref<32x128xf32, #tpu.memory_space<vmem_shared>>) target_semaphore(%run_scoped3A_102 : memref<!tpu.dma_semaphore, #tpu.memory_space<semaphore_mem>>)
      %dma_wait3A_107 = arith.constant 0 : i32
      %dma_wait3A_108 = tpu.memref_slice %arg8[%add3A_39, %dma_wait3A_107] : memref<10240x128xf32, #tpu.memory_space<vmem_shared>> -> memref<32x128xf32, #tpu.memory_space<vmem_shared>>
      %dma_wait3A_109 = arith.constant 0 : i32
      %dma_wait3A_110 = tpu.memref_slice %arg8[%add3A_39, %dma_wait3A_109] : memref<10240x128xf32, #tpu.memory_space<vmem_shared>> -> memref<32x128xf32, #tpu.memory_space<vmem_shared>>
      tpu.wait_dma2 semaphore(%run_scoped3A_102 : memref<!tpu.dma_semaphore, #tpu.memory_space<semaphore_mem>>) src(%arg7 : memref<32x128xf32, #tpu.memory_space<vmem>>) dst(%dma_wait3A_110 : memref<32x128xf32, #tpu.memory_space<vmem_shared>>)
      tpu.yield
    }) : () -> ()
    %add3A_40 = arith.constant 64 : i32
    %add3A_41 = arith.addi %mul3A_35, %add3A_40 : i32
    "tpu.region"() ({
      %run_scoped3A_102 = tpu.sem_alloc : memref<!tpu.dma_semaphore, #tpu.memory_space<semaphore_mem>>
      %dma_start3A_103 = arith.constant 0 : i32
      %dma_start3A_104 = tpu.memref_slice %arg8[%add3A_41, %dma_start3A_103] : memref<10240x128xf32, #tpu.memory_space<vmem_shared>> -> memref<32x128xf32, #tpu.memory_space<vmem_shared>>
      %dma_start3A_105 = arith.constant 0 : i32
      %dma_start3A_106 = tpu.memref_slice %arg8[%add3A_41, %dma_start3A_105] : memref<10240x128xf32, #tpu.memory_space<vmem_shared>> -> memref<32x128xf32, #tpu.memory_space<vmem_shared>>
      tpu.enqueue_dma source(%arg7 : memref<32x128xf32, #tpu.memory_space<vmem>>) target(%dma_start3A_106 : memref<32x128xf32, #tpu.memory_space<vmem_shared>>) target_semaphore(%run_scoped3A_102 : memref<!tpu.dma_semaphore, #tpu.memory_space<semaphore_mem>>)
      %dma_wait3A_107 = arith.constant 0 : i32
      %dma_wait3A_108 = tpu.memref_slice %arg8[%add3A_41, %dma_wait3A_107] : memref<10240x128xf32, #tpu.memory_space<vmem_shared>> -> memref<32x128xf32, #tpu.memory_space<vmem_shared>>
      %dma_wait3A_109 = arith.constant 0 : i32
      %dma_wait3A_110 = tpu.memref_slice %arg8[%add3A_41, %dma_wait3A_109] : memref<10240x128xf32, #tpu.memory_space<vmem_shared>> -> memref<32x128xf32, #tpu.memory_space<vmem_shared>>
      tpu.wait_dma2 semaphore(%run_scoped3A_102 : memref<!tpu.dma_semaphore, #tpu.memory_space<semaphore_mem>>) src(%arg7 : memref<32x128xf32, #tpu.memory_space<vmem>>) dst(%dma_wait3A_110 : memref<32x128xf32, #tpu.memory_space<vmem_shared>>)
      tpu.yield
    }) : () -> ()
    %add3A_42 = arith.constant 96 : i32
    %add3A_43 = arith.addi %mul3A_35, %add3A_42 : i32
    "tpu.region"() ({
      %run_scoped3A_102 = tpu.sem_alloc : memref<!tpu.dma_semaphore, #tpu.memory_space<semaphore_mem>>
      %dma_start3A_103 = arith.constant 0 : i32
      %dma_start3A_104 = tpu.memref_slice %arg8[%add3A_43, %dma_start3A_103] : memref<10240x128xf32, #tpu.memory_space<vmem_shared>> -> memref<32x128xf32, #tpu.memory_space<vmem_shared>>
      %dma_start3A_105 = arith.constant 0 : i32
      %dma_start3A_106 = tpu.memref_slice %arg8[%add3A_43, %dma_start3A_105] : memref<10240x128xf32, #tpu.memory_space<vmem_shared>> -> memref<32x128xf32, #tpu.memory_space<vmem_shared>>
      tpu.enqueue_dma source(%arg7 : memref<32x128xf32, #tpu.memory_space<vmem>>) target(%dma_start3A_106 : memref<32x128xf32, #tpu.memory_space<vmem_shared>>) target_semaphore(%run_scoped3A_102 : memref<!tpu.dma_semaphore, #tpu.memory_space<semaphore_mem>>)
      %dma_wait3A_107 = arith.constant 0 : i32
      %dma_wait3A_108 = tpu.memref_slice %arg8[%add3A_43, %dma_wait3A_107] : memref<10240x128xf32, #tpu.memory_space<vmem_shared>> -> memref<32x128xf32, #tpu.memory_space<vmem_shared>>
      %dma_wait3A_109 = arith.constant 0 : i32
      %dma_wait3A_110 = tpu.memref_slice %arg8[%add3A_43, %dma_wait3A_109] : memref<10240x128xf32, #tpu.memory_space<vmem_shared>> -> memref<32x128xf32, #tpu.memory_space<vmem_shared>>
      tpu.wait_dma2 semaphore(%run_scoped3A_102 : memref<!tpu.dma_semaphore, #tpu.memory_space<semaphore_mem>>) src(%arg7 : memref<32x128xf32, #tpu.memory_space<vmem>>) dst(%dma_wait3A_110 : memref<32x128xf32, #tpu.memory_space<vmem_shared>>)
      tpu.yield
    }) : () -> ()
    %add3A_44 = arith.constant 128 : i32
    %add3A_45 = arith.addi %mul3A_35, %add3A_44 : i32
    "tpu.region"() ({
      %run_scoped3A_102 = tpu.sem_alloc : memref<!tpu.dma_semaphore, #tpu.memory_space<semaphore_mem>>
      %dma_start3A_103 = arith.constant 0 : i32
      %dma_start3A_104 = tpu.memref_slice %arg8[%add3A_45, %dma_start3A_103] : memref<10240x128xf32, #tpu.memory_space<vmem_shared>> -> memref<32x128xf32, #tpu.memory_space<vmem_shared>>
      %dma_start3A_105 = arith.constant 0 : i32
      %dma_start3A_106 = tpu.memref_slice %arg8[%add3A_45, %dma_start3A_105] : memref<10240x128xf32, #tpu.memory_space<vmem_shared>> -> memref<32x128xf32, #tpu.memory_space<vmem_shared>>
      tpu.enqueue_dma source(%arg7 : memref<32x128xf32, #tpu.memory_space<vmem>>) target(%dma_start3A_106 : memref<32x128xf32, #tpu.memory_space<vmem_shared>>) target_semaphore(%run_scoped3A_102 : memref<!tpu.dma_semaphore, #tpu.memory_space<semaphore_mem>>)
      %dma_wait3A_107 = arith.constant 0 : i32
      %dma_wait3A_108 = tpu.memref_slice %arg8[%add3A_45, %dma_wait3A_107] : memref<10240x128xf32, #tpu.memory_space<vmem_shared>> -> memref<32x128xf32, #tpu.memory_space<vmem_shared>>
      %dma_wait3A_109 = arith.constant 0 : i32
      %dma_wait3A_110 = tpu.memref_slice %arg8[%add3A_45, %dma_wait3A_109] : memref<10240x128xf32, #tpu.memory_space<vmem_shared>> -> memref<32x128xf32, #tpu.memory_space<vmem_shared>>
      tpu.wait_dma2 semaphore(%run_scoped3A_102 : memref<!tpu.dma_semaphore, #tpu.memory_space<semaphore_mem>>) src(%arg7 : memref<32x128xf32, #tpu.memory_space<vmem>>) dst(%dma_wait3A_110 : memref<32x128xf32, #tpu.memory_space<vmem_shared>>)
      tpu.yield
    }) : () -> ()
    %add3A_46 = arith.constant 160 : i32
    %add3A_47 = arith.addi %mul3A_35, %add3A_46 : i32
    "tpu.region"() ({
      %run_scoped3A_102 = tpu.sem_alloc : memref<!tpu.dma_semaphore, #tpu.memory_space<semaphore_mem>>
      %dma_start3A_103 = arith.constant 0 : i32
      %dma_start3A_104 = tpu.memref_slice %arg8[%add3A_47, %dma_start3A_103] : memref<10240x128xf32, #tpu.memory_space<vmem_shared>> -> memref<32x128xf32, #tpu.memory_space<vmem_shared>>
      %dma_start3A_105 = arith.constant 0 : i32
      %dma_start3A_106 = tpu.memref_slice %arg8[%add3A_47, %dma_start3A_105] : memref<10240x128xf32, #tpu.memory_space<vmem_shared>> -> memref<32x128xf32, #tpu.memory_space<vmem_shared>>
      tpu.enqueue_dma source(%arg7 : memref<32x128xf32, #tpu.memory_space<vmem>>) target(%dma_start3A_106 : memref<32x128xf32, #tpu.memory_space<vmem_shared>>) target_semaphore(%run_scoped3A_102 : memref<!tpu.dma_semaphore, #tpu.memory_space<semaphore_mem>>)
      %dma_wait3A_107 = arith.constant 0 : i32
      %dma_wait3A_108 = tpu.memref_slice %arg8[%add3A_47, %dma_wait3A_107] : memref<10240x128xf32, #tpu.memory_space<vmem_shared>> -> memref<32x128xf32, #tpu.memory_space<vmem_shared>>
      %dma_wait3A_109 = arith.constant 0 : i32
      %dma_wait3A_110 = tpu.memref_slice %arg8[%add3A_47, %dma_wait3A_109] : memref<10240x128xf32, #tpu.memory_space<vmem_shared>> -> memref<32x128xf32, #tpu.memory_space<vmem_shared>>
      tpu.wait_dma2 semaphore(%run_scoped3A_102 : memref<!tpu.dma_semaphore, #tpu.memory_space<semaphore_mem>>) src(%arg7 : memref<32x128xf32, #tpu.memory_space<vmem>>) dst(%dma_wait3A_110 : memref<32x128xf32, #tpu.memory_space<vmem_shared>>)
      tpu.yield
    }) : () -> ()
    %add3A_48 = arith.constant 192 : i32
    %add3A_49 = arith.addi %mul3A_35, %add3A_48 : i32
    "tpu.region"() ({
      %run_scoped3A_102 = tpu.sem_alloc : memref<!tpu.dma_semaphore, #tpu.memory_space<semaphore_mem>>
      %dma_start3A_103 = arith.constant 0 : i32
      %dma_start3A_104 = tpu.memref_slice %arg8[%add3A_49, %dma_start3A_103] : memref<10240x128xf32, #tpu.memory_space<vmem_shared>> -> memref<32x128xf32, #tpu.memory_space<vmem_shared>>
      %dma_start3A_105 = arith.constant 0 : i32
      %dma_start3A_106 = tpu.memref_slice %arg8[%add3A_49, %dma_start3A_105] : memref<10240x128xf32, #tpu.memory_space<vmem_shared>> -> memref<32x128xf32, #tpu.memory_space<vmem_shared>>
      tpu.enqueue_dma source(%arg7 : memref<32x128xf32, #tpu.memory_space<vmem>>) target(%dma_start3A_106 : memref<32x128xf32, #tpu.memory_space<vmem_shared>>) target_semaphore(%run_scoped3A_102 : memref<!tpu.dma_semaphore, #tpu.memory_space<semaphore_mem>>)
      %dma_wait3A_107 = arith.constant 0 : i32
      %dma_wait3A_108 = tpu.memref_slice %arg8[%add3A_49, %dma_wait3A_107] : memref<10240x128xf32, #tpu.memory_space<vmem_shared>> -> memref<32x128xf32, #tpu.memory_space<vmem_shared>>
      %dma_wait3A_109 = arith.constant 0 : i32
      %dma_wait3A_110 = tpu.memref_slice %arg8[%add3A_49, %dma_wait3A_109] : memref<10240x128xf32, #tpu.memory_space<vmem_shared>> -> memref<32x128xf32, #tpu.memory_space<vmem_shared>>
      tpu.wait_dma2 semaphore(%run_scoped3A_102 : memref<!tpu.dma_semaphore, #tpu.memory_space<semaphore_mem>>) src(%arg7 : memref<32x128xf32, #tpu.memory_space<vmem>>) dst(%dma_wait3A_110 : memref<32x128xf32, #tpu.memory_space<vmem_shared>>)
      tpu.yield
    }) : () -> ()
    %add3A_50 = arith.constant 224 : i32
    %add3A_51 = arith.addi %mul3A_35, %add3A_50 : i32
    "tpu.region"() ({
      %run_scoped3A_102 = tpu.sem_alloc : memref<!tpu.dma_semaphore, #tpu.memory_space<semaphore_mem>>
      %dma_start3A_103 = arith.constant 0 : i32
      %dma_start3A_104 = tpu.memref_slice %arg8[%add3A_51, %dma_start3A_103] : memref<10240x128xf32, #tpu.memory_space<vmem_shared>> -> memref<32x128xf32, #tpu.memory_space<vmem_shared>>
      %dma_start3A_105 = arith.constant 0 : i32
      %dma_start3A_106 = tpu.memref_slice %arg8[%add3A_51, %dma_start3A_105] : memref<10240x128xf32, #tpu.memory_space<vmem_shared>> -> memref<32x128xf32, #tpu.memory_space<vmem_shared>>
      tpu.enqueue_dma source(%arg7 : memref<32x128xf32, #tpu.memory_space<vmem>>) target(%dma_start3A_106 : memref<32x128xf32, #tpu.memory_space<vmem_shared>>) target_semaphore(%run_scoped3A_102 : memref<!tpu.dma_semaphore, #tpu.memory_space<semaphore_mem>>)
      %dma_wait3A_107 = arith.constant 0 : i32
      %dma_wait3A_108 = tpu.memref_slice %arg8[%add3A_51, %dma_wait3A_107] : memref<10240x128xf32, #tpu.memory_space<vmem_shared>> -> memref<32x128xf32, #tpu.memory_space<vmem_shared>>
      %dma_wait3A_109 = arith.constant 0 : i32
      %dma_wait3A_110 = tpu.memref_slice %arg8[%add3A_51, %dma_wait3A_109] : memref<10240x128xf32, #tpu.memory_space<vmem_shared>> -> memref<32x128xf32, #tpu.memory_space<vmem_shared>>
      tpu.wait_dma2 semaphore(%run_scoped3A_102 : memref<!tpu.dma_semaphore, #tpu.memory_space<semaphore_mem>>) src(%arg7 : memref<32x128xf32, #tpu.memory_space<vmem>>) dst(%dma_wait3A_110 : memref<32x128xf32, #tpu.memory_space<vmem_shared>>)
      tpu.yield
    }) : () -> ()
    %add3A_52 = arith.constant 256 : i32
    %add3A_53 = arith.addi %mul3A_35, %add3A_52 : i32
    "tpu.region"() ({
      %run_scoped3A_102 = tpu.sem_alloc : memref<!tpu.dma_semaphore, #tpu.memory_space<semaphore_mem>>
      %dma_start3A_103 = arith.constant 0 : i32
      %dma_start3A_104 = tpu.memref_slice %arg8[%add3A_53, %dma_start3A_103] : memref<10240x128xf32, #tpu.memory_space<vmem_shared>> -> memref<32x128xf32, #tpu.memory_space<vmem_shared>>
      %dma_start3A_105 = arith.constant 0 : i32
      %dma_start3A_106 = tpu.memref_slice %arg8[%add3A_53, %dma_start3A_105] : memref<10240x128xf32, #tpu.memory_space<vmem_shared>> -> memref<32x128xf32, #tpu.memory_space<vmem_shared>>
      tpu.enqueue_dma source(%arg7 : memref<32x128xf32, #tpu.memory_space<vmem>>) target(%dma_start3A_106 : memref<32x128xf32, #tpu.memory_space<vmem_shared>>) target_semaphore(%run_scoped3A_102 : memref<!tpu.dma_semaphore, #tpu.memory_space<semaphore_mem>>)
      %dma_wait3A_107 = arith.constant 0 : i32
      %dma_wait3A_108 = tpu.memref_slice %arg8[%add3A_53, %dma_wait3A_107] : memref<10240x128xf32, #tpu.memory_space<vmem_shared>> -> memref<32x128xf32, #tpu.memory_space<vmem_shared>>
      %dma_wait3A_109 = arith.constant 0 : i32
      %dma_wait3A_110 = tpu.memref_slice %arg8[%add3A_53, %dma_wait3A_109] : memref<10240x128xf32, #tpu.memory_space<vmem_shared>> -> memref<32x128xf32, #tpu.memory_space<vmem_shared>>
      tpu.wait_dma2 semaphore(%run_scoped3A_102 : memref<!tpu.dma_semaphore, #tpu.memory_space<semaphore_mem>>) src(%arg7 : memref<32x128xf32, #tpu.memory_space<vmem>>) dst(%dma_wait3A_110 : memref<32x128xf32, #tpu.memory_space<vmem_shared>>)
      tpu.yield
    }) : () -> ()
    %add3A_54 = arith.constant 288 : i32
    %add3A_55 = arith.addi %mul3A_35, %add3A_54 : i32
    "tpu.region"() ({
      %run_scoped3A_102 = tpu.sem_alloc : memref<!tpu.dma_semaphore, #tpu.memory_space<semaphore_mem>>
      %dma_start3A_103 = arith.constant 0 : i32
      %dma_start3A_104 = tpu.memref_slice %arg8[%add3A_55, %dma_start3A_103] : memref<10240x128xf32, #tpu.memory_space<vmem_shared>> -> memref<32x128xf32, #tpu.memory_space<vmem_shared>>
      %dma_start3A_105 = arith.constant 0 : i32
      %dma_start3A_106 = tpu.memref_slice %arg8[%add3A_55, %dma_start3A_105] : memref<10240x128xf32, #tpu.memory_space<vmem_shared>> -> memref<32x128xf32, #tpu.memory_space<vmem_shared>>
      tpu.enqueue_dma source(%arg7 : memref<32x128xf32, #tpu.memory_space<vmem>>) target(%dma_start3A_106 : memref<32x128xf32, #tpu.memory_space<vmem_shared>>) target_semaphore(%run_scoped3A_102 : memref<!tpu.dma_semaphore, #tpu.memory_space<semaphore_mem>>)
      %dma_wait3A_107 = arith.constant 0 : i32
      %dma_wait3A_108 = tpu.memref_slice %arg8[%add3A_55, %dma_wait3A_107] : memref<10240x128xf32, #tpu.memory_space<vmem_shared>> -> memref<32x128xf32, #tpu.memory_space<vmem_shared>>
      %dma_wait3A_109 = arith.constant 0 : i32
      %dma_wait3A_110 = tpu.memref_slice %arg8[%add3A_55, %dma_wait3A_109] : memref<10240x128xf32, #tpu.memory_space<vmem_shared>> -> memref<32x128xf32, #tpu.memory_space<vmem_shared>>
      tpu.wait_dma2 semaphore(%run_scoped3A_102 : memref<!tpu.dma_semaphore, #tpu.memory_space<semaphore_mem>>) src(%arg7 : memref<32x128xf32, #tpu.memory_space<vmem>>) dst(%dma_wait3A_110 : memref<32x128xf32, #tpu.memory_space<vmem_shared>>)
      tpu.yield
    }) : () -> ()
    %add3A_56 = arith.constant 320 : i32
    %add3A_57 = arith.addi %mul3A_35, %add3A_56 : i32
    "tpu.region"() ({
      %run_scoped3A_102 = tpu.sem_alloc : memref<!tpu.dma_semaphore, #tpu.memory_space<semaphore_mem>>
      %dma_start3A_103 = arith.constant 0 : i32
      %dma_start3A_104 = tpu.memref_slice %arg8[%add3A_57, %dma_start3A_103] : memref<10240x128xf32, #tpu.memory_space<vmem_shared>> -> memref<32x128xf32, #tpu.memory_space<vmem_shared>>
      %dma_start3A_105 = arith.constant 0 : i32
      %dma_start3A_106 = tpu.memref_slice %arg8[%add3A_57, %dma_start3A_105] : memref<10240x128xf32, #tpu.memory_space<vmem_shared>> -> memref<32x128xf32, #tpu.memory_space<vmem_shared>>
      tpu.enqueue_dma source(%arg7 : memref<32x128xf32, #tpu.memory_space<vmem>>) target(%dma_start3A_106 : memref<32x128xf32, #tpu.memory_space<vmem_shared>>) target_semaphore(%run_scoped3A_102 : memref<!tpu.dma_semaphore, #tpu.memory_space<semaphore_mem>>)
      %dma_wait3A_107 = arith.constant 0 : i32
      %dma_wait3A_108 = tpu.memref_slice %arg8[%add3A_57, %dma_wait3A_107] : memref<10240x128xf32, #tpu.memory_space<vmem_shared>> -> memref<32x128xf32, #tpu.memory_space<vmem_shared>>
      %dma_wait3A_109 = arith.constant 0 : i32
      %dma_wait3A_110 = tpu.memref_slice %arg8[%add3A_57, %dma_wait3A_109] : memref<10240x128xf32, #tpu.memory_space<vmem_shared>> -> memref<32x128xf32, #tpu.memory_space<vmem_shared>>
      tpu.wait_dma2 semaphore(%run_scoped3A_102 : memref<!tpu.dma_semaphore, #tpu.memory_space<semaphore_mem>>) src(%arg7 : memref<32x128xf32, #tpu.memory_space<vmem>>) dst(%dma_wait3A_110 : memref<32x128xf32, #tpu.memory_space<vmem_shared>>)
      tpu.yield
    }) : () -> ()
    %add3A_58 = arith.constant 352 : i32
    %add3A_59 = arith.addi %mul3A_35, %add3A_58 : i32
    "tpu.region"() ({
      %run_scoped3A_102 = tpu.sem_alloc : memref<!tpu.dma_semaphore, #tpu.memory_space<semaphore_mem>>
      %dma_start3A_103 = arith.constant 0 : i32
      %dma_start3A_104 = tpu.memref_slice %arg8[%add3A_59, %dma_start3A_103] : memref<10240x128xf32, #tpu.memory_space<vmem_shared>> -> memref<32x128xf32, #tpu.memory_space<vmem_shared>>
      %dma_start3A_105 = arith.constant 0 : i32
      %dma_start3A_106 = tpu.memref_slice %arg8[%add3A_59, %dma_start3A_105] : memref<10240x128xf32, #tpu.memory_space<vmem_shared>> -> memref<32x128xf32, #tpu.memory_space<vmem_shared>>
      tpu.enqueue_dma source(%arg7 : memref<32x128xf32, #tpu.memory_space<vmem>>) target(%dma_start3A_106 : memref<32x128xf32, #tpu.memory_space<vmem_shared>>) target_semaphore(%run_scoped3A_102 : memref<!tpu.dma_semaphore, #tpu.memory_space<semaphore_mem>>)
      %dma_wait3A_107 = arith.constant 0 : i32
      %dma_wait3A_108 = tpu.memref_slice %arg8[%add3A_59, %dma_wait3A_107] : memref<10240x128xf32, #tpu.memory_space<vmem_shared>> -> memref<32x128xf32, #tpu.memory_space<vmem_shared>>
      %dma_wait3A_109 = arith.constant 0 : i32
      %dma_wait3A_110 = tpu.memref_slice %arg8[%add3A_59, %dma_wait3A_109] : memref<10240x128xf32, #tpu.memory_space<vmem_shared>> -> memref<32x128xf32, #tpu.memory_space<vmem_shared>>
      tpu.wait_dma2 semaphore(%run_scoped3A_102 : memref<!tpu.dma_semaphore, #tpu.memory_space<semaphore_mem>>) src(%arg7 : memref<32x128xf32, #tpu.memory_space<vmem>>) dst(%dma_wait3A_110 : memref<32x128xf32, #tpu.memory_space<vmem_shared>>)
      tpu.yield
    }) : () -> ()
    %add3A_60 = arith.constant 384 : i32
    %add3A_61 = arith.addi %mul3A_35, %add3A_60 : i32
    "tpu.region"() ({
      %run_scoped3A_102 = tpu.sem_alloc : memref<!tpu.dma_semaphore, #tpu.memory_space<semaphore_mem>>
      %dma_start3A_103 = arith.constant 0 : i32
      %dma_start3A_104 = tpu.memref_slice %arg8[%add3A_61, %dma_start3A_103] : memref<10240x128xf32, #tpu.memory_space<vmem_shared>> -> memref<32x128xf32, #tpu.memory_space<vmem_shared>>
      %dma_start3A_105 = arith.constant 0 : i32
      %dma_start3A_106 = tpu.memref_slice %arg8[%add3A_61, %dma_start3A_105] : memref<10240x128xf32, #tpu.memory_space<vmem_shared>> -> memref<32x128xf32, #tpu.memory_space<vmem_shared>>
      tpu.enqueue_dma source(%arg7 : memref<32x128xf32, #tpu.memory_space<vmem>>) target(%dma_start3A_106 : memref<32x128xf32, #tpu.memory_space<vmem_shared>>) target_semaphore(%run_scoped3A_102 : memref<!tpu.dma_semaphore, #tpu.memory_space<semaphore_mem>>)
      %dma_wait3A_107 = arith.constant 0 : i32
      %dma_wait3A_108 = tpu.memref_slice %arg8[%add3A_61, %dma_wait3A_107] : memref<10240x128xf32, #tpu.memory_space<vmem_shared>> -> memref<32x128xf32, #tpu.memory_space<vmem_shared>>
      %dma_wait3A_109 = arith.constant 0 : i32
      %dma_wait3A_110 = tpu.memref_slice %arg8[%add3A_61, %dma_wait3A_109] : memref<10240x128xf32, #tpu.memory_space<vmem_shared>> -> memref<32x128xf32, #tpu.memory_space<vmem_shared>>
      tpu.wait_dma2 semaphore(%run_scoped3A_102 : memref<!tpu.dma_semaphore, #tpu.memory_space<semaphore_mem>>) src(%arg7 : memref<32x128xf32, #tpu.memory_space<vmem>>) dst(%dma_wait3A_110 : memref<32x128xf32, #tpu.memory_space<vmem_shared>>)
      tpu.yield
    }) : () -> ()
    %add3A_62 = arith.constant 416 : i32
    %add3A_63 = arith.addi %mul3A_35, %add3A_62 : i32
    "tpu.region"() ({
      %run_scoped3A_102 = tpu.sem_alloc : memref<!tpu.dma_semaphore, #tpu.memory_space<semaphore_mem>>
      %dma_start3A_103 = arith.constant 0 : i32
      %dma_start3A_104 = tpu.memref_slice %arg8[%add3A_63, %dma_start3A_103] : memref<10240x128xf32, #tpu.memory_space<vmem_shared>> -> memref<32x128xf32, #tpu.memory_space<vmem_shared>>
      %dma_start3A_105 = arith.constant 0 : i32
      %dma_start3A_106 = tpu.memref_slice %arg8[%add3A_63, %dma_start3A_105] : memref<10240x128xf32, #tpu.memory_space<vmem_shared>> -> memref<32x128xf32, #tpu.memory_space<vmem_shared>>
      tpu.enqueue_dma source(%arg7 : memref<32x128xf32, #tpu.memory_space<vmem>>) target(%dma_start3A_106 : memref<32x128xf32, #tpu.memory_space<vmem_shared>>) target_semaphore(%run_scoped3A_102 : memref<!tpu.dma_semaphore, #tpu.memory_space<semaphore_mem>>)
      %dma_wait3A_107 = arith.constant 0 : i32
      %dma_wait3A_108 = tpu.memref_slice %arg8[%add3A_63, %dma_wait3A_107] : memref<10240x128xf32, #tpu.memory_space<vmem_shared>> -> memref<32x128xf32, #tpu.memory_space<vmem_shared>>
      %dma_wait3A_109 = arith.constant 0 : i32
      %dma_wait3A_110 = tpu.memref_slice %arg8[%add3A_63, %dma_wait3A_109] : memref<10240x128xf32, #tpu.memory_space<vmem_shared>> -> memref<32x128xf32, #tpu.memory_space<vmem_shared>>
      tpu.wait_dma2 semaphore(%run_scoped3A_102 : memref<!tpu.dma_semaphore, #tpu.memory_space<semaphore_mem>>) src(%arg7 : memref<32x128xf32, #tpu.memory_space<vmem>>) dst(%dma_wait3A_110 : memref<32x128xf32, #tpu.memory_space<vmem_shared>>)
      tpu.yield
    }) : () -> ()
    %add3A_64 = arith.constant 448 : i32
    %add3A_65 = arith.addi %mul3A_35, %add3A_64 : i32
    "tpu.region"() ({
      %run_scoped3A_102 = tpu.sem_alloc : memref<!tpu.dma_semaphore, #tpu.memory_space<semaphore_mem>>
      %dma_start3A_103 = arith.constant 0 : i32
      %dma_start3A_104 = tpu.memref_slice %arg8[%add3A_65, %dma_start3A_103] : memref<10240x128xf32, #tpu.memory_space<vmem_shared>> -> memref<32x128xf32, #tpu.memory_space<vmem_shared>>
      %dma_start3A_105 = arith.constant 0 : i32
      %dma_start3A_106 = tpu.memref_slice %arg8[%add3A_65, %dma_start3A_105] : memref<10240x128xf32, #tpu.memory_space<vmem_shared>> -> memref<32x128xf32, #tpu.memory_space<vmem_shared>>
      tpu.enqueue_dma source(%arg7 : memref<32x128xf32, #tpu.memory_space<vmem>>) target(%dma_start3A_106 : memref<32x128xf32, #tpu.memory_space<vmem_shared>>) target_semaphore(%run_scoped3A_102 : memref<!tpu.dma_semaphore, #tpu.memory_space<semaphore_mem>>)
      %dma_wait3A_107 = arith.constant 0 : i32
      %dma_wait3A_108 = tpu.memref_slice %arg8[%add3A_65, %dma_wait3A_107] : memref<10240x128xf32, #tpu.memory_space<vmem_shared>> -> memref<32x128xf32, #tpu.memory_space<vmem_shared>>
      %dma_wait3A_109 = arith.constant 0 : i32
      %dma_wait3A_110 = tpu.memref_slice %arg8[%add3A_65, %dma_wait3A_109] : memref<10240x128xf32, #tpu.memory_space<vmem_shared>> -> memref<32x128xf32, #tpu.memory_space<vmem_shared>>
      tpu.wait_dma2 semaphore(%run_scoped3A_102 : memref<!tpu.dma_semaphore, #tpu.memory_space<semaphore_mem>>) src(%arg7 : memref<32x128xf32, #tpu.memory_space<vmem>>) dst(%dma_wait3A_110 : memref<32x128xf32, #tpu.memory_space<vmem_shared>>)
      tpu.yield
    }) : () -> ()
    %add3A_66 = arith.constant 480 : i32
    %add3A_67 = arith.addi %mul3A_35, %add3A_66 : i32
    "tpu.region"() ({
      %run_scoped3A_102 = tpu.sem_alloc : memref<!tpu.dma_semaphore, #tpu.memory_space<semaphore_mem>>
      %dma_start3A_103 = arith.constant 0 : i32
      %dma_start3A_104 = tpu.memref_slice %arg8[%add3A_67, %dma_start3A_103] : memref<10240x128xf32, #tpu.memory_space<vmem_shared>> -> memref<32x128xf32, #tpu.memory_space<vmem_shared>>
      %dma_start3A_105 = arith.constant 0 : i32
      %dma_start3A_106 = tpu.memref_slice %arg8[%add3A_67, %dma_start3A_105] : memref<10240x128xf32, #tpu.memory_space<vmem_shared>> -> memref<32x128xf32, #tpu.memory_space<vmem_shared>>
      tpu.enqueue_dma source(%arg7 : memref<32x128xf32, #tpu.memory_space<vmem>>) target(%dma_start3A_106 : memref<32x128xf32, #tpu.memory_space<vmem_shared>>) target_semaphore(%run_scoped3A_102 : memref<!tpu.dma_semaphore, #tpu.memory_space<semaphore_mem>>)
      %dma_wait3A_107 = arith.constant 0 : i32
      %dma_wait3A_108 = tpu.memref_slice %arg8[%add3A_67, %dma_wait3A_107] : memref<10240x128xf32, #tpu.memory_space<vmem_shared>> -> memref<32x128xf32, #tpu.memory_space<vmem_shared>>
      %dma_wait3A_109 = arith.constant 0 : i32
      %dma_wait3A_110 = tpu.memref_slice %arg8[%add3A_67, %dma_wait3A_109] : memref<10240x128xf32, #tpu.memory_space<vmem_shared>> -> memref<32x128xf32, #tpu.memory_space<vmem_shared>>
      tpu.wait_dma2 semaphore(%run_scoped3A_102 : memref<!tpu.dma_semaphore, #tpu.memory_space<semaphore_mem>>) src(%arg7 : memref<32x128xf32, #tpu.memory_space<vmem>>) dst(%dma_wait3A_110 : memref<32x128xf32, #tpu.memory_space<vmem_shared>>)
      tpu.yield
    }) : () -> ()
    %add3A_68 = arith.constant 512 : i32
    %add3A_69 = arith.addi %mul3A_35, %add3A_68 : i32
    "tpu.region"() ({
      %run_scoped3A_102 = tpu.sem_alloc : memref<!tpu.dma_semaphore, #tpu.memory_space<semaphore_mem>>
      %dma_start3A_103 = arith.constant 0 : i32
      %dma_start3A_104 = tpu.memref_slice %arg8[%add3A_69, %dma_start3A_103] : memref<10240x128xf32, #tpu.memory_space<vmem_shared>> -> memref<32x128xf32, #tpu.memory_space<vmem_shared>>
      %dma_start3A_105 = arith.constant 0 : i32
      %dma_start3A_106 = tpu.memref_slice %arg8[%add3A_69, %dma_start3A_105] : memref<10240x128xf32, #tpu.memory_space<vmem_shared>> -> memref<32x128xf32, #tpu.memory_space<vmem_shared>>
      tpu.enqueue_dma source(%arg7 : memref<32x128xf32, #tpu.memory_space<vmem>>) target(%dma_start3A_106 : memref<32x128xf32, #tpu.memory_space<vmem_shared>>) target_semaphore(%run_scoped3A_102 : memref<!tpu.dma_semaphore, #tpu.memory_space<semaphore_mem>>)
      %dma_wait3A_107 = arith.constant 0 : i32
      %dma_wait3A_108 = tpu.memref_slice %arg8[%add3A_69, %dma_wait3A_107] : memref<10240x128xf32, #tpu.memory_space<vmem_shared>> -> memref<32x128xf32, #tpu.memory_space<vmem_shared>>
      %dma_wait3A_109 = arith.constant 0 : i32
      %dma_wait3A_110 = tpu.memref_slice %arg8[%add3A_69, %dma_wait3A_109] : memref<10240x128xf32, #tpu.memory_space<vmem_shared>> -> memref<32x128xf32, #tpu.memory_space<vmem_shared>>
      tpu.wait_dma2 semaphore(%run_scoped3A_102 : memref<!tpu.dma_semaphore, #tpu.memory_space<semaphore_mem>>) src(%arg7 : memref<32x128xf32, #tpu.memory_space<vmem>>) dst(%dma_wait3A_110 : memref<32x128xf32, #tpu.memory_space<vmem_shared>>)
      tpu.yield
    }) : () -> ()
    %add3A_70 = arith.constant 544 : i32
    %add3A_71 = arith.addi %mul3A_35, %add3A_70 : i32
    "tpu.region"() ({
      %run_scoped3A_102 = tpu.sem_alloc : memref<!tpu.dma_semaphore, #tpu.memory_space<semaphore_mem>>
      %dma_start3A_103 = arith.constant 0 : i32
      %dma_start3A_104 = tpu.memref_slice %arg8[%add3A_71, %dma_start3A_103] : memref<10240x128xf32, #tpu.memory_space<vmem_shared>> -> memref<32x128xf32, #tpu.memory_space<vmem_shared>>
      %dma_start3A_105 = arith.constant 0 : i32
      %dma_start3A_106 = tpu.memref_slice %arg8[%add3A_71, %dma_start3A_105] : memref<10240x128xf32, #tpu.memory_space<vmem_shared>> -> memref<32x128xf32, #tpu.memory_space<vmem_shared>>
      tpu.enqueue_dma source(%arg7 : memref<32x128xf32, #tpu.memory_space<vmem>>) target(%dma_start3A_106 : memref<32x128xf32, #tpu.memory_space<vmem_shared>>) target_semaphore(%run_scoped3A_102 : memref<!tpu.dma_semaphore, #tpu.memory_space<semaphore_mem>>)
      %dma_wait3A_107 = arith.constant 0 : i32
      %dma_wait3A_108 = tpu.memref_slice %arg8[%add3A_71, %dma_wait3A_107] : memref<10240x128xf32, #tpu.memory_space<vmem_shared>> -> memref<32x128xf32, #tpu.memory_space<vmem_shared>>
      %dma_wait3A_109 = arith.constant 0 : i32
      %dma_wait3A_110 = tpu.memref_slice %arg8[%add3A_71, %dma_wait3A_109] : memref<10240x128xf32, #tpu.memory_space<vmem_shared>> -> memref<32x128xf32, #tpu.memory_space<vmem_shared>>
      tpu.wait_dma2 semaphore(%run_scoped3A_102 : memref<!tpu.dma_semaphore, #tpu.memory_space<semaphore_mem>>) src(%arg7 : memref<32x128xf32, #tpu.memory_space<vmem>>) dst(%dma_wait3A_110 : memref<32x128xf32, #tpu.memory_space<vmem_shared>>)
      tpu.yield
    }) : () -> ()
    %add3A_72 = arith.constant 576 : i32
    %add3A_73 = arith.addi %mul3A_35, %add3A_72 : i32
    "tpu.region"() ({
      %run_scoped3A_102 = tpu.sem_alloc : memref<!tpu.dma_semaphore, #tpu.memory_space<semaphore_mem>>
      %dma_start3A_103 = arith.constant 0 : i32
      %dma_start3A_104 = tpu.memref_slice %arg8[%add3A_73, %dma_start3A_103] : memref<10240x128xf32, #tpu.memory_space<vmem_shared>> -> memref<32x128xf32, #tpu.memory_space<vmem_shared>>
      %dma_start3A_105 = arith.constant 0 : i32
      %dma_start3A_106 = tpu.memref_slice %arg8[%add3A_73, %dma_start3A_105] : memref<10240x128xf32, #tpu.memory_space<vmem_shared>> -> memref<32x128xf32, #tpu.memory_space<vmem_shared>>
      tpu.enqueue_dma source(%arg7 : memref<32x128xf32, #tpu.memory_space<vmem>>) target(%dma_start3A_106 : memref<32x128xf32, #tpu.memory_space<vmem_shared>>) target_semaphore(%run_scoped3A_102 : memref<!tpu.dma_semaphore, #tpu.memory_space<semaphore_mem>>)
      %dma_wait3A_107 = arith.constant 0 : i32
      %dma_wait3A_108 = tpu.memref_slice %arg8[%add3A_73, %dma_wait3A_107] : memref<10240x128xf32, #tpu.memory_space<vmem_shared>> -> memref<32x128xf32, #tpu.memory_space<vmem_shared>>
      %dma_wait3A_109 = arith.constant 0 : i32
      %dma_wait3A_110 = tpu.memref_slice %arg8[%add3A_73, %dma_wait3A_109] : memref<10240x128xf32, #tpu.memory_space<vmem_shared>> -> memref<32x128xf32, #tpu.memory_space<vmem_shared>>
      tpu.wait_dma2 semaphore(%run_scoped3A_102 : memref<!tpu.dma_semaphore, #tpu.memory_space<semaphore_mem>>) src(%arg7 : memref<32x128xf32, #tpu.memory_space<vmem>>) dst(%dma_wait3A_110 : memref<32x128xf32, #tpu.memory_space<vmem_shared>>)
      tpu.yield
    }) : () -> ()
    %add3A_74 = arith.constant 608 : i32
    %add3A_75 = arith.addi %mul3A_35, %add3A_74 : i32
    "tpu.region"() ({
      %run_scoped3A_102 = tpu.sem_alloc : memref<!tpu.dma_semaphore, #tpu.memory_space<semaphore_mem>>
      %dma_start3A_103 = arith.constant 0 : i32
      %dma_start3A_104 = tpu.memref_slice %arg8[%add3A_75, %dma_start3A_103] : memref<10240x128xf32, #tpu.memory_space<vmem_shared>> -> memref<32x128xf32, #tpu.memory_space<vmem_shared>>
      %dma_start3A_105 = arith.constant 0 : i32
      %dma_start3A_106 = tpu.memref_slice %arg8[%add3A_75, %dma_start3A_105] : memref<10240x128xf32, #tpu.memory_space<vmem_shared>> -> memref<32x128xf32, #tpu.memory_space<vmem_shared>>
      tpu.enqueue_dma source(%arg7 : memref<32x128xf32, #tpu.memory_space<vmem>>) target(%dma_start3A_106 : memref<32x128xf32, #tpu.memory_space<vmem_shared>>) target_semaphore(%run_scoped3A_102 : memref<!tpu.dma_semaphore, #tpu.memory_space<semaphore_mem>>)
      %dma_wait3A_107 = arith.constant 0 : i32
      %dma_wait3A_108 = tpu.memref_slice %arg8[%add3A_75, %dma_wait3A_107] : memref<10240x128xf32, #tpu.memory_space<vmem_shared>> -> memref<32x128xf32, #tpu.memory_space<vmem_shared>>
      %dma_wait3A_109 = arith.constant 0 : i32
      %dma_wait3A_110 = tpu.memref_slice %arg8[%add3A_75, %dma_wait3A_109] : memref<10240x128xf32, #tpu.memory_space<vmem_shared>> -> memref<32x128xf32, #tpu.memory_space<vmem_shared>>
      tpu.wait_dma2 semaphore(%run_scoped3A_102 : memref<!tpu.dma_semaphore, #tpu.memory_space<semaphore_mem>>) src(%arg7 : memref<32x128xf32, #tpu.memory_space<vmem>>) dst(%dma_wait3A_110 : memref<32x128xf32, #tpu.memory_space<vmem_shared>>)
      tpu.yield
    }) : () -> ()
    %barrier3A = arith.constant 0 : index
    tpu.barrier barrier_id(%barrier3A)
    %scan3A_76 = arith.constant 0 : i32
    %scan3A_77 = arith.constant 0 : i32
    %scan3A_78 = arith.constant 39 : i32
    %scan3A_79 = arith.addi %scan3A_77, %scan3A_78 : i32
    %scan3A_80 = arith.constant 1 : i32
    %scan3A_81 = scf.for %scan3A_102 = %scan3A_77 to %scan3A_79 step %scan3A_80 iter_args(%scan3A_103 = %scan3A_76) -> (i32)  : i32 {
      %mul3A_104 = arith.constant 2 : i32
      %mul3A_105 = arith.muli %mul3A_104, %scan3A_102 : i32
      %add3A_106 = arith.constant 0 : i32
      %add3A_107 = arith.addi %mul3A_105, %add3A_106 : i32
      %dma_wait3A_108 = arith.constant 0 : i32
      %dma_wait3A_109 = arith.constant 0 : i32
      %dma_wait3A_110 = tpu.memref_slice %arg2[%add3A, %add3A_107, %dma_wait3A_108, %dma_wait3A_109] : memref<32x80x2x128xi32, #tpu.memory_space<hbm>> -> memref<1x1x2x128xi32, #tpu.memory_space<hbm>>
      %dma_wait3A_111 = tpu.memref_squeeze %dma_wait3A_110 : memref<1x1x2x128xi32, #tpu.memory_space<hbm>> -> memref<2x128xi32, #tpu.memory_space<hbm>>
      %dma_wait3A_112 = arith.constant 0 : i32
      %dma_wait3A_113 = arith.constant 0 : i32
      %dma_wait3A_114 = tpu.memref_slice %arg2[%add3A, %add3A_107, %dma_wait3A_112, %dma_wait3A_113] : memref<32x80x2x128xi32, #tpu.memory_space<hbm>> -> memref<1x1x2x128xi32, #tpu.memory_space<hbm>>
      %dma_wait3A_115 = tpu.memref_squeeze %dma_wait3A_114 : memref<1x1x2x128xi32, #tpu.memory_space<hbm>> -> memref<2x128xi32, #tpu.memory_space<hbm>>
      tpu.wait_dma2 semaphore(%arg9 : memref<!tpu.dma_semaphore, #tpu.memory_space<semaphore_mem>>) src(%dma_wait3A_115 : memref<2x128xi32, #tpu.memory_space<hbm>>) dst(%arg4 : memref<2x128xi32, #tpu.memory_space<vmem>>)
      %run_scoped3A_116 = arith.constant 1 : i32
      "tpu.region"() ({
        %run_scoped3A_151 = tpu.sem_alloc : memref<!tpu.dma_semaphore, #tpu.memory_space<semaphore_mem>>
        %dma_start3A_152 = arith.constant 0 : i32
        %dma_start3A_153 = tpu.memref_slice %arg4[%run_scoped3A_116, %dma_start3A_152] : memref<2x128xi32, #tpu.memory_space<vmem>> -> memref<1x128xi32, #tpu.memory_space<vmem>>
        %dma_start3A_154 = tpu.memref_squeeze %dma_start3A_153 : memref<1x128xi32, #tpu.memory_space<vmem>> -> memref<128xi32, #tpu.memory_space<vmem>>
        %dma_start3A_155 = arith.constant 0 : i32
        %dma_start3A_156 = arith.constant 0 : i32
        %dma_start3A_157 = tpu.memref_slice %arg8[%dma_start3A_155, %dma_start3A_156] : memref<10240x128xf32, #tpu.memory_space<vmem_shared>> -> memref<10240x128xf32, #tpu.memory_space<vmem_shared>>
        tpu.enqueue_indirect_dma source(%arg6 : memref<128x128xf32, #tpu.memory_space<vmem>>) target(%dma_start3A_157 : memref<10240x128xf32, #tpu.memory_space<vmem_shared>>) offsets(%dma_start3A_154 : memref<128xi32, #tpu.memory_space<vmem>>) semaphore(%run_scoped3A_151 : memref<!tpu.dma_semaphore, #tpu.memory_space<semaphore_mem>>) {add = true}
        %dma_wait3A_158 = arith.constant 0 : i32
        %dma_wait3A_159 = tpu.memref_slice %arg4[%run_scoped3A_116, %dma_wait3A_158] : memref<2x128xi32, #tpu.memory_space<vmem>> -> memref<1x128xi32, #tpu.memory_space<vmem>>
        %dma_wait3A_160 = tpu.memref_squeeze %dma_wait3A_159 : memref<1x128xi32, #tpu.memory_space<vmem>> -> memref<128xi32, #tpu.memory_space<vmem>>
        %dma_wait3A_161 = arith.constant 0 : i32
        %dma_wait3A_162 = arith.constant 0 : i32
        %dma_wait3A_163 = tpu.memref_slice %arg8[%dma_wait3A_161, %dma_wait3A_162] : memref<10240x128xf32, #tpu.memory_space<vmem_shared>> -> memref<10240x128xf32, #tpu.memory_space<vmem_shared>>
        tpu.wait_indirect_dma semaphore(%run_scoped3A_151 : memref<!tpu.dma_semaphore, #tpu.memory_space<semaphore_mem>>) src(%arg6 : memref<128x128xf32, #tpu.memory_space<vmem>>) dst(%dma_wait3A_163 : memref<10240x128xf32, #tpu.memory_space<vmem_shared>>)
        tpu.yield
      }) : () -> ()
      %add3A_117 = arith.constant 2 : i32
      %add3A_118 = arith.addi %add3A_107, %add3A_117 : i32
      %dma_start3A_119 = arith.constant 0 : i32
      %dma_start3A_120 = arith.constant 0 : i32
      %dma_start3A_121 = tpu.memref_slice %arg2[%add3A, %add3A_118, %dma_start3A_119, %dma_start3A_120] : memref<32x80x2x128xi32, #tpu.memory_space<hbm>> -> memref<1x1x2x128xi32, #tpu.memory_space<hbm>>
      %dma_start3A_122 = tpu.memref_squeeze %dma_start3A_121 : memref<1x1x2x128xi32, #tpu.memory_space<hbm>> -> memref<2x128xi32, #tpu.memory_space<hbm>>
      %dma_start3A_123 = arith.constant 0 : i32
      %dma_start3A_124 = arith.constant 0 : i32
      %dma_start3A_125 = tpu.memref_slice %arg2[%add3A, %add3A_118, %dma_start3A_123, %dma_start3A_124] : memref<32x80x2x128xi32, #tpu.memory_space<hbm>> -> memref<1x1x2x128xi32, #tpu.memory_space<hbm>>
      %dma_start3A_126 = tpu.memref_squeeze %dma_start3A_125 : memref<1x1x2x128xi32, #tpu.memory_space<hbm>> -> memref<2x128xi32, #tpu.memory_space<hbm>>
      tpu.enqueue_dma source(%dma_start3A_126 : memref<2x128xi32, #tpu.memory_space<hbm>>) target(%arg4 : memref<2x128xi32, #tpu.memory_space<vmem>>) target_semaphore(%arg9 : memref<!tpu.dma_semaphore, #tpu.memory_space<semaphore_mem>>)
      %mul3A_127 = arith.constant 2 : i32
      %mul3A_128 = arith.muli %mul3A_127, %scan3A_102 : i32
      %add3A_129 = arith.constant 1 : i32
      %add3A_130 = arith.addi %mul3A_128, %add3A_129 : i32
      %dma_wait3A_131 = arith.constant 0 : i32
      %dma_wait3A_132 = arith.constant 0 : i32
      %dma_wait3A_133 = tpu.memref_slice %arg2[%add3A, %add3A_130, %dma_wait3A_131, %dma_wait3A_132] : memref<32x80x2x128xi32, #tpu.memory_space<hbm>> -> memref<1x1x2x128xi32, #tpu.memory_space<hbm>>
      %dma_wait3A_134 = tpu.memref_squeeze %dma_wait3A_133 : memref<1x1x2x128xi32, #tpu.memory_space<hbm>> -> memref<2x128xi32, #tpu.memory_space<hbm>>
      %dma_wait3A_135 = arith.constant 0 : i32
      %dma_wait3A_136 = arith.constant 0 : i32
      %dma_wait3A_137 = tpu.memref_slice %arg2[%add3A, %add3A_130, %dma_wait3A_135, %dma_wait3A_136] : memref<32x80x2x128xi32, #tpu.memory_space<hbm>> -> memref<1x1x2x128xi32, #tpu.memory_space<hbm>>
      %dma_wait3A_138 = tpu.memref_squeeze %dma_wait3A_137 : memref<1x1x2x128xi32, #tpu.memory_space<hbm>> -> memref<2x128xi32, #tpu.memory_space<hbm>>
      tpu.wait_dma2 semaphore(%arg10 : memref<!tpu.dma_semaphore, #tpu.memory_space<semaphore_mem>>) src(%dma_wait3A_138 : memref<2x128xi32, #tpu.memory_space<hbm>>) dst(%arg5 : memref<2x128xi32, #tpu.memory_space<vmem>>)
      %run_scoped3A_139 = arith.constant 1 : i32
      "tpu.region"() ({
        %run_scoped3A_151 = tpu.sem_alloc : memref<!tpu.dma_semaphore, #tpu.memory_space<semaphore_mem>>
        %dma_start3A_152 = arith.constant 0 : i32
        %dma_start3A_153 = tpu.memref_slice %arg5[%run_scoped3A_139, %dma_start3A_152] : memref<2x128xi32, #tpu.memory_space<vmem>> -> memref<1x128xi32, #tpu.memory_space<vmem>>
        %dma_start3A_154 = tpu.memref_squeeze %dma_start3A_153 : memref<1x128xi32, #tpu.memory_space<vmem>> -> memref<128xi32, #tpu.memory_space<vmem>>
        %dma_start3A_155 = arith.constant 0 : i32
        %dma_start3A_156 = arith.constant 0 : i32
        %dma_start3A_157 = tpu.memref_slice %arg8[%dma_start3A_155, %dma_start3A_156] : memref<10240x128xf32, #tpu.memory_space<vmem_shared>> -> memref<10240x128xf32, #tpu.memory_space<vmem_shared>>
        tpu.enqueue_indirect_dma source(%arg6 : memref<128x128xf32, #tpu.memory_space<vmem>>) target(%dma_start3A_157 : memref<10240x128xf32, #tpu.memory_space<vmem_shared>>) offsets(%dma_start3A_154 : memref<128xi32, #tpu.memory_space<vmem>>) semaphore(%run_scoped3A_151 : memref<!tpu.dma_semaphore, #tpu.memory_space<semaphore_mem>>) {add = true}
        %dma_wait3A_158 = arith.constant 0 : i32
        %dma_wait3A_159 = tpu.memref_slice %arg5[%run_scoped3A_139, %dma_wait3A_158] : memref<2x128xi32, #tpu.memory_space<vmem>> -> memref<1x128xi32, #tpu.memory_space<vmem>>
        %dma_wait3A_160 = tpu.memref_squeeze %dma_wait3A_159 : memref<1x128xi32, #tpu.memory_space<vmem>> -> memref<128xi32, #tpu.memory_space<vmem>>
        %dma_wait3A_161 = arith.constant 0 : i32
        %dma_wait3A_162 = arith.constant 0 : i32
        %dma_wait3A_163 = tpu.memref_slice %arg8[%dma_wait3A_161, %dma_wait3A_162] : memref<10240x128xf32, #tpu.memory_space<vmem_shared>> -> memref<10240x128xf32, #tpu.memory_space<vmem_shared>>
        tpu.wait_indirect_dma semaphore(%run_scoped3A_151 : memref<!tpu.dma_semaphore, #tpu.memory_space<semaphore_mem>>) src(%arg6 : memref<128x128xf32, #tpu.memory_space<vmem>>) dst(%dma_wait3A_163 : memref<10240x128xf32, #tpu.memory_space<vmem_shared>>)
        tpu.yield
      }) : () -> ()
      %add3A_140 = arith.constant 2 : i32
      %add3A_141 = arith.addi %add3A_130, %add3A_140 : i32
      %dma_start3A_142 = arith.constant 0 : i32
      %dma_start3A_143 = arith.constant 0 : i32
      %dma_start3A_144 = tpu.memref_slice %arg2[%add3A, %add3A_141, %dma_start3A_142, %dma_start3A_143] : memref<32x80x2x128xi32, #tpu.memory_space<hbm>> -> memref<1x1x2x128xi32, #tpu.memory_space<hbm>>
      %dma_start3A_145 = tpu.memref_squeeze %dma_start3A_144 : memref<1x1x2x128xi32, #tpu.memory_space<hbm>> -> memref<2x128xi32, #tpu.memory_space<hbm>>
      %dma_start3A_146 = arith.constant 0 : i32
      %dma_start3A_147 = arith.constant 0 : i32
      %dma_start3A_148 = tpu.memref_slice %arg2[%add3A, %add3A_141, %dma_start3A_146, %dma_start3A_147] : memref<32x80x2x128xi32, #tpu.memory_space<hbm>> -> memref<1x1x2x128xi32, #tpu.memory_space<hbm>>
      %dma_start3A_149 = tpu.memref_squeeze %dma_start3A_148 : memref<1x1x2x128xi32, #tpu.memory_space<hbm>> -> memref<2x128xi32, #tpu.memory_space<hbm>>
      tpu.enqueue_dma source(%dma_start3A_149 : memref<2x128xi32, #tpu.memory_space<hbm>>) target(%arg5 : memref<2x128xi32, #tpu.memory_space<vmem>>) target_semaphore(%arg10 : memref<!tpu.dma_semaphore, #tpu.memory_space<semaphore_mem>>)
      %scan3A_150 = arith.constant 0 : i32
      scf.yield %scan3A_150 : i32
    }
    %scan3A_82 = arith.constant 39 : i32
    %dma_wait3A = arith.constant 78 : i32
    %dma_wait3A_83 = arith.constant 0 : i32
    %dma_wait3A_84 = arith.constant 0 : i32
    %dma_wait3A_85 = tpu.memref_slice %arg2[%add3A, %dma_wait3A, %dma_wait3A_83, %dma_wait3A_84] : memref<32x80x2x128xi32, #tpu.memory_space<hbm>> -> memref<1x1x2x128xi32, #tpu.memory_space<hbm>>
    %dma_wait3A_86 = tpu.memref_squeeze %dma_wait3A_85 : memref<1x1x2x128xi32, #tpu.memory_space<hbm>> -> memref<2x128xi32, #tpu.memory_space<hbm>>
    %dma_wait3A_87 = arith.constant 0 : i32
    %dma_wait3A_88 = arith.constant 0 : i32
    %dma_wait3A_89 = tpu.memref_slice %arg2[%add3A, %dma_wait3A, %dma_wait3A_87, %dma_wait3A_88] : memref<32x80x2x128xi32, #tpu.memory_space<hbm>> -> memref<1x1x2x128xi32, #tpu.memory_space<hbm>>
    %dma_wait3A_90 = tpu.memref_squeeze %dma_wait3A_89 : memref<1x1x2x128xi32, #tpu.memory_space<hbm>> -> memref<2x128xi32, #tpu.memory_space<hbm>>
    tpu.wait_dma2 semaphore(%arg9 : memref<!tpu.dma_semaphore, #tpu.memory_space<semaphore_mem>>) src(%dma_wait3A_90 : memref<2x128xi32, #tpu.memory_space<hbm>>) dst(%arg4 : memref<2x128xi32, #tpu.memory_space<vmem>>)
    %run_scoped3A = arith.constant 1 : i32
    "tpu.region"() ({
      %run_scoped3A_102 = tpu.sem_alloc : memref<!tpu.dma_semaphore, #tpu.memory_space<semaphore_mem>>
      %dma_start3A_103 = arith.constant 0 : i32
      %dma_start3A_104 = tpu.memref_slice %arg4[%run_scoped3A, %dma_start3A_103] : memref<2x128xi32, #tpu.memory_space<vmem>> -> memref<1x128xi32, #tpu.memory_space<vmem>>
      %dma_start3A_105 = tpu.memref_squeeze %dma_start3A_104 : memref<1x128xi32, #tpu.memory_space<vmem>> -> memref<128xi32, #tpu.memory_space<vmem>>
      %dma_start3A_106 = arith.constant 0 : i32
      %dma_start3A_107 = arith.constant 0 : i32
      %dma_start3A_108 = tpu.memref_slice %arg8[%dma_start3A_106, %dma_start3A_107] : memref<10240x128xf32, #tpu.memory_space<vmem_shared>> -> memref<10240x128xf32, #tpu.memory_space<vmem_shared>>
      tpu.enqueue_indirect_dma source(%arg6 : memref<128x128xf32, #tpu.memory_space<vmem>>) target(%dma_start3A_108 : memref<10240x128xf32, #tpu.memory_space<vmem_shared>>) offsets(%dma_start3A_105 : memref<128xi32, #tpu.memory_space<vmem>>) semaphore(%run_scoped3A_102 : memref<!tpu.dma_semaphore, #tpu.memory_space<semaphore_mem>>) {add = true}
      %dma_wait3A_109 = arith.constant 0 : i32
      %dma_wait3A_110 = tpu.memref_slice %arg4[%run_scoped3A, %dma_wait3A_109] : memref<2x128xi32, #tpu.memory_space<vmem>> -> memref<1x128xi32, #tpu.memory_space<vmem>>
      %dma_wait3A_111 = tpu.memref_squeeze %dma_wait3A_110 : memref<1x128xi32, #tpu.memory_space<vmem>> -> memref<128xi32, #tpu.memory_space<vmem>>
      %dma_wait3A_112 = arith.constant 0 : i32
      %dma_wait3A_113 = arith.constant 0 : i32
      %dma_wait3A_114 = tpu.memref_slice %arg8[%dma_wait3A_112, %dma_wait3A_113] : memref<10240x128xf32, #tpu.memory_space<vmem_shared>> -> memref<10240x128xf32, #tpu.memory_space<vmem_shared>>
      tpu.wait_indirect_dma semaphore(%run_scoped3A_102 : memref<!tpu.dma_semaphore, #tpu.memory_space<semaphore_mem>>) src(%arg6 : memref<128x128xf32, #tpu.memory_space<vmem>>) dst(%dma_wait3A_114 : memref<10240x128xf32, #tpu.memory_space<vmem_shared>>)
      tpu.yield
    }) : () -> ()
    %dma_wait3A_91 = arith.constant 79 : i32
    %dma_wait3A_92 = arith.constant 0 : i32
    %dma_wait3A_93 = arith.constant 0 : i32
    %dma_wait3A_94 = tpu.memref_slice %arg2[%add3A, %dma_wait3A_91, %dma_wait3A_92, %dma_wait3A_93] : memref<32x80x2x128xi32, #tpu.memory_space<hbm>> -> memref<1x1x2x128xi32, #tpu.memory_space<hbm>>
    %dma_wait3A_95 = tpu.memref_squeeze %dma_wait3A_94 : memref<1x1x2x128xi32, #tpu.memory_space<hbm>> -> memref<2x128xi32, #tpu.memory_space<hbm>>
    %dma_wait3A_96 = arith.constant 0 : i32
    %dma_wait3A_97 = arith.constant 0 : i32
    %dma_wait3A_98 = tpu.memref_slice %arg2[%add3A, %dma_wait3A_91, %dma_wait3A_96, %dma_wait3A_97] : memref<32x80x2x128xi32, #tpu.memory_space<hbm>> -> memref<1x1x2x128xi32, #tpu.memory_space<hbm>>
    %dma_wait3A_99 = tpu.memref_squeeze %dma_wait3A_98 : memref<1x1x2x128xi32, #tpu.memory_space<hbm>> -> memref<2x128xi32, #tpu.memory_space<hbm>>
    tpu.wait_dma2 semaphore(%arg10 : memref<!tpu.dma_semaphore, #tpu.memory_space<semaphore_mem>>) src(%dma_wait3A_99 : memref<2x128xi32, #tpu.memory_space<hbm>>) dst(%arg5 : memref<2x128xi32, #tpu.memory_space<vmem>>)
    %run_scoped3A_100 = arith.constant 1 : i32
    "tpu.region"() ({
      %run_scoped3A_102 = tpu.sem_alloc : memref<!tpu.dma_semaphore, #tpu.memory_space<semaphore_mem>>
      %dma_start3A_103 = arith.constant 0 : i32
      %dma_start3A_104 = tpu.memref_slice %arg5[%run_scoped3A_100, %dma_start3A_103] : memref<2x128xi32, #tpu.memory_space<vmem>> -> memref<1x128xi32, #tpu.memory_space<vmem>>
      %dma_start3A_105 = tpu.memref_squeeze %dma_start3A_104 : memref<1x128xi32, #tpu.memory_space<vmem>> -> memref<128xi32, #tpu.memory_space<vmem>>
      %dma_start3A_106 = arith.constant 0 : i32
      %dma_start3A_107 = arith.constant 0 : i32
      %dma_start3A_108 = tpu.memref_slice %arg8[%dma_start3A_106, %dma_start3A_107] : memref<10240x128xf32, #tpu.memory_space<vmem_shared>> -> memref<10240x128xf32, #tpu.memory_space<vmem_shared>>
      tpu.enqueue_indirect_dma source(%arg6 : memref<128x128xf32, #tpu.memory_space<vmem>>) target(%dma_start3A_108 : memref<10240x128xf32, #tpu.memory_space<vmem_shared>>) offsets(%dma_start3A_105 : memref<128xi32, #tpu.memory_space<vmem>>) semaphore(%run_scoped3A_102 : memref<!tpu.dma_semaphore, #tpu.memory_space<semaphore_mem>>) {add = true}
      %dma_wait3A_109 = arith.constant 0 : i32
      %dma_wait3A_110 = tpu.memref_slice %arg5[%run_scoped3A_100, %dma_wait3A_109] : memref<2x128xi32, #tpu.memory_space<vmem>> -> memref<1x128xi32, #tpu.memory_space<vmem>>
      %dma_wait3A_111 = tpu.memref_squeeze %dma_wait3A_110 : memref<1x128xi32, #tpu.memory_space<vmem>> -> memref<128xi32, #tpu.memory_space<vmem>>
      %dma_wait3A_112 = arith.constant 0 : i32
      %dma_wait3A_113 = arith.constant 0 : i32
      %dma_wait3A_114 = tpu.memref_slice %arg8[%dma_wait3A_112, %dma_wait3A_113] : memref<10240x128xf32, #tpu.memory_space<vmem_shared>> -> memref<10240x128xf32, #tpu.memory_space<vmem_shared>>
      tpu.wait_indirect_dma semaphore(%run_scoped3A_102 : memref<!tpu.dma_semaphore, #tpu.memory_space<semaphore_mem>>) src(%arg6 : memref<128x128xf32, #tpu.memory_space<vmem>>) dst(%dma_wait3A_114 : memref<10240x128xf32, #tpu.memory_space<vmem_shared>>)
      tpu.yield
    }) : () -> ()
    %barrier3A_101 = arith.constant 0 : index
    tpu.barrier barrier_id(%barrier3A_101)
    "tpu.region"() ({
      %run_scoped3A_102 = tpu.sem_alloc : memref<!tpu.dma_semaphore, #tpu.memory_space<semaphore_mem>>
      %dma_start3A_103 = arith.constant 0 : i32
      %dma_start3A_104 = tpu.memref_slice %arg3[%arg0, %mul3A_35, %dma_start3A_103] : memref<2x10240x128xf32, #tpu.memory_space<hbm>> -> memref<1x640x128xf32, #tpu.memory_space<hbm>>
      %dma_start3A_105 = tpu.memref_squeeze %dma_start3A_104 : memref<1x640x128xf32, #tpu.memory_space<hbm>> -> memref<640x128xf32, #tpu.memory_space<hbm>>
      %dma_start3A_106 = arith.constant 0 : i32
      %dma_start3A_107 = tpu.memref_slice %arg8[%mul3A_35, %dma_start3A_106] : memref<10240x128xf32, #tpu.memory_space<vmem_shared>> -> memref<640x128xf32, #tpu.memory_space<vmem_shared>>
      tpu.enqueue_dma source(%dma_start3A_107 : memref<640x128xf32, #tpu.memory_space<vmem_shared>>) target(%dma_start3A_105 : memref<640x128xf32, #tpu.memory_space<hbm>>) target_semaphore(%run_scoped3A_102 : memref<!tpu.dma_semaphore, #tpu.memory_space<semaphore_mem>>)
      %dma_wait3A_108 = arith.constant 0 : i32
      %dma_wait3A_109 = tpu.memref_slice %arg3[%arg0, %mul3A_35, %dma_wait3A_108] : memref<2x10240x128xf32, #tpu.memory_space<hbm>> -> memref<1x640x128xf32, #tpu.memory_space<hbm>>
      %dma_wait3A_110 = tpu.memref_squeeze %dma_wait3A_109 : memref<1x640x128xf32, #tpu.memory_space<hbm>> -> memref<640x128xf32, #tpu.memory_space<hbm>>
      %dma_wait3A_111 = arith.constant 0 : i32
      %dma_wait3A_112 = tpu.memref_slice %arg8[%mul3A_35, %dma_wait3A_111] : memref<10240x128xf32, #tpu.memory_space<vmem_shared>> -> memref<640x128xf32, #tpu.memory_space<vmem_shared>>
      tpu.wait_dma2 semaphore(%run_scoped3A_102 : memref<!tpu.dma_semaphore, #tpu.memory_space<semaphore_mem>>) src(%dma_wait3A_112 : memref<640x128xf32, #tpu.memory_space<vmem_shared>>) dst(%dma_wait3A_110 : memref<640x128xf32, #tpu.memory_space<hbm>>)
      tpu.yield
    }) : () -> ()
    return
  }
}

#map = affine_map<(d0, d1) -> (0, 0)>
#map1 = affine_map<(d0, d1) -> (0, 0, 0, 0)>
#map2 = affine_map<(d0, d1) -> (0, 0, 0)>
module attributes {stable_mosaic.version = 14 : i64} {
  func.func @_sc_aggregate(%arg0: i32, %arg1: i32, %arg2: memref<10000x128xf32, #tpu.memory_space<hbm>>, %arg3: memref<32x80x2x128xi32, #tpu.memory_space<hbm>>, %arg4: memref<2x10240x128xf32, #tpu.memory_space<hbm>>, %arg5: memref<2x128xi32, #tpu.memory_space<vmem>>, %arg6: memref<2x128xi32, #tpu.memory_space<vmem>>, %arg7: memref<128x128xf32, #tpu.memory_space<vmem>>, %arg8: memref<128x128xf32, #tpu.memory_space<vmem>>, %arg9: memref<32x128xf32, #tpu.memory_space<vmem>>, %arg10: memref<10240x128xf32, #tpu.memory_space<vmem_shared>>, %arg11: memref<!tpu.dma_semaphore, #tpu.memory_space<semaphore_mem>>, %arg12: memref<!tpu.dma_semaphore, #tpu.memory_space<semaphore_mem>>, %arg13: memref<!tpu.dma_semaphore, #tpu.memory_space<semaphore_mem>>, %arg14: memref<!tpu.dma_semaphore, #tpu.memory_space<semaphore_mem>>) attributes {dimension_semantics = [#tpu.dimension_semantics<core_parallel>, #tpu.dimension_semantics<subcore_parallel>], iteration_bounds = array<i64: 2, 16>, scalar_prefetch = 0 : i64, scratch_operands = 10 : i64, tpu.core_type = #tpu.core_type<sc_vector_subcore>, window_params = [{transform_indices = #map}, {transform_indices = #map1}, {transform_indices = #map2}]} {
    %mul3A = arith.constant 16 : i32
    %mul3A_0 = arith.muli %arg0, %mul3A : i32
    %add3A = arith.addi %mul3A_0, %arg1 : i32
    %dma_start3A = arith.constant 0 : i32
    %dma_start3A_1 = arith.constant 0 : i32
    %dma_start3A_2 = arith.constant 0 : i32
    %dma_start3A_3 = tpu.memref_slice %arg3[%add3A, %dma_start3A, %dma_start3A_1, %dma_start3A_2] : memref<32x80x2x128xi32, #tpu.memory_space<hbm>> -> memref<1x1x2x128xi32, #tpu.memory_space<hbm>>
    %dma_start3A_4 = tpu.memref_squeeze %dma_start3A_3 : memref<1x1x2x128xi32, #tpu.memory_space<hbm>> -> memref<2x128xi32, #tpu.memory_space<hbm>>
    %dma_start3A_5 = arith.constant 0 : i32
    %dma_start3A_6 = arith.constant 0 : i32
    %dma_start3A_7 = tpu.memref_slice %arg3[%add3A, %dma_start3A, %dma_start3A_5, %dma_start3A_6] : memref<32x80x2x128xi32, #tpu.memory_space<hbm>> -> memref<1x1x2x128xi32, #tpu.memory_space<hbm>>
    %dma_start3A_8 = tpu.memref_squeeze %dma_start3A_7 : memref<1x1x2x128xi32, #tpu.memory_space<hbm>> -> memref<2x128xi32, #tpu.memory_space<hbm>>
    tpu.enqueue_dma source(%dma_start3A_8 : memref<2x128xi32, #tpu.memory_space<hbm>>) target(%arg5 : memref<2x128xi32, #tpu.memory_space<vmem>>) target_semaphore(%arg13 : memref<!tpu.dma_semaphore, #tpu.memory_space<semaphore_mem>>)
    %dma_start3A_9 = arith.constant 1 : i32
    %dma_start3A_10 = arith.constant 0 : i32
    %dma_start3A_11 = arith.constant 0 : i32
    %dma_start3A_12 = tpu.memref_slice %arg3[%add3A, %dma_start3A_9, %dma_start3A_10, %dma_start3A_11] : memref<32x80x2x128xi32, #tpu.memory_space<hbm>> -> memref<1x1x2x128xi32, #tpu.memory_space<hbm>>
    %dma_start3A_13 = tpu.memref_squeeze %dma_start3A_12 : memref<1x1x2x128xi32, #tpu.memory_space<hbm>> -> memref<2x128xi32, #tpu.memory_space<hbm>>
    %dma_start3A_14 = arith.constant 0 : i32
    %dma_start3A_15 = arith.constant 0 : i32
    %dma_start3A_16 = tpu.memref_slice %arg3[%add3A, %dma_start3A_9, %dma_start3A_14, %dma_start3A_15] : memref<32x80x2x128xi32, #tpu.memory_space<hbm>> -> memref<1x1x2x128xi32, #tpu.memory_space<hbm>>
    %dma_start3A_17 = tpu.memref_squeeze %dma_start3A_16 : memref<1x1x2x128xi32, #tpu.memory_space<hbm>> -> memref<2x128xi32, #tpu.memory_space<hbm>>
    tpu.enqueue_dma source(%dma_start3A_17 : memref<2x128xi32, #tpu.memory_space<hbm>>) target(%arg6 : memref<2x128xi32, #tpu.memory_space<vmem>>) target_semaphore(%arg14 : memref<!tpu.dma_semaphore, #tpu.memory_space<semaphore_mem>>)
    %broadcast_in_dim3A = arith.constant 0.000000e+00 : f32
    %broadcast_in_dim3A_18 = vector.broadcast %broadcast_in_dim3A : f32 to vector<16xf32>
    %scan3A = arith.constant 0 : i32
    %scan3A_19 = arith.constant 0 : i32
    %scan3A_20 = arith.constant 32 : i32
    %scan3A_21 = arith.addi %scan3A_19, %scan3A_20 : i32
    %scan3A_22 = arith.constant 1 : i32
    %scan3A_23 = scf.for %scan3A_121 = %scan3A_19 to %scan3A_21 step %scan3A_22 iter_args(%scan3A_122 = %scan3A) -> (i32)  : i32 {
      %swap3A = arith.index_cast %scan3A_121 : i32 to index
      %swap3A_123 = arith.constant 0 : index
      %swap3A_124 = tpu.vector_load %arg9[%swap3A, %swap3A_123] {strides = array<i32>} : memref<32x128xf32, #tpu.memory_space<vmem>>, vector<1x16xf32>,
      %swap3A_125 = vector.shape_cast %swap3A_124 : vector<1x16xf32> to vector<16xf32>
      %swap3A_126 = vector.shape_cast %broadcast_in_dim3A_18 : vector<16xf32> to vector<1x16xf32>
      tpu.vector_store %arg9[%swap3A, %swap3A_123], %swap3A_126 {strides = array<i32>} : memref<32x128xf32, #tpu.memory_space<vmem>>, vector<1x16xf32>,
      %swap3A_127 = arith.index_cast %scan3A_121 : i32 to index
      %swap3A_128 = arith.constant 16 : index
      %swap3A_129 = tpu.vector_load %arg9[%swap3A_127, %swap3A_128] {strides = array<i32>} : memref<32x128xf32, #tpu.memory_space<vmem>>, vector<1x16xf32>,
      %swap3A_130 = vector.shape_cast %swap3A_129 : vector<1x16xf32> to vector<16xf32>
      %swap3A_131 = vector.shape_cast %broadcast_in_dim3A_18 : vector<16xf32> to vector<1x16xf32>
      tpu.vector_store %arg9[%swap3A_127, %swap3A_128], %swap3A_131 {strides = array<i32>} : memref<32x128xf32, #tpu.memory_space<vmem>>, vector<1x16xf32>,
      %swap3A_132 = arith.index_cast %scan3A_121 : i32 to index
      %swap3A_133 = arith.constant 32 : index
      %swap3A_134 = tpu.vector_load %arg9[%swap3A_132, %swap3A_133] {strides = array<i32>} : memref<32x128xf32, #tpu.memory_space<vmem>>, vector<1x16xf32>,
      %swap3A_135 = vector.shape_cast %swap3A_134 : vector<1x16xf32> to vector<16xf32>
      %swap3A_136 = vector.shape_cast %broadcast_in_dim3A_18 : vector<16xf32> to vector<1x16xf32>
      tpu.vector_store %arg9[%swap3A_132, %swap3A_133], %swap3A_136 {strides = array<i32>} : memref<32x128xf32, #tpu.memory_space<vmem>>, vector<1x16xf32>,
      %swap3A_137 = arith.index_cast %scan3A_121 : i32 to index
      %swap3A_138 = arith.constant 48 : index
      %swap3A_139 = tpu.vector_load %arg9[%swap3A_137, %swap3A_138] {strides = array<i32>} : memref<32x128xf32, #tpu.memory_space<vmem>>, vector<1x16xf32>,
      %swap3A_140 = vector.shape_cast %swap3A_139 : vector<1x16xf32> to vector<16xf32>
      %swap3A_141 = vector.shape_cast %broadcast_in_dim3A_18 : vector<16xf32> to vector<1x16xf32>
      tpu.vector_store %arg9[%swap3A_137, %swap3A_138], %swap3A_141 {strides = array<i32>} : memref<32x128xf32, #tpu.memory_space<vmem>>, vector<1x16xf32>,
      %swap3A_142 = arith.index_cast %scan3A_121 : i32 to index
      %swap3A_143 = arith.constant 64 : index
      %swap3A_144 = tpu.vector_load %arg9[%swap3A_142, %swap3A_143] {strides = array<i32>} : memref<32x128xf32, #tpu.memory_space<vmem>>, vector<1x16xf32>,
      %swap3A_145 = vector.shape_cast %swap3A_144 : vector<1x16xf32> to vector<16xf32>
      %swap3A_146 = vector.shape_cast %broadcast_in_dim3A_18 : vector<16xf32> to vector<1x16xf32>
      tpu.vector_store %arg9[%swap3A_142, %swap3A_143], %swap3A_146 {strides = array<i32>} : memref<32x128xf32, #tpu.memory_space<vmem>>, vector<1x16xf32>,
      %swap3A_147 = arith.index_cast %scan3A_121 : i32 to index
      %swap3A_148 = arith.constant 80 : index
      %swap3A_149 = tpu.vector_load %arg9[%swap3A_147, %swap3A_148] {strides = array<i32>} : memref<32x128xf32, #tpu.memory_space<vmem>>, vector<1x16xf32>,
      %swap3A_150 = vector.shape_cast %swap3A_149 : vector<1x16xf32> to vector<16xf32>
      %swap3A_151 = vector.shape_cast %broadcast_in_dim3A_18 : vector<16xf32> to vector<1x16xf32>
      tpu.vector_store %arg9[%swap3A_147, %swap3A_148], %swap3A_151 {strides = array<i32>} : memref<32x128xf32, #tpu.memory_space<vmem>>, vector<1x16xf32>,
      %swap3A_152 = arith.index_cast %scan3A_121 : i32 to index
      %swap3A_153 = arith.constant 96 : index
      %swap3A_154 = tpu.vector_load %arg9[%swap3A_152, %swap3A_153] {strides = array<i32>} : memref<32x128xf32, #tpu.memory_space<vmem>>, vector<1x16xf32>,
      %swap3A_155 = vector.shape_cast %swap3A_154 : vector<1x16xf32> to vector<16xf32>
      %swap3A_156 = vector.shape_cast %broadcast_in_dim3A_18 : vector<16xf32> to vector<1x16xf32>
      tpu.vector_store %arg9[%swap3A_152, %swap3A_153], %swap3A_156 {strides = array<i32>} : memref<32x128xf32, #tpu.memory_space<vmem>>, vector<1x16xf32>,
      %swap3A_157 = arith.index_cast %scan3A_121 : i32 to index
      %swap3A_158 = arith.constant 112 : index
      %swap3A_159 = tpu.vector_load %arg9[%swap3A_157, %swap3A_158] {strides = array<i32>} : memref<32x128xf32, #tpu.memory_space<vmem>>, vector<1x16xf32>,
      %swap3A_160 = vector.shape_cast %swap3A_159 : vector<1x16xf32> to vector<16xf32>
      %swap3A_161 = vector.shape_cast %broadcast_in_dim3A_18 : vector<16xf32> to vector<1x16xf32>
      tpu.vector_store %arg9[%swap3A_157, %swap3A_158], %swap3A_161 {strides = array<i32>} : memref<32x128xf32, #tpu.memory_space<vmem>>, vector<1x16xf32>,
      %scan3A_162 = arith.constant 0 : i32
      scf.yield %scan3A_162 : i32
    }
    %scan3A_24 = arith.constant 32 : i32
    %mul3A_25 = arith.constant 640 : i32
    %mul3A_26 = arith.muli %arg1, %mul3A_25 : i32
    %add3A_27 = arith.constant 0 : i32
    %add3A_28 = arith.addi %mul3A_26, %add3A_27 : i32
    "tpu.region"() ({
      %run_scoped3A_121 = tpu.sem_alloc : memref<!tpu.dma_semaphore, #tpu.memory_space<semaphore_mem>>
      %dma_start3A_122 = arith.constant 0 : i32
      %dma_start3A_123 = tpu.memref_slice %arg10[%add3A_28, %dma_start3A_122] : memref<10240x128xf32, #tpu.memory_space<vmem_shared>> -> memref<32x128xf32, #tpu.memory_space<vmem_shared>>
      %dma_start3A_124 = arith.constant 0 : i32
      %dma_start3A_125 = tpu.memref_slice %arg10[%add3A_28, %dma_start3A_124] : memref<10240x128xf32, #tpu.memory_space<vmem_shared>> -> memref<32x128xf32, #tpu.memory_space<vmem_shared>>
      tpu.enqueue_dma source(%arg9 : memref<32x128xf32, #tpu.memory_space<vmem>>) target(%dma_start3A_125 : memref<32x128xf32, #tpu.memory_space<vmem_shared>>) target_semaphore(%run_scoped3A_121 : memref<!tpu.dma_semaphore, #tpu.memory_space<semaphore_mem>>)
      %dma_wait3A_126 = arith.constant 0 : i32
      %dma_wait3A_127 = tpu.memref_slice %arg10[%add3A_28, %dma_wait3A_126] : memref<10240x128xf32, #tpu.memory_space<vmem_shared>> -> memref<32x128xf32, #tpu.memory_space<vmem_shared>>
      %dma_wait3A_128 = arith.constant 0 : i32
      %dma_wait3A_129 = tpu.memref_slice %arg10[%add3A_28, %dma_wait3A_128] : memref<10240x128xf32, #tpu.memory_space<vmem_shared>> -> memref<32x128xf32, #tpu.memory_space<vmem_shared>>
      tpu.wait_dma2 semaphore(%run_scoped3A_121 : memref<!tpu.dma_semaphore, #tpu.memory_space<semaphore_mem>>) src(%arg9 : memref<32x128xf32, #tpu.memory_space<vmem>>) dst(%dma_wait3A_129 : memref<32x128xf32, #tpu.memory_space<vmem_shared>>)
      tpu.yield
    }) : () -> ()
    %add3A_29 = arith.constant 32 : i32
    %add3A_30 = arith.addi %mul3A_26, %add3A_29 : i32
    "tpu.region"() ({
      %run_scoped3A_121 = tpu.sem_alloc : memref<!tpu.dma_semaphore, #tpu.memory_space<semaphore_mem>>
      %dma_start3A_122 = arith.constant 0 : i32
      %dma_start3A_123 = tpu.memref_slice %arg10[%add3A_30, %dma_start3A_122] : memref<10240x128xf32, #tpu.memory_space<vmem_shared>> -> memref<32x128xf32, #tpu.memory_space<vmem_shared>>
      %dma_start3A_124 = arith.constant 0 : i32
      %dma_start3A_125 = tpu.memref_slice %arg10[%add3A_30, %dma_start3A_124] : memref<10240x128xf32, #tpu.memory_space<vmem_shared>> -> memref<32x128xf32, #tpu.memory_space<vmem_shared>>
      tpu.enqueue_dma source(%arg9 : memref<32x128xf32, #tpu.memory_space<vmem>>) target(%dma_start3A_125 : memref<32x128xf32, #tpu.memory_space<vmem_shared>>) target_semaphore(%run_scoped3A_121 : memref<!tpu.dma_semaphore, #tpu.memory_space<semaphore_mem>>)
      %dma_wait3A_126 = arith.constant 0 : i32
      %dma_wait3A_127 = tpu.memref_slice %arg10[%add3A_30, %dma_wait3A_126] : memref<10240x128xf32, #tpu.memory_space<vmem_shared>> -> memref<32x128xf32, #tpu.memory_space<vmem_shared>>
      %dma_wait3A_128 = arith.constant 0 : i32
      %dma_wait3A_129 = tpu.memref_slice %arg10[%add3A_30, %dma_wait3A_128] : memref<10240x128xf32, #tpu.memory_space<vmem_shared>> -> memref<32x128xf32, #tpu.memory_space<vmem_shared>>
      tpu.wait_dma2 semaphore(%run_scoped3A_121 : memref<!tpu.dma_semaphore, #tpu.memory_space<semaphore_mem>>) src(%arg9 : memref<32x128xf32, #tpu.memory_space<vmem>>) dst(%dma_wait3A_129 : memref<32x128xf32, #tpu.memory_space<vmem_shared>>)
      tpu.yield
    }) : () -> ()
    %add3A_31 = arith.constant 64 : i32
    %add3A_32 = arith.addi %mul3A_26, %add3A_31 : i32
    "tpu.region"() ({
      %run_scoped3A_121 = tpu.sem_alloc : memref<!tpu.dma_semaphore, #tpu.memory_space<semaphore_mem>>
      %dma_start3A_122 = arith.constant 0 : i32
      %dma_start3A_123 = tpu.memref_slice %arg10[%add3A_32, %dma_start3A_122] : memref<10240x128xf32, #tpu.memory_space<vmem_shared>> -> memref<32x128xf32, #tpu.memory_space<vmem_shared>>
      %dma_start3A_124 = arith.constant 0 : i32
      %dma_start3A_125 = tpu.memref_slice %arg10[%add3A_32, %dma_start3A_124] : memref<10240x128xf32, #tpu.memory_space<vmem_shared>> -> memref<32x128xf32, #tpu.memory_space<vmem_shared>>
      tpu.enqueue_dma source(%arg9 : memref<32x128xf32, #tpu.memory_space<vmem>>) target(%dma_start3A_125 : memref<32x128xf32, #tpu.memory_space<vmem_shared>>) target_semaphore(%run_scoped3A_121 : memref<!tpu.dma_semaphore, #tpu.memory_space<semaphore_mem>>)
      %dma_wait3A_126 = arith.constant 0 : i32
      %dma_wait3A_127 = tpu.memref_slice %arg10[%add3A_32, %dma_wait3A_126] : memref<10240x128xf32, #tpu.memory_space<vmem_shared>> -> memref<32x128xf32, #tpu.memory_space<vmem_shared>>
      %dma_wait3A_128 = arith.constant 0 : i32
      %dma_wait3A_129 = tpu.memref_slice %arg10[%add3A_32, %dma_wait3A_128] : memref<10240x128xf32, #tpu.memory_space<vmem_shared>> -> memref<32x128xf32, #tpu.memory_space<vmem_shared>>
      tpu.wait_dma2 semaphore(%run_scoped3A_121 : memref<!tpu.dma_semaphore, #tpu.memory_space<semaphore_mem>>) src(%arg9 : memref<32x128xf32, #tpu.memory_space<vmem>>) dst(%dma_wait3A_129 : memref<32x128xf32, #tpu.memory_space<vmem_shared>>)
      tpu.yield
    }) : () -> ()
    %add3A_33 = arith.constant 96 : i32
    %add3A_34 = arith.addi %mul3A_26, %add3A_33 : i32
    "tpu.region"() ({
      %run_scoped3A_121 = tpu.sem_alloc : memref<!tpu.dma_semaphore, #tpu.memory_space<semaphore_mem>>
      %dma_start3A_122 = arith.constant 0 : i32
      %dma_start3A_123 = tpu.memref_slice %arg10[%add3A_34, %dma_start3A_122] : memref<10240x128xf32, #tpu.memory_space<vmem_shared>> -> memref<32x128xf32, #tpu.memory_space<vmem_shared>>
      %dma_start3A_124 = arith.constant 0 : i32
      %dma_start3A_125 = tpu.memref_slice %arg10[%add3A_34, %dma_start3A_124] : memref<10240x128xf32, #tpu.memory_space<vmem_shared>> -> memref<32x128xf32, #tpu.memory_space<vmem_shared>>
      tpu.enqueue_dma source(%arg9 : memref<32x128xf32, #tpu.memory_space<vmem>>) target(%dma_start3A_125 : memref<32x128xf32, #tpu.memory_space<vmem_shared>>) target_semaphore(%run_scoped3A_121 : memref<!tpu.dma_semaphore, #tpu.memory_space<semaphore_mem>>)
      %dma_wait3A_126 = arith.constant 0 : i32
      %dma_wait3A_127 = tpu.memref_slice %arg10[%add3A_34, %dma_wait3A_126] : memref<10240x128xf32, #tpu.memory_space<vmem_shared>> -> memref<32x128xf32, #tpu.memory_space<vmem_shared>>
      %dma_wait3A_128 = arith.constant 0 : i32
      %dma_wait3A_129 = tpu.memref_slice %arg10[%add3A_34, %dma_wait3A_128] : memref<10240x128xf32, #tpu.memory_space<vmem_shared>> -> memref<32x128xf32, #tpu.memory_space<vmem_shared>>
      tpu.wait_dma2 semaphore(%run_scoped3A_121 : memref<!tpu.dma_semaphore, #tpu.memory_space<semaphore_mem>>) src(%arg9 : memref<32x128xf32, #tpu.memory_space<vmem>>) dst(%dma_wait3A_129 : memref<32x128xf32, #tpu.memory_space<vmem_shared>>)
      tpu.yield
    }) : () -> ()
    %add3A_35 = arith.constant 128 : i32
    %add3A_36 = arith.addi %mul3A_26, %add3A_35 : i32
    "tpu.region"() ({
      %run_scoped3A_121 = tpu.sem_alloc : memref<!tpu.dma_semaphore, #tpu.memory_space<semaphore_mem>>
      %dma_start3A_122 = arith.constant 0 : i32
      %dma_start3A_123 = tpu.memref_slice %arg10[%add3A_36, %dma_start3A_122] : memref<10240x128xf32, #tpu.memory_space<vmem_shared>> -> memref<32x128xf32, #tpu.memory_space<vmem_shared>>
      %dma_start3A_124 = arith.constant 0 : i32
      %dma_start3A_125 = tpu.memref_slice %arg10[%add3A_36, %dma_start3A_124] : memref<10240x128xf32, #tpu.memory_space<vmem_shared>> -> memref<32x128xf32, #tpu.memory_space<vmem_shared>>
      tpu.enqueue_dma source(%arg9 : memref<32x128xf32, #tpu.memory_space<vmem>>) target(%dma_start3A_125 : memref<32x128xf32, #tpu.memory_space<vmem_shared>>) target_semaphore(%run_scoped3A_121 : memref<!tpu.dma_semaphore, #tpu.memory_space<semaphore_mem>>)
      %dma_wait3A_126 = arith.constant 0 : i32
      %dma_wait3A_127 = tpu.memref_slice %arg10[%add3A_36, %dma_wait3A_126] : memref<10240x128xf32, #tpu.memory_space<vmem_shared>> -> memref<32x128xf32, #tpu.memory_space<vmem_shared>>
      %dma_wait3A_128 = arith.constant 0 : i32
      %dma_wait3A_129 = tpu.memref_slice %arg10[%add3A_36, %dma_wait3A_128] : memref<10240x128xf32, #tpu.memory_space<vmem_shared>> -> memref<32x128xf32, #tpu.memory_space<vmem_shared>>
      tpu.wait_dma2 semaphore(%run_scoped3A_121 : memref<!tpu.dma_semaphore, #tpu.memory_space<semaphore_mem>>) src(%arg9 : memref<32x128xf32, #tpu.memory_space<vmem>>) dst(%dma_wait3A_129 : memref<32x128xf32, #tpu.memory_space<vmem_shared>>)
      tpu.yield
    }) : () -> ()
    %add3A_37 = arith.constant 160 : i32
    %add3A_38 = arith.addi %mul3A_26, %add3A_37 : i32
    "tpu.region"() ({
      %run_scoped3A_121 = tpu.sem_alloc : memref<!tpu.dma_semaphore, #tpu.memory_space<semaphore_mem>>
      %dma_start3A_122 = arith.constant 0 : i32
      %dma_start3A_123 = tpu.memref_slice %arg10[%add3A_38, %dma_start3A_122] : memref<10240x128xf32, #tpu.memory_space<vmem_shared>> -> memref<32x128xf32, #tpu.memory_space<vmem_shared>>
      %dma_start3A_124 = arith.constant 0 : i32
      %dma_start3A_125 = tpu.memref_slice %arg10[%add3A_38, %dma_start3A_124] : memref<10240x128xf32, #tpu.memory_space<vmem_shared>> -> memref<32x128xf32, #tpu.memory_space<vmem_shared>>
      tpu.enqueue_dma source(%arg9 : memref<32x128xf32, #tpu.memory_space<vmem>>) target(%dma_start3A_125 : memref<32x128xf32, #tpu.memory_space<vmem_shared>>) target_semaphore(%run_scoped3A_121 : memref<!tpu.dma_semaphore, #tpu.memory_space<semaphore_mem>>)
      %dma_wait3A_126 = arith.constant 0 : i32
      %dma_wait3A_127 = tpu.memref_slice %arg10[%add3A_38, %dma_wait3A_126] : memref<10240x128xf32, #tpu.memory_space<vmem_shared>> -> memref<32x128xf32, #tpu.memory_space<vmem_shared>>
      %dma_wait3A_128 = arith.constant 0 : i32
      %dma_wait3A_129 = tpu.memref_slice %arg10[%add3A_38, %dma_wait3A_128] : memref<10240x128xf32, #tpu.memory_space<vmem_shared>> -> memref<32x128xf32, #tpu.memory_space<vmem_shared>>
      tpu.wait_dma2 semaphore(%run_scoped3A_121 : memref<!tpu.dma_semaphore, #tpu.memory_space<semaphore_mem>>) src(%arg9 : memref<32x128xf32, #tpu.memory_space<vmem>>) dst(%dma_wait3A_129 : memref<32x128xf32, #tpu.memory_space<vmem_shared>>)
      tpu.yield
    }) : () -> ()
    %add3A_39 = arith.constant 192 : i32
    %add3A_40 = arith.addi %mul3A_26, %add3A_39 : i32
    "tpu.region"() ({
      %run_scoped3A_121 = tpu.sem_alloc : memref<!tpu.dma_semaphore, #tpu.memory_space<semaphore_mem>>
      %dma_start3A_122 = arith.constant 0 : i32
      %dma_start3A_123 = tpu.memref_slice %arg10[%add3A_40, %dma_start3A_122] : memref<10240x128xf32, #tpu.memory_space<vmem_shared>> -> memref<32x128xf32, #tpu.memory_space<vmem_shared>>
      %dma_start3A_124 = arith.constant 0 : i32
      %dma_start3A_125 = tpu.memref_slice %arg10[%add3A_40, %dma_start3A_124] : memref<10240x128xf32, #tpu.memory_space<vmem_shared>> -> memref<32x128xf32, #tpu.memory_space<vmem_shared>>
      tpu.enqueue_dma source(%arg9 : memref<32x128xf32, #tpu.memory_space<vmem>>) target(%dma_start3A_125 : memref<32x128xf32, #tpu.memory_space<vmem_shared>>) target_semaphore(%run_scoped3A_121 : memref<!tpu.dma_semaphore, #tpu.memory_space<semaphore_mem>>)
      %dma_wait3A_126 = arith.constant 0 : i32
      %dma_wait3A_127 = tpu.memref_slice %arg10[%add3A_40, %dma_wait3A_126] : memref<10240x128xf32, #tpu.memory_space<vmem_shared>> -> memref<32x128xf32, #tpu.memory_space<vmem_shared>>
      %dma_wait3A_128 = arith.constant 0 : i32
      %dma_wait3A_129 = tpu.memref_slice %arg10[%add3A_40, %dma_wait3A_128] : memref<10240x128xf32, #tpu.memory_space<vmem_shared>> -> memref<32x128xf32, #tpu.memory_space<vmem_shared>>
      tpu.wait_dma2 semaphore(%run_scoped3A_121 : memref<!tpu.dma_semaphore, #tpu.memory_space<semaphore_mem>>) src(%arg9 : memref<32x128xf32, #tpu.memory_space<vmem>>) dst(%dma_wait3A_129 : memref<32x128xf32, #tpu.memory_space<vmem_shared>>)
      tpu.yield
    }) : () -> ()
    %add3A_41 = arith.constant 224 : i32
    %add3A_42 = arith.addi %mul3A_26, %add3A_41 : i32
    "tpu.region"() ({
      %run_scoped3A_121 = tpu.sem_alloc : memref<!tpu.dma_semaphore, #tpu.memory_space<semaphore_mem>>
      %dma_start3A_122 = arith.constant 0 : i32
      %dma_start3A_123 = tpu.memref_slice %arg10[%add3A_42, %dma_start3A_122] : memref<10240x128xf32, #tpu.memory_space<vmem_shared>> -> memref<32x128xf32, #tpu.memory_space<vmem_shared>>
      %dma_start3A_124 = arith.constant 0 : i32
      %dma_start3A_125 = tpu.memref_slice %arg10[%add3A_42, %dma_start3A_124] : memref<10240x128xf32, #tpu.memory_space<vmem_shared>> -> memref<32x128xf32, #tpu.memory_space<vmem_shared>>
      tpu.enqueue_dma source(%arg9 : memref<32x128xf32, #tpu.memory_space<vmem>>) target(%dma_start3A_125 : memref<32x128xf32, #tpu.memory_space<vmem_shared>>) target_semaphore(%run_scoped3A_121 : memref<!tpu.dma_semaphore, #tpu.memory_space<semaphore_mem>>)
      %dma_wait3A_126 = arith.constant 0 : i32
      %dma_wait3A_127 = tpu.memref_slice %arg10[%add3A_42, %dma_wait3A_126] : memref<10240x128xf32, #tpu.memory_space<vmem_shared>> -> memref<32x128xf32, #tpu.memory_space<vmem_shared>>
      %dma_wait3A_128 = arith.constant 0 : i32
      %dma_wait3A_129 = tpu.memref_slice %arg10[%add3A_42, %dma_wait3A_128] : memref<10240x128xf32, #tpu.memory_space<vmem_shared>> -> memref<32x128xf32, #tpu.memory_space<vmem_shared>>
      tpu.wait_dma2 semaphore(%run_scoped3A_121 : memref<!tpu.dma_semaphore, #tpu.memory_space<semaphore_mem>>) src(%arg9 : memref<32x128xf32, #tpu.memory_space<vmem>>) dst(%dma_wait3A_129 : memref<32x128xf32, #tpu.memory_space<vmem_shared>>)
      tpu.yield
    }) : () -> ()
    %add3A_43 = arith.constant 256 : i32
    %add3A_44 = arith.addi %mul3A_26, %add3A_43 : i32
    "tpu.region"() ({
      %run_scoped3A_121 = tpu.sem_alloc : memref<!tpu.dma_semaphore, #tpu.memory_space<semaphore_mem>>
      %dma_start3A_122 = arith.constant 0 : i32
      %dma_start3A_123 = tpu.memref_slice %arg10[%add3A_44, %dma_start3A_122] : memref<10240x128xf32, #tpu.memory_space<vmem_shared>> -> memref<32x128xf32, #tpu.memory_space<vmem_shared>>
      %dma_start3A_124 = arith.constant 0 : i32
      %dma_start3A_125 = tpu.memref_slice %arg10[%add3A_44, %dma_start3A_124] : memref<10240x128xf32, #tpu.memory_space<vmem_shared>> -> memref<32x128xf32, #tpu.memory_space<vmem_shared>>
      tpu.enqueue_dma source(%arg9 : memref<32x128xf32, #tpu.memory_space<vmem>>) target(%dma_start3A_125 : memref<32x128xf32, #tpu.memory_space<vmem_shared>>) target_semaphore(%run_scoped3A_121 : memref<!tpu.dma_semaphore, #tpu.memory_space<semaphore_mem>>)
      %dma_wait3A_126 = arith.constant 0 : i32
      %dma_wait3A_127 = tpu.memref_slice %arg10[%add3A_44, %dma_wait3A_126] : memref<10240x128xf32, #tpu.memory_space<vmem_shared>> -> memref<32x128xf32, #tpu.memory_space<vmem_shared>>
      %dma_wait3A_128 = arith.constant 0 : i32
      %dma_wait3A_129 = tpu.memref_slice %arg10[%add3A_44, %dma_wait3A_128] : memref<10240x128xf32, #tpu.memory_space<vmem_shared>> -> memref<32x128xf32, #tpu.memory_space<vmem_shared>>
      tpu.wait_dma2 semaphore(%run_scoped3A_121 : memref<!tpu.dma_semaphore, #tpu.memory_space<semaphore_mem>>) src(%arg9 : memref<32x128xf32, #tpu.memory_space<vmem>>) dst(%dma_wait3A_129 : memref<32x128xf32, #tpu.memory_space<vmem_shared>>)
      tpu.yield
    }) : () -> ()
    %add3A_45 = arith.constant 288 : i32
    %add3A_46 = arith.addi %mul3A_26, %add3A_45 : i32
    "tpu.region"() ({
      %run_scoped3A_121 = tpu.sem_alloc : memref<!tpu.dma_semaphore, #tpu.memory_space<semaphore_mem>>
      %dma_start3A_122 = arith.constant 0 : i32
      %dma_start3A_123 = tpu.memref_slice %arg10[%add3A_46, %dma_start3A_122] : memref<10240x128xf32, #tpu.memory_space<vmem_shared>> -> memref<32x128xf32, #tpu.memory_space<vmem_shared>>
      %dma_start3A_124 = arith.constant 0 : i32
      %dma_start3A_125 = tpu.memref_slice %arg10[%add3A_46, %dma_start3A_124] : memref<10240x128xf32, #tpu.memory_space<vmem_shared>> -> memref<32x128xf32, #tpu.memory_space<vmem_shared>>
      tpu.enqueue_dma source(%arg9 : memref<32x128xf32, #tpu.memory_space<vmem>>) target(%dma_start3A_125 : memref<32x128xf32, #tpu.memory_space<vmem_shared>>) target_semaphore(%run_scoped3A_121 : memref<!tpu.dma_semaphore, #tpu.memory_space<semaphore_mem>>)
      %dma_wait3A_126 = arith.constant 0 : i32
      %dma_wait3A_127 = tpu.memref_slice %arg10[%add3A_46, %dma_wait3A_126] : memref<10240x128xf32, #tpu.memory_space<vmem_shared>> -> memref<32x128xf32, #tpu.memory_space<vmem_shared>>
      %dma_wait3A_128 = arith.constant 0 : i32
      %dma_wait3A_129 = tpu.memref_slice %arg10[%add3A_46, %dma_wait3A_128] : memref<10240x128xf32, #tpu.memory_space<vmem_shared>> -> memref<32x128xf32, #tpu.memory_space<vmem_shared>>
      tpu.wait_dma2 semaphore(%run_scoped3A_121 : memref<!tpu.dma_semaphore, #tpu.memory_space<semaphore_mem>>) src(%arg9 : memref<32x128xf32, #tpu.memory_space<vmem>>) dst(%dma_wait3A_129 : memref<32x128xf32, #tpu.memory_space<vmem_shared>>)
      tpu.yield
    }) : () -> ()
    %add3A_47 = arith.constant 320 : i32
    %add3A_48 = arith.addi %mul3A_26, %add3A_47 : i32
    "tpu.region"() ({
      %run_scoped3A_121 = tpu.sem_alloc : memref<!tpu.dma_semaphore, #tpu.memory_space<semaphore_mem>>
      %dma_start3A_122 = arith.constant 0 : i32
      %dma_start3A_123 = tpu.memref_slice %arg10[%add3A_48, %dma_start3A_122] : memref<10240x128xf32, #tpu.memory_space<vmem_shared>> -> memref<32x128xf32, #tpu.memory_space<vmem_shared>>
      %dma_start3A_124 = arith.constant 0 : i32
      %dma_start3A_125 = tpu.memref_slice %arg10[%add3A_48, %dma_start3A_124] : memref<10240x128xf32, #tpu.memory_space<vmem_shared>> -> memref<32x128xf32, #tpu.memory_space<vmem_shared>>
      tpu.enqueue_dma source(%arg9 : memref<32x128xf32, #tpu.memory_space<vmem>>) target(%dma_start3A_125 : memref<32x128xf32, #tpu.memory_space<vmem_shared>>) target_semaphore(%run_scoped3A_121 : memref<!tpu.dma_semaphore, #tpu.memory_space<semaphore_mem>>)
      %dma_wait3A_126 = arith.constant 0 : i32
      %dma_wait3A_127 = tpu.memref_slice %arg10[%add3A_48, %dma_wait3A_126] : memref<10240x128xf32, #tpu.memory_space<vmem_shared>> -> memref<32x128xf32, #tpu.memory_space<vmem_shared>>
      %dma_wait3A_128 = arith.constant 0 : i32
      %dma_wait3A_129 = tpu.memref_slice %arg10[%add3A_48, %dma_wait3A_128] : memref<10240x128xf32, #tpu.memory_space<vmem_shared>> -> memref<32x128xf32, #tpu.memory_space<vmem_shared>>
      tpu.wait_dma2 semaphore(%run_scoped3A_121 : memref<!tpu.dma_semaphore, #tpu.memory_space<semaphore_mem>>) src(%arg9 : memref<32x128xf32, #tpu.memory_space<vmem>>) dst(%dma_wait3A_129 : memref<32x128xf32, #tpu.memory_space<vmem_shared>>)
      tpu.yield
    }) : () -> ()
    %add3A_49 = arith.constant 352 : i32
    %add3A_50 = arith.addi %mul3A_26, %add3A_49 : i32
    "tpu.region"() ({
      %run_scoped3A_121 = tpu.sem_alloc : memref<!tpu.dma_semaphore, #tpu.memory_space<semaphore_mem>>
      %dma_start3A_122 = arith.constant 0 : i32
      %dma_start3A_123 = tpu.memref_slice %arg10[%add3A_50, %dma_start3A_122] : memref<10240x128xf32, #tpu.memory_space<vmem_shared>> -> memref<32x128xf32, #tpu.memory_space<vmem_shared>>
      %dma_start3A_124 = arith.constant 0 : i32
      %dma_start3A_125 = tpu.memref_slice %arg10[%add3A_50, %dma_start3A_124] : memref<10240x128xf32, #tpu.memory_space<vmem_shared>> -> memref<32x128xf32, #tpu.memory_space<vmem_shared>>
      tpu.enqueue_dma source(%arg9 : memref<32x128xf32, #tpu.memory_space<vmem>>) target(%dma_start3A_125 : memref<32x128xf32, #tpu.memory_space<vmem_shared>>) target_semaphore(%run_scoped3A_121 : memref<!tpu.dma_semaphore, #tpu.memory_space<semaphore_mem>>)
      %dma_wait3A_126 = arith.constant 0 : i32
      %dma_wait3A_127 = tpu.memref_slice %arg10[%add3A_50, %dma_wait3A_126] : memref<10240x128xf32, #tpu.memory_space<vmem_shared>> -> memref<32x128xf32, #tpu.memory_space<vmem_shared>>
      %dma_wait3A_128 = arith.constant 0 : i32
      %dma_wait3A_129 = tpu.memref_slice %arg10[%add3A_50, %dma_wait3A_128] : memref<10240x128xf32, #tpu.memory_space<vmem_shared>> -> memref<32x128xf32, #tpu.memory_space<vmem_shared>>
      tpu.wait_dma2 semaphore(%run_scoped3A_121 : memref<!tpu.dma_semaphore, #tpu.memory_space<semaphore_mem>>) src(%arg9 : memref<32x128xf32, #tpu.memory_space<vmem>>) dst(%dma_wait3A_129 : memref<32x128xf32, #tpu.memory_space<vmem_shared>>)
      tpu.yield
    }) : () -> ()
    %add3A_51 = arith.constant 384 : i32
    %add3A_52 = arith.addi %mul3A_26, %add3A_51 : i32
    "tpu.region"() ({
      %run_scoped3A_121 = tpu.sem_alloc : memref<!tpu.dma_semaphore, #tpu.memory_space<semaphore_mem>>
      %dma_start3A_122 = arith.constant 0 : i32
      %dma_start3A_123 = tpu.memref_slice %arg10[%add3A_52, %dma_start3A_122] : memref<10240x128xf32, #tpu.memory_space<vmem_shared>> -> memref<32x128xf32, #tpu.memory_space<vmem_shared>>
      %dma_start3A_124 = arith.constant 0 : i32
      %dma_start3A_125 = tpu.memref_slice %arg10[%add3A_52, %dma_start3A_124] : memref<10240x128xf32, #tpu.memory_space<vmem_shared>> -> memref<32x128xf32, #tpu.memory_space<vmem_shared>>
      tpu.enqueue_dma source(%arg9 : memref<32x128xf32, #tpu.memory_space<vmem>>) target(%dma_start3A_125 : memref<32x128xf32, #tpu.memory_space<vmem_shared>>) target_semaphore(%run_scoped3A_121 : memref<!tpu.dma_semaphore, #tpu.memory_space<semaphore_mem>>)
      %dma_wait3A_126 = arith.constant 0 : i32
      %dma_wait3A_127 = tpu.memref_slice %arg10[%add3A_52, %dma_wait3A_126] : memref<10240x128xf32, #tpu.memory_space<vmem_shared>> -> memref<32x128xf32, #tpu.memory_space<vmem_shared>>
      %dma_wait3A_128 = arith.constant 0 : i32
      %dma_wait3A_129 = tpu.memref_slice %arg10[%add3A_52, %dma_wait3A_128] : memref<10240x128xf32, #tpu.memory_space<vmem_shared>> -> memref<32x128xf32, #tpu.memory_space<vmem_shared>>
      tpu.wait_dma2 semaphore(%run_scoped3A_121 : memref<!tpu.dma_semaphore, #tpu.memory_space<semaphore_mem>>) src(%arg9 : memref<32x128xf32, #tpu.memory_space<vmem>>) dst(%dma_wait3A_129 : memref<32x128xf32, #tpu.memory_space<vmem_shared>>)
      tpu.yield
    }) : () -> ()
    %add3A_53 = arith.constant 416 : i32
    %add3A_54 = arith.addi %mul3A_26, %add3A_53 : i32
    "tpu.region"() ({
      %run_scoped3A_121 = tpu.sem_alloc : memref<!tpu.dma_semaphore, #tpu.memory_space<semaphore_mem>>
      %dma_start3A_122 = arith.constant 0 : i32
      %dma_start3A_123 = tpu.memref_slice %arg10[%add3A_54, %dma_start3A_122] : memref<10240x128xf32, #tpu.memory_space<vmem_shared>> -> memref<32x128xf32, #tpu.memory_space<vmem_shared>>
      %dma_start3A_124 = arith.constant 0 : i32
      %dma_start3A_125 = tpu.memref_slice %arg10[%add3A_54, %dma_start3A_124] : memref<10240x128xf32, #tpu.memory_space<vmem_shared>> -> memref<32x128xf32, #tpu.memory_space<vmem_shared>>
      tpu.enqueue_dma source(%arg9 : memref<32x128xf32, #tpu.memory_space<vmem>>) target(%dma_start3A_125 : memref<32x128xf32, #tpu.memory_space<vmem_shared>>) target_semaphore(%run_scoped3A_121 : memref<!tpu.dma_semaphore, #tpu.memory_space<semaphore_mem>>)
      %dma_wait3A_126 = arith.constant 0 : i32
      %dma_wait3A_127 = tpu.memref_slice %arg10[%add3A_54, %dma_wait3A_126] : memref<10240x128xf32, #tpu.memory_space<vmem_shared>> -> memref<32x128xf32, #tpu.memory_space<vmem_shared>>
      %dma_wait3A_128 = arith.constant 0 : i32
      %dma_wait3A_129 = tpu.memref_slice %arg10[%add3A_54, %dma_wait3A_128] : memref<10240x128xf32, #tpu.memory_space<vmem_shared>> -> memref<32x128xf32, #tpu.memory_space<vmem_shared>>
      tpu.wait_dma2 semaphore(%run_scoped3A_121 : memref<!tpu.dma_semaphore, #tpu.memory_space<semaphore_mem>>) src(%arg9 : memref<32x128xf32, #tpu.memory_space<vmem>>) dst(%dma_wait3A_129 : memref<32x128xf32, #tpu.memory_space<vmem_shared>>)
      tpu.yield
    }) : () -> ()
    %add3A_55 = arith.constant 448 : i32
    %add3A_56 = arith.addi %mul3A_26, %add3A_55 : i32
    "tpu.region"() ({
      %run_scoped3A_121 = tpu.sem_alloc : memref<!tpu.dma_semaphore, #tpu.memory_space<semaphore_mem>>
      %dma_start3A_122 = arith.constant 0 : i32
      %dma_start3A_123 = tpu.memref_slice %arg10[%add3A_56, %dma_start3A_122] : memref<10240x128xf32, #tpu.memory_space<vmem_shared>> -> memref<32x128xf32, #tpu.memory_space<vmem_shared>>
      %dma_start3A_124 = arith.constant 0 : i32
      %dma_start3A_125 = tpu.memref_slice %arg10[%add3A_56, %dma_start3A_124] : memref<10240x128xf32, #tpu.memory_space<vmem_shared>> -> memref<32x128xf32, #tpu.memory_space<vmem_shared>>
      tpu.enqueue_dma source(%arg9 : memref<32x128xf32, #tpu.memory_space<vmem>>) target(%dma_start3A_125 : memref<32x128xf32, #tpu.memory_space<vmem_shared>>) target_semaphore(%run_scoped3A_121 : memref<!tpu.dma_semaphore, #tpu.memory_space<semaphore_mem>>)
      %dma_wait3A_126 = arith.constant 0 : i32
      %dma_wait3A_127 = tpu.memref_slice %arg10[%add3A_56, %dma_wait3A_126] : memref<10240x128xf32, #tpu.memory_space<vmem_shared>> -> memref<32x128xf32, #tpu.memory_space<vmem_shared>>
      %dma_wait3A_128 = arith.constant 0 : i32
      %dma_wait3A_129 = tpu.memref_slice %arg10[%add3A_56, %dma_wait3A_128] : memref<10240x128xf32, #tpu.memory_space<vmem_shared>> -> memref<32x128xf32, #tpu.memory_space<vmem_shared>>
      tpu.wait_dma2 semaphore(%run_scoped3A_121 : memref<!tpu.dma_semaphore, #tpu.memory_space<semaphore_mem>>) src(%arg9 : memref<32x128xf32, #tpu.memory_space<vmem>>) dst(%dma_wait3A_129 : memref<32x128xf32, #tpu.memory_space<vmem_shared>>)
      tpu.yield
    }) : () -> ()
    %add3A_57 = arith.constant 480 : i32
    %add3A_58 = arith.addi %mul3A_26, %add3A_57 : i32
    "tpu.region"() ({
      %run_scoped3A_121 = tpu.sem_alloc : memref<!tpu.dma_semaphore, #tpu.memory_space<semaphore_mem>>
      %dma_start3A_122 = arith.constant 0 : i32
      %dma_start3A_123 = tpu.memref_slice %arg10[%add3A_58, %dma_start3A_122] : memref<10240x128xf32, #tpu.memory_space<vmem_shared>> -> memref<32x128xf32, #tpu.memory_space<vmem_shared>>
      %dma_start3A_124 = arith.constant 0 : i32
      %dma_start3A_125 = tpu.memref_slice %arg10[%add3A_58, %dma_start3A_124] : memref<10240x128xf32, #tpu.memory_space<vmem_shared>> -> memref<32x128xf32, #tpu.memory_space<vmem_shared>>
      tpu.enqueue_dma source(%arg9 : memref<32x128xf32, #tpu.memory_space<vmem>>) target(%dma_start3A_125 : memref<32x128xf32, #tpu.memory_space<vmem_shared>>) target_semaphore(%run_scoped3A_121 : memref<!tpu.dma_semaphore, #tpu.memory_space<semaphore_mem>>)
      %dma_wait3A_126 = arith.constant 0 : i32
      %dma_wait3A_127 = tpu.memref_slice %arg10[%add3A_58, %dma_wait3A_126] : memref<10240x128xf32, #tpu.memory_space<vmem_shared>> -> memref<32x128xf32, #tpu.memory_space<vmem_shared>>
      %dma_wait3A_128 = arith.constant 0 : i32
      %dma_wait3A_129 = tpu.memref_slice %arg10[%add3A_58, %dma_wait3A_128] : memref<10240x128xf32, #tpu.memory_space<vmem_shared>> -> memref<32x128xf32, #tpu.memory_space<vmem_shared>>
      tpu.wait_dma2 semaphore(%run_scoped3A_121 : memref<!tpu.dma_semaphore, #tpu.memory_space<semaphore_mem>>) src(%arg9 : memref<32x128xf32, #tpu.memory_space<vmem>>) dst(%dma_wait3A_129 : memref<32x128xf32, #tpu.memory_space<vmem_shared>>)
      tpu.yield
    }) : () -> ()
    %add3A_59 = arith.constant 512 : i32
    %add3A_60 = arith.addi %mul3A_26, %add3A_59 : i32
    "tpu.region"() ({
      %run_scoped3A_121 = tpu.sem_alloc : memref<!tpu.dma_semaphore, #tpu.memory_space<semaphore_mem>>
      %dma_start3A_122 = arith.constant 0 : i32
      %dma_start3A_123 = tpu.memref_slice %arg10[%add3A_60, %dma_start3A_122] : memref<10240x128xf32, #tpu.memory_space<vmem_shared>> -> memref<32x128xf32, #tpu.memory_space<vmem_shared>>
      %dma_start3A_124 = arith.constant 0 : i32
      %dma_start3A_125 = tpu.memref_slice %arg10[%add3A_60, %dma_start3A_124] : memref<10240x128xf32, #tpu.memory_space<vmem_shared>> -> memref<32x128xf32, #tpu.memory_space<vmem_shared>>
      tpu.enqueue_dma source(%arg9 : memref<32x128xf32, #tpu.memory_space<vmem>>) target(%dma_start3A_125 : memref<32x128xf32, #tpu.memory_space<vmem_shared>>) target_semaphore(%run_scoped3A_121 : memref<!tpu.dma_semaphore, #tpu.memory_space<semaphore_mem>>)
      %dma_wait3A_126 = arith.constant 0 : i32
      %dma_wait3A_127 = tpu.memref_slice %arg10[%add3A_60, %dma_wait3A_126] : memref<10240x128xf32, #tpu.memory_space<vmem_shared>> -> memref<32x128xf32, #tpu.memory_space<vmem_shared>>
      %dma_wait3A_128 = arith.constant 0 : i32
      %dma_wait3A_129 = tpu.memref_slice %arg10[%add3A_60, %dma_wait3A_128] : memref<10240x128xf32, #tpu.memory_space<vmem_shared>> -> memref<32x128xf32, #tpu.memory_space<vmem_shared>>
      tpu.wait_dma2 semaphore(%run_scoped3A_121 : memref<!tpu.dma_semaphore, #tpu.memory_space<semaphore_mem>>) src(%arg9 : memref<32x128xf32, #tpu.memory_space<vmem>>) dst(%dma_wait3A_129 : memref<32x128xf32, #tpu.memory_space<vmem_shared>>)
      tpu.yield
    }) : () -> ()
    %add3A_61 = arith.constant 544 : i32
    %add3A_62 = arith.addi %mul3A_26, %add3A_61 : i32
    "tpu.region"() ({
      %run_scoped3A_121 = tpu.sem_alloc : memref<!tpu.dma_semaphore, #tpu.memory_space<semaphore_mem>>
      %dma_start3A_122 = arith.constant 0 : i32
      %dma_start3A_123 = tpu.memref_slice %arg10[%add3A_62, %dma_start3A_122] : memref<10240x128xf32, #tpu.memory_space<vmem_shared>> -> memref<32x128xf32, #tpu.memory_space<vmem_shared>>
      %dma_start3A_124 = arith.constant 0 : i32
      %dma_start3A_125 = tpu.memref_slice %arg10[%add3A_62, %dma_start3A_124] : memref<10240x128xf32, #tpu.memory_space<vmem_shared>> -> memref<32x128xf32, #tpu.memory_space<vmem_shared>>
      tpu.enqueue_dma source(%arg9 : memref<32x128xf32, #tpu.memory_space<vmem>>) target(%dma_start3A_125 : memref<32x128xf32, #tpu.memory_space<vmem_shared>>) target_semaphore(%run_scoped3A_121 : memref<!tpu.dma_semaphore, #tpu.memory_space<semaphore_mem>>)
      %dma_wait3A_126 = arith.constant 0 : i32
      %dma_wait3A_127 = tpu.memref_slice %arg10[%add3A_62, %dma_wait3A_126] : memref<10240x128xf32, #tpu.memory_space<vmem_shared>> -> memref<32x128xf32, #tpu.memory_space<vmem_shared>>
      %dma_wait3A_128 = arith.constant 0 : i32
      %dma_wait3A_129 = tpu.memref_slice %arg10[%add3A_62, %dma_wait3A_128] : memref<10240x128xf32, #tpu.memory_space<vmem_shared>> -> memref<32x128xf32, #tpu.memory_space<vmem_shared>>
      tpu.wait_dma2 semaphore(%run_scoped3A_121 : memref<!tpu.dma_semaphore, #tpu.memory_space<semaphore_mem>>) src(%arg9 : memref<32x128xf32, #tpu.memory_space<vmem>>) dst(%dma_wait3A_129 : memref<32x128xf32, #tpu.memory_space<vmem_shared>>)
      tpu.yield
    }) : () -> ()
    %add3A_63 = arith.constant 576 : i32
    %add3A_64 = arith.addi %mul3A_26, %add3A_63 : i32
    "tpu.region"() ({
      %run_scoped3A_121 = tpu.sem_alloc : memref<!tpu.dma_semaphore, #tpu.memory_space<semaphore_mem>>
      %dma_start3A_122 = arith.constant 0 : i32
      %dma_start3A_123 = tpu.memref_slice %arg10[%add3A_64, %dma_start3A_122] : memref<10240x128xf32, #tpu.memory_space<vmem_shared>> -> memref<32x128xf32, #tpu.memory_space<vmem_shared>>
      %dma_start3A_124 = arith.constant 0 : i32
      %dma_start3A_125 = tpu.memref_slice %arg10[%add3A_64, %dma_start3A_124] : memref<10240x128xf32, #tpu.memory_space<vmem_shared>> -> memref<32x128xf32, #tpu.memory_space<vmem_shared>>
      tpu.enqueue_dma source(%arg9 : memref<32x128xf32, #tpu.memory_space<vmem>>) target(%dma_start3A_125 : memref<32x128xf32, #tpu.memory_space<vmem_shared>>) target_semaphore(%run_scoped3A_121 : memref<!tpu.dma_semaphore, #tpu.memory_space<semaphore_mem>>)
      %dma_wait3A_126 = arith.constant 0 : i32
      %dma_wait3A_127 = tpu.memref_slice %arg10[%add3A_64, %dma_wait3A_126] : memref<10240x128xf32, #tpu.memory_space<vmem_shared>> -> memref<32x128xf32, #tpu.memory_space<vmem_shared>>
      %dma_wait3A_128 = arith.constant 0 : i32
      %dma_wait3A_129 = tpu.memref_slice %arg10[%add3A_64, %dma_wait3A_128] : memref<10240x128xf32, #tpu.memory_space<vmem_shared>> -> memref<32x128xf32, #tpu.memory_space<vmem_shared>>
      tpu.wait_dma2 semaphore(%run_scoped3A_121 : memref<!tpu.dma_semaphore, #tpu.memory_space<semaphore_mem>>) src(%arg9 : memref<32x128xf32, #tpu.memory_space<vmem>>) dst(%dma_wait3A_129 : memref<32x128xf32, #tpu.memory_space<vmem_shared>>)
      tpu.yield
    }) : () -> ()
    %add3A_65 = arith.constant 608 : i32
    %add3A_66 = arith.addi %mul3A_26, %add3A_65 : i32
    "tpu.region"() ({
      %run_scoped3A_121 = tpu.sem_alloc : memref<!tpu.dma_semaphore, #tpu.memory_space<semaphore_mem>>
      %dma_start3A_122 = arith.constant 0 : i32
      %dma_start3A_123 = tpu.memref_slice %arg10[%add3A_66, %dma_start3A_122] : memref<10240x128xf32, #tpu.memory_space<vmem_shared>> -> memref<32x128xf32, #tpu.memory_space<vmem_shared>>
      %dma_start3A_124 = arith.constant 0 : i32
      %dma_start3A_125 = tpu.memref_slice %arg10[%add3A_66, %dma_start3A_124] : memref<10240x128xf32, #tpu.memory_space<vmem_shared>> -> memref<32x128xf32, #tpu.memory_space<vmem_shared>>
      tpu.enqueue_dma source(%arg9 : memref<32x128xf32, #tpu.memory_space<vmem>>) target(%dma_start3A_125 : memref<32x128xf32, #tpu.memory_space<vmem_shared>>) target_semaphore(%run_scoped3A_121 : memref<!tpu.dma_semaphore, #tpu.memory_space<semaphore_mem>>)
      %dma_wait3A_126 = arith.constant 0 : i32
      %dma_wait3A_127 = tpu.memref_slice %arg10[%add3A_66, %dma_wait3A_126] : memref<10240x128xf32, #tpu.memory_space<vmem_shared>> -> memref<32x128xf32, #tpu.memory_space<vmem_shared>>
      %dma_wait3A_128 = arith.constant 0 : i32
      %dma_wait3A_129 = tpu.memref_slice %arg10[%add3A_66, %dma_wait3A_128] : memref<10240x128xf32, #tpu.memory_space<vmem_shared>> -> memref<32x128xf32, #tpu.memory_space<vmem_shared>>
      tpu.wait_dma2 semaphore(%run_scoped3A_121 : memref<!tpu.dma_semaphore, #tpu.memory_space<semaphore_mem>>) src(%arg9 : memref<32x128xf32, #tpu.memory_space<vmem>>) dst(%dma_wait3A_129 : memref<32x128xf32, #tpu.memory_space<vmem_shared>>)
      tpu.yield
    }) : () -> ()
    %dma_wait3A = arith.constant 0 : i32
    %dma_wait3A_67 = arith.constant 0 : i32
    %dma_wait3A_68 = arith.constant 0 : i32
    %dma_wait3A_69 = tpu.memref_slice %arg3[%add3A, %dma_wait3A, %dma_wait3A_67, %dma_wait3A_68] : memref<32x80x2x128xi32, #tpu.memory_space<hbm>> -> memref<1x1x2x128xi32, #tpu.memory_space<hbm>>
    %dma_wait3A_70 = tpu.memref_squeeze %dma_wait3A_69 : memref<1x1x2x128xi32, #tpu.memory_space<hbm>> -> memref<2x128xi32, #tpu.memory_space<hbm>>
    %dma_wait3A_71 = arith.constant 0 : i32
    %dma_wait3A_72 = arith.constant 0 : i32
    %dma_wait3A_73 = tpu.memref_slice %arg3[%add3A, %dma_wait3A, %dma_wait3A_71, %dma_wait3A_72] : memref<32x80x2x128xi32, #tpu.memory_space<hbm>> -> memref<1x1x2x128xi32, #tpu.memory_space<hbm>>
    %dma_wait3A_74 = tpu.memref_squeeze %dma_wait3A_73 : memref<1x1x2x128xi32, #tpu.memory_space<hbm>> -> memref<2x128xi32, #tpu.memory_space<hbm>>
    tpu.wait_dma2 semaphore(%arg13 : memref<!tpu.dma_semaphore, #tpu.memory_space<semaphore_mem>>) src(%dma_wait3A_74 : memref<2x128xi32, #tpu.memory_space<hbm>>) dst(%arg5 : memref<2x128xi32, #tpu.memory_space<vmem>>)
    %dma_start3A_75 = arith.constant 0 : i32
    %dma_start3A_76 = arith.constant 0 : i32
    %dma_start3A_77 = tpu.memref_slice %arg5[%dma_start3A_75, %dma_start3A_76] : memref<2x128xi32, #tpu.memory_space<vmem>> -> memref<1x128xi32, #tpu.memory_space<vmem>>
    %dma_start3A_78 = tpu.memref_squeeze %dma_start3A_77 : memref<1x128xi32, #tpu.memory_space<vmem>> -> memref<128xi32, #tpu.memory_space<vmem>>
    %dma_start3A_79 = arith.constant 0 : i32
    %dma_start3A_80 = arith.constant 0 : i32
    %dma_start3A_81 = tpu.memref_slice %arg2[%dma_start3A_79, %dma_start3A_80] : memref<10000x128xf32, #tpu.memory_space<hbm>> -> memref<10000x128xf32, #tpu.memory_space<hbm>>
    tpu.enqueue_indirect_dma source(%dma_start3A_81 : memref<10000x128xf32, #tpu.memory_space<hbm>>) target(%arg7 : memref<128x128xf32, #tpu.memory_space<vmem>>) offsets(%dma_start3A_78 : memref<128xi32, #tpu.memory_space<vmem>>) semaphore(%arg11 : memref<!tpu.dma_semaphore, #tpu.memory_space<semaphore_mem>>)
    %barrier3A = arith.constant 0 : index
    tpu.barrier barrier_id(%barrier3A)
    %scan3A_82 = arith.constant 0 : i32
    %scan3A_83 = arith.constant 0 : i32
    %scan3A_84 = arith.constant 39 : i32
    %scan3A_85 = arith.addi %scan3A_83, %scan3A_84 : i32
    %scan3A_86 = arith.constant 1 : i32
    %scan3A_87 = scf.for %scan3A_121 = %scan3A_83 to %scan3A_85 step %scan3A_86 iter_args(%scan3A_122 = %scan3A_82) -> (i32)  : i32 {
      %mul3A_123 = arith.constant 2 : i32
      %mul3A_124 = arith.muli %mul3A_123, %scan3A_121 : i32
      %add3A_125 = arith.constant 0 : i32
      %add3A_126 = arith.addi %mul3A_124, %add3A_125 : i32
      %add3A_127 = arith.constant 1 : i32
      %add3A_128 = arith.addi %add3A_126, %add3A_127 : i32
      %dma_wait3A_129 = arith.constant 0 : i32
      %dma_wait3A_130 = arith.constant 0 : i32
      %dma_wait3A_131 = tpu.memref_slice %arg3[%add3A, %add3A_128, %dma_wait3A_129, %dma_wait3A_130] : memref<32x80x2x128xi32, #tpu.memory_space<hbm>> -> memref<1x1x2x128xi32, #tpu.memory_space<hbm>>
      %dma_wait3A_132 = tpu.memref_squeeze %dma_wait3A_131 : memref<1x1x2x128xi32, #tpu.memory_space<hbm>> -> memref<2x128xi32, #tpu.memory_space<hbm>>
      %dma_wait3A_133 = arith.constant 0 : i32
      %dma_wait3A_134 = arith.constant 0 : i32
      %dma_wait3A_135 = tpu.memref_slice %arg3[%add3A, %add3A_128, %dma_wait3A_133, %dma_wait3A_134] : memref<32x80x2x128xi32, #tpu.memory_space<hbm>> -> memref<1x1x2x128xi32, #tpu.memory_space<hbm>>
      %dma_wait3A_136 = tpu.memref_squeeze %dma_wait3A_135 : memref<1x1x2x128xi32, #tpu.memory_space<hbm>> -> memref<2x128xi32, #tpu.memory_space<hbm>>
      tpu.wait_dma2 semaphore(%arg14 : memref<!tpu.dma_semaphore, #tpu.memory_space<semaphore_mem>>) src(%dma_wait3A_136 : memref<2x128xi32, #tpu.memory_space<hbm>>) dst(%arg6 : memref<2x128xi32, #tpu.memory_space<vmem>>)
      %dma_start3A_137 = arith.constant 0 : i32
      %dma_start3A_138 = arith.constant 0 : i32
      %dma_start3A_139 = tpu.memref_slice %arg6[%dma_start3A_137, %dma_start3A_138] : memref<2x128xi32, #tpu.memory_space<vmem>> -> memref<1x128xi32, #tpu.memory_space<vmem>>
      %dma_start3A_140 = tpu.memref_squeeze %dma_start3A_139 : memref<1x128xi32, #tpu.memory_space<vmem>> -> memref<128xi32, #tpu.memory_space<vmem>>
      %dma_start3A_141 = arith.constant 0 : i32
      %dma_start3A_142 = arith.constant 0 : i32
      %dma_start3A_143 = tpu.memref_slice %arg2[%dma_start3A_141, %dma_start3A_142] : memref<10000x128xf32, #tpu.memory_space<hbm>> -> memref<10000x128xf32, #tpu.memory_space<hbm>>
      tpu.enqueue_indirect_dma source(%dma_start3A_143 : memref<10000x128xf32, #tpu.memory_space<hbm>>) target(%arg8 : memref<128x128xf32, #tpu.memory_space<vmem>>) offsets(%dma_start3A_140 : memref<128xi32, #tpu.memory_space<vmem>>) semaphore(%arg12 : memref<!tpu.dma_semaphore, #tpu.memory_space<semaphore_mem>>)
      %dma_wait3A_144 = arith.constant 0 : i32
      %dma_wait3A_145 = arith.constant 0 : i32
      %dma_wait3A_146 = tpu.memref_slice %arg5[%dma_wait3A_144, %dma_wait3A_145] : memref<2x128xi32, #tpu.memory_space<vmem>> -> memref<1x128xi32, #tpu.memory_space<vmem>>
      %dma_wait3A_147 = tpu.memref_squeeze %dma_wait3A_146 : memref<1x128xi32, #tpu.memory_space<vmem>> -> memref<128xi32, #tpu.memory_space<vmem>>
      %dma_wait3A_148 = arith.constant 0 : i32
      %dma_wait3A_149 = arith.constant 0 : i32
      %dma_wait3A_150 = tpu.memref_slice %arg2[%dma_wait3A_148, %dma_wait3A_149] : memref<10000x128xf32, #tpu.memory_space<hbm>> -> memref<10000x128xf32, #tpu.memory_space<hbm>>
      tpu.wait_indirect_dma semaphore(%arg11 : memref<!tpu.dma_semaphore, #tpu.memory_space<semaphore_mem>>) src(%dma_wait3A_150 : memref<10000x128xf32, #tpu.memory_space<hbm>>) dst(%arg7 : memref<128x128xf32, #tpu.memory_space<vmem>>)
      %run_scoped3A_151 = arith.constant 1 : i32
      "tpu.region"() ({
        %run_scoped3A_202 = tpu.sem_alloc : memref<!tpu.dma_semaphore, #tpu.memory_space<semaphore_mem>>
        %dma_start3A_203 = arith.constant 0 : i32
        %dma_start3A_204 = tpu.memref_slice %arg5[%run_scoped3A_151, %dma_start3A_203] : memref<2x128xi32, #tpu.memory_space<vmem>> -> memref<1x128xi32, #tpu.memory_space<vmem>>
        %dma_start3A_205 = tpu.memref_squeeze %dma_start3A_204 : memref<1x128xi32, #tpu.memory_space<vmem>> -> memref<128xi32, #tpu.memory_space<vmem>>
        %dma_start3A_206 = arith.constant 0 : i32
        %dma_start3A_207 = arith.constant 0 : i32
        %dma_start3A_208 = tpu.memref_slice %arg10[%dma_start3A_206, %dma_start3A_207] : memref<10240x128xf32, #tpu.memory_space<vmem_shared>> -> memref<10240x128xf32, #tpu.memory_space<vmem_shared>>
        tpu.enqueue_indirect_dma source(%arg7 : memref<128x128xf32, #tpu.memory_space<vmem>>) target(%dma_start3A_208 : memref<10240x128xf32, #tpu.memory_space<vmem_shared>>) offsets(%dma_start3A_205 : memref<128xi32, #tpu.memory_space<vmem>>) semaphore(%run_scoped3A_202 : memref<!tpu.dma_semaphore, #tpu.memory_space<semaphore_mem>>) {add = true}
        %dma_wait3A_209 = arith.constant 0 : i32
        %dma_wait3A_210 = tpu.memref_slice %arg5[%run_scoped3A_151, %dma_wait3A_209] : memref<2x128xi32, #tpu.memory_space<vmem>> -> memref<1x128xi32, #tpu.memory_space<vmem>>
        %dma_wait3A_211 = tpu.memref_squeeze %dma_wait3A_210 : memref<1x128xi32, #tpu.memory_space<vmem>> -> memref<128xi32, #tpu.memory_space<vmem>>
        %dma_wait3A_212 = arith.constant 0 : i32
        %dma_wait3A_213 = arith.constant 0 : i32
        %dma_wait3A_214 = tpu.memref_slice %arg10[%dma_wait3A_212, %dma_wait3A_213] : memref<10240x128xf32, #tpu.memory_space<vmem_shared>> -> memref<10240x128xf32, #tpu.memory_space<vmem_shared>>
        tpu.wait_indirect_dma semaphore(%run_scoped3A_202 : memref<!tpu.dma_semaphore, #tpu.memory_space<semaphore_mem>>) src(%arg7 : memref<128x128xf32, #tpu.memory_space<vmem>>) dst(%dma_wait3A_214 : memref<10240x128xf32, #tpu.memory_space<vmem_shared>>)
        tpu.yield
      }) : () -> ()
      %add3A_152 = arith.constant 2 : i32
      %add3A_153 = arith.addi %add3A_126, %add3A_152 : i32
      %dma_start3A_154 = arith.constant 0 : i32
      %dma_start3A_155 = arith.constant 0 : i32
      %dma_start3A_156 = tpu.memref_slice %arg3[%add3A, %add3A_153, %dma_start3A_154, %dma_start3A_155] : memref<32x80x2x128xi32, #tpu.memory_space<hbm>> -> memref<1x1x2x128xi32, #tpu.memory_space<hbm>>
      %dma_start3A_157 = tpu.memref_squeeze %dma_start3A_156 : memref<1x1x2x128xi32, #tpu.memory_space<hbm>> -> memref<2x128xi32, #tpu.memory_space<hbm>>
      %dma_start3A_158 = arith.constant 0 : i32
      %dma_start3A_159 = arith.constant 0 : i32
      %dma_start3A_160 = tpu.memref_slice %arg3[%add3A, %add3A_153, %dma_start3A_158, %dma_start3A_159] : memref<32x80x2x128xi32, #tpu.memory_space<hbm>> -> memref<1x1x2x128xi32, #tpu.memory_space<hbm>>
      %dma_start3A_161 = tpu.memref_squeeze %dma_start3A_160 : memref<1x1x2x128xi32, #tpu.memory_space<hbm>> -> memref<2x128xi32, #tpu.memory_space<hbm>>
      tpu.enqueue_dma source(%dma_start3A_161 : memref<2x128xi32, #tpu.memory_space<hbm>>) target(%arg5 : memref<2x128xi32, #tpu.memory_space<vmem>>) target_semaphore(%arg13 : memref<!tpu.dma_semaphore, #tpu.memory_space<semaphore_mem>>)
      %mul3A_162 = arith.constant 2 : i32
      %mul3A_163 = arith.muli %mul3A_162, %scan3A_121 : i32
      %add3A_164 = arith.constant 1 : i32
      %add3A_165 = arith.addi %mul3A_163, %add3A_164 : i32
      %add3A_166 = arith.constant 1 : i32
      %add3A_167 = arith.addi %add3A_165, %add3A_166 : i32
      %dma_wait3A_168 = arith.constant 0 : i32
      %dma_wait3A_169 = arith.constant 0 : i32
      %dma_wait3A_170 = tpu.memref_slice %arg3[%add3A, %add3A_167, %dma_wait3A_168, %dma_wait3A_169] : memref<32x80x2x128xi32, #tpu.memory_space<hbm>> -> memref<1x1x2x128xi32, #tpu.memory_space<hbm>>
      %dma_wait3A_171 = tpu.memref_squeeze %dma_wait3A_170 : memref<1x1x2x128xi32, #tpu.memory_space<hbm>> -> memref<2x128xi32, #tpu.memory_space<hbm>>
      %dma_wait3A_172 = arith.constant 0 : i32
      %dma_wait3A_173 = arith.constant 0 : i32
      %dma_wait3A_174 = tpu.memref_slice %arg3[%add3A, %add3A_167, %dma_wait3A_172, %dma_wait3A_173] : memref<32x80x2x128xi32, #tpu.memory_space<hbm>> -> memref<1x1x2x128xi32, #tpu.memory_space<hbm>>
      %dma_wait3A_175 = tpu.memref_squeeze %dma_wait3A_174 : memref<1x1x2x128xi32, #tpu.memory_space<hbm>> -> memref<2x128xi32, #tpu.memory_space<hbm>>
      tpu.wait_dma2 semaphore(%arg13 : memref<!tpu.dma_semaphore, #tpu.memory_space<semaphore_mem>>) src(%dma_wait3A_175 : memref<2x128xi32, #tpu.memory_space<hbm>>) dst(%arg5 : memref<2x128xi32, #tpu.memory_space<vmem>>)
      %dma_start3A_176 = arith.constant 0 : i32
      %dma_start3A_177 = arith.constant 0 : i32
      %dma_start3A_178 = tpu.memref_slice %arg5[%dma_start3A_176, %dma_start3A_177] : memref<2x128xi32, #tpu.memory_space<vmem>> -> memref<1x128xi32, #tpu.memory_space<vmem>>
      %dma_start3A_179 = tpu.memref_squeeze %dma_start3A_178 : memref<1x128xi32, #tpu.memory_space<vmem>> -> memref<128xi32, #tpu.memory_space<vmem>>
      %dma_start3A_180 = arith.constant 0 : i32
      %dma_start3A_181 = arith.constant 0 : i32
      %dma_start3A_182 = tpu.memref_slice %arg2[%dma_start3A_180, %dma_start3A_181] : memref<10000x128xf32, #tpu.memory_space<hbm>> -> memref<10000x128xf32, #tpu.memory_space<hbm>>
      tpu.enqueue_indirect_dma source(%dma_start3A_182 : memref<10000x128xf32, #tpu.memory_space<hbm>>) target(%arg7 : memref<128x128xf32, #tpu.memory_space<vmem>>) offsets(%dma_start3A_179 : memref<128xi32, #tpu.memory_space<vmem>>) semaphore(%arg11 : memref<!tpu.dma_semaphore, #tpu.memory_space<semaphore_mem>>)
      %dma_wait3A_183 = arith.constant 0 : i32
      %dma_wait3A_184 = arith.constant 0 : i32
      %dma_wait3A_185 = tpu.memref_slice %arg6[%dma_wait3A_183, %dma_wait3A_184] : memref<2x128xi32, #tpu.memory_space<vmem>> -> memref<1x128xi32, #tpu.memory_space<vmem>>
      %dma_wait3A_186 = tpu.memref_squeeze %dma_wait3A_185 : memref<1x128xi32, #tpu.memory_space<vmem>> -> memref<128xi32, #tpu.memory_space<vmem>>
      %dma_wait3A_187 = arith.constant 0 : i32
      %dma_wait3A_188 = arith.constant 0 : i32
      %dma_wait3A_189 = tpu.memref_slice %arg2[%dma_wait3A_187, %dma_wait3A_188] : memref<10000x128xf32, #tpu.memory_space<hbm>> -> memref<10000x128xf32, #tpu.memory_space<hbm>>
      tpu.wait_indirect_dma semaphore(%arg12 : memref<!tpu.dma_semaphore, #tpu.memory_space<semaphore_mem>>) src(%dma_wait3A_189 : memref<10000x128xf32, #tpu.memory_space<hbm>>) dst(%arg8 : memref<128x128xf32, #tpu.memory_space<vmem>>)
      %run_scoped3A_190 = arith.constant 1 : i32
      "tpu.region"() ({
        %run_scoped3A_202 = tpu.sem_alloc : memref<!tpu.dma_semaphore, #tpu.memory_space<semaphore_mem>>
        %dma_start3A_203 = arith.constant 0 : i32
        %dma_start3A_204 = tpu.memref_slice %arg6[%run_scoped3A_190, %dma_start3A_203] : memref<2x128xi32, #tpu.memory_space<vmem>> -> memref<1x128xi32, #tpu.memory_space<vmem>>
        %dma_start3A_205 = tpu.memref_squeeze %dma_start3A_204 : memref<1x128xi32, #tpu.memory_space<vmem>> -> memref<128xi32, #tpu.memory_space<vmem>>
        %dma_start3A_206 = arith.constant 0 : i32
        %dma_start3A_207 = arith.constant 0 : i32
        %dma_start3A_208 = tpu.memref_slice %arg10[%dma_start3A_206, %dma_start3A_207] : memref<10240x128xf32, #tpu.memory_space<vmem_shared>> -> memref<10240x128xf32, #tpu.memory_space<vmem_shared>>
        tpu.enqueue_indirect_dma source(%arg8 : memref<128x128xf32, #tpu.memory_space<vmem>>) target(%dma_start3A_208 : memref<10240x128xf32, #tpu.memory_space<vmem_shared>>) offsets(%dma_start3A_205 : memref<128xi32, #tpu.memory_space<vmem>>) semaphore(%run_scoped3A_202 : memref<!tpu.dma_semaphore, #tpu.memory_space<semaphore_mem>>) {add = true}
        %dma_wait3A_209 = arith.constant 0 : i32
        %dma_wait3A_210 = tpu.memref_slice %arg6[%run_scoped3A_190, %dma_wait3A_209] : memref<2x128xi32, #tpu.memory_space<vmem>> -> memref<1x128xi32, #tpu.memory_space<vmem>>
        %dma_wait3A_211 = tpu.memref_squeeze %dma_wait3A_210 : memref<1x128xi32, #tpu.memory_space<vmem>> -> memref<128xi32, #tpu.memory_space<vmem>>
        %dma_wait3A_212 = arith.constant 0 : i32
        %dma_wait3A_213 = arith.constant 0 : i32
        %dma_wait3A_214 = tpu.memref_slice %arg10[%dma_wait3A_212, %dma_wait3A_213] : memref<10240x128xf32, #tpu.memory_space<vmem_shared>> -> memref<10240x128xf32, #tpu.memory_space<vmem_shared>>
        tpu.wait_indirect_dma semaphore(%run_scoped3A_202 : memref<!tpu.dma_semaphore, #tpu.memory_space<semaphore_mem>>) src(%arg8 : memref<128x128xf32, #tpu.memory_space<vmem>>) dst(%dma_wait3A_214 : memref<10240x128xf32, #tpu.memory_space<vmem_shared>>)
        tpu.yield
      }) : () -> ()
      %add3A_191 = arith.constant 2 : i32
      %add3A_192 = arith.addi %add3A_165, %add3A_191 : i32
      %dma_start3A_193 = arith.constant 0 : i32
      %dma_start3A_194 = arith.constant 0 : i32
      %dma_start3A_195 = tpu.memref_slice %arg3[%add3A, %add3A_192, %dma_start3A_193, %dma_start3A_194] : memref<32x80x2x128xi32, #tpu.memory_space<hbm>> -> memref<1x1x2x128xi32, #tpu.memory_space<hbm>>
      %dma_start3A_196 = tpu.memref_squeeze %dma_start3A_195 : memref<1x1x2x128xi32, #tpu.memory_space<hbm>> -> memref<2x128xi32, #tpu.memory_space<hbm>>
      %dma_start3A_197 = arith.constant 0 : i32
      %dma_start3A_198 = arith.constant 0 : i32
      %dma_start3A_199 = tpu.memref_slice %arg3[%add3A, %add3A_192, %dma_start3A_197, %dma_start3A_198] : memref<32x80x2x128xi32, #tpu.memory_space<hbm>> -> memref<1x1x2x128xi32, #tpu.memory_space<hbm>>
      %dma_start3A_200 = tpu.memref_squeeze %dma_start3A_199 : memref<1x1x2x128xi32, #tpu.memory_space<hbm>> -> memref<2x128xi32, #tpu.memory_space<hbm>>
      tpu.enqueue_dma source(%dma_start3A_200 : memref<2x128xi32, #tpu.memory_space<hbm>>) target(%arg6 : memref<2x128xi32, #tpu.memory_space<vmem>>) target_semaphore(%arg14 : memref<!tpu.dma_semaphore, #tpu.memory_space<semaphore_mem>>)
      %scan3A_201 = arith.constant 0 : i32
      scf.yield %scan3A_201 : i32
    }
    %scan3A_88 = arith.constant 39 : i32
    %dma_wait3A_89 = arith.constant 79 : i32
    %dma_wait3A_90 = arith.constant 0 : i32
    %dma_wait3A_91 = arith.constant 0 : i32
    %dma_wait3A_92 = tpu.memref_slice %arg3[%add3A, %dma_wait3A_89, %dma_wait3A_90, %dma_wait3A_91] : memref<32x80x2x128xi32, #tpu.memory_space<hbm>> -> memref<1x1x2x128xi32, #tpu.memory_space<hbm>>
    %dma_wait3A_93 = tpu.memref_squeeze %dma_wait3A_92 : memref<1x1x2x128xi32, #tpu.memory_space<hbm>> -> memref<2x128xi32, #tpu.memory_space<hbm>>
    %dma_wait3A_94 = arith.constant 0 : i32
    %dma_wait3A_95 = arith.constant 0 : i32
    %dma_wait3A_96 = tpu.memref_slice %arg3[%add3A, %dma_wait3A_89, %dma_wait3A_94, %dma_wait3A_95] : memref<32x80x2x128xi32, #tpu.memory_space<hbm>> -> memref<1x1x2x128xi32, #tpu.memory_space<hbm>>
    %dma_wait3A_97 = tpu.memref_squeeze %dma_wait3A_96 : memref<1x1x2x128xi32, #tpu.memory_space<hbm>> -> memref<2x128xi32, #tpu.memory_space<hbm>>
    tpu.wait_dma2 semaphore(%arg14 : memref<!tpu.dma_semaphore, #tpu.memory_space<semaphore_mem>>) src(%dma_wait3A_97 : memref<2x128xi32, #tpu.memory_space<hbm>>) dst(%arg6 : memref<2x128xi32, #tpu.memory_space<vmem>>)
    %dma_start3A_98 = arith.constant 0 : i32
    %dma_start3A_99 = arith.constant 0 : i32
    %dma_start3A_100 = tpu.memref_slice %arg6[%dma_start3A_98, %dma_start3A_99] : memref<2x128xi32, #tpu.memory_space<vmem>> -> memref<1x128xi32, #tpu.memory_space<vmem>>
    %dma_start3A_101 = tpu.memref_squeeze %dma_start3A_100 : memref<1x128xi32, #tpu.memory_space<vmem>> -> memref<128xi32, #tpu.memory_space<vmem>>
    %dma_start3A_102 = arith.constant 0 : i32
    %dma_start3A_103 = arith.constant 0 : i32
    %dma_start3A_104 = tpu.memref_slice %arg2[%dma_start3A_102, %dma_start3A_103] : memref<10000x128xf32, #tpu.memory_space<hbm>> -> memref<10000x128xf32, #tpu.memory_space<hbm>>
    tpu.enqueue_indirect_dma source(%dma_start3A_104 : memref<10000x128xf32, #tpu.memory_space<hbm>>) target(%arg8 : memref<128x128xf32, #tpu.memory_space<vmem>>) offsets(%dma_start3A_101 : memref<128xi32, #tpu.memory_space<vmem>>) semaphore(%arg12 : memref<!tpu.dma_semaphore, #tpu.memory_space<semaphore_mem>>)
    %dma_wait3A_105 = arith.constant 0 : i32
    %dma_wait3A_106 = arith.constant 0 : i32
    %dma_wait3A_107 = tpu.memref_slice %arg5[%dma_wait3A_105, %dma_wait3A_106] : memref<2x128xi32, #tpu.memory_space<vmem>> -> memref<1x128xi32, #tpu.memory_space<vmem>>
    %dma_wait3A_108 = tpu.memref_squeeze %dma_wait3A_107 : memref<1x128xi32, #tpu.memory_space<vmem>> -> memref<128xi32, #tpu.memory_space<vmem>>
    %dma_wait3A_109 = arith.constant 0 : i32
    %dma_wait3A_110 = arith.constant 0 : i32
    %dma_wait3A_111 = tpu.memref_slice %arg2[%dma_wait3A_109, %dma_wait3A_110] : memref<10000x128xf32, #tpu.memory_space<hbm>> -> memref<10000x128xf32, #tpu.memory_space<hbm>>
    tpu.wait_indirect_dma semaphore(%arg11 : memref<!tpu.dma_semaphore, #tpu.memory_space<semaphore_mem>>) src(%dma_wait3A_111 : memref<10000x128xf32, #tpu.memory_space<hbm>>) dst(%arg7 : memref<128x128xf32, #tpu.memory_space<vmem>>)
    %run_scoped3A = arith.constant 1 : i32
    "tpu.region"() ({
      %run_scoped3A_121 = tpu.sem_alloc : memref<!tpu.dma_semaphore, #tpu.memory_space<semaphore_mem>>
      %dma_start3A_122 = arith.constant 0 : i32
      %dma_start3A_123 = tpu.memref_slice %arg5[%run_scoped3A, %dma_start3A_122] : memref<2x128xi32, #tpu.memory_space<vmem>> -> memref<1x128xi32, #tpu.memory_space<vmem>>
      %dma_start3A_124 = tpu.memref_squeeze %dma_start3A_123 : memref<1x128xi32, #tpu.memory_space<vmem>> -> memref<128xi32, #tpu.memory_space<vmem>>
      %dma_start3A_125 = arith.constant 0 : i32
      %dma_start3A_126 = arith.constant 0 : i32
      %dma_start3A_127 = tpu.memref_slice %arg10[%dma_start3A_125, %dma_start3A_126] : memref<10240x128xf32, #tpu.memory_space<vmem_shared>> -> memref<10240x128xf32, #tpu.memory_space<vmem_shared>>
      tpu.enqueue_indirect_dma source(%arg7 : memref<128x128xf32, #tpu.memory_space<vmem>>) target(%dma_start3A_127 : memref<10240x128xf32, #tpu.memory_space<vmem_shared>>) offsets(%dma_start3A_124 : memref<128xi32, #tpu.memory_space<vmem>>) semaphore(%run_scoped3A_121 : memref<!tpu.dma_semaphore, #tpu.memory_space<semaphore_mem>>) {add = true}
      %dma_wait3A_128 = arith.constant 0 : i32
      %dma_wait3A_129 = tpu.memref_slice %arg5[%run_scoped3A, %dma_wait3A_128] : memref<2x128xi32, #tpu.memory_space<vmem>> -> memref<1x128xi32, #tpu.memory_space<vmem>>
      %dma_wait3A_130 = tpu.memref_squeeze %dma_wait3A_129 : memref<1x128xi32, #tpu.memory_space<vmem>> -> memref<128xi32, #tpu.memory_space<vmem>>
      %dma_wait3A_131 = arith.constant 0 : i32
      %dma_wait3A_132 = arith.constant 0 : i32
      %dma_wait3A_133 = tpu.memref_slice %arg10[%dma_wait3A_131, %dma_wait3A_132] : memref<10240x128xf32, #tpu.memory_space<vmem_shared>> -> memref<10240x128xf32, #tpu.memory_space<vmem_shared>>
      tpu.wait_indirect_dma semaphore(%run_scoped3A_121 : memref<!tpu.dma_semaphore, #tpu.memory_space<semaphore_mem>>) src(%arg7 : memref<128x128xf32, #tpu.memory_space<vmem>>) dst(%dma_wait3A_133 : memref<10240x128xf32, #tpu.memory_space<vmem_shared>>)
      tpu.yield
    }) : () -> ()
    %dma_wait3A_112 = arith.constant 0 : i32
    %dma_wait3A_113 = arith.constant 0 : i32
    %dma_wait3A_114 = tpu.memref_slice %arg6[%dma_wait3A_112, %dma_wait3A_113] : memref<2x128xi32, #tpu.memory_space<vmem>> -> memref<1x128xi32, #tpu.memory_space<vmem>>
    %dma_wait3A_115 = tpu.memref_squeeze %dma_wait3A_114 : memref<1x128xi32, #tpu.memory_space<vmem>> -> memref<128xi32, #tpu.memory_space<vmem>>
    %dma_wait3A_116 = arith.constant 0 : i32
    %dma_wait3A_117 = arith.constant 0 : i32
    %dma_wait3A_118 = tpu.memref_slice %arg2[%dma_wait3A_116, %dma_wait3A_117] : memref<10000x128xf32, #tpu.memory_space<hbm>> -> memref<10000x128xf32, #tpu.memory_space<hbm>>
    tpu.wait_indirect_dma semaphore(%arg12 : memref<!tpu.dma_semaphore, #tpu.memory_space<semaphore_mem>>) src(%dma_wait3A_118 : memref<10000x128xf32, #tpu.memory_space<hbm>>) dst(%arg8 : memref<128x128xf32, #tpu.memory_space<vmem>>)
    %run_scoped3A_119 = arith.constant 1 : i32
    "tpu.region"() ({
      %run_scoped3A_121 = tpu.sem_alloc : memref<!tpu.dma_semaphore, #tpu.memory_space<semaphore_mem>>
      %dma_start3A_122 = arith.constant 0 : i32
      %dma_start3A_123 = tpu.memref_slice %arg6[%run_scoped3A_119, %dma_start3A_122] : memref<2x128xi32, #tpu.memory_space<vmem>> -> memref<1x128xi32, #tpu.memory_space<vmem>>
      %dma_start3A_124 = tpu.memref_squeeze %dma_start3A_123 : memref<1x128xi32, #tpu.memory_space<vmem>> -> memref<128xi32, #tpu.memory_space<vmem>>
      %dma_start3A_125 = arith.constant 0 : i32
      %dma_start3A_126 = arith.constant 0 : i32
      %dma_start3A_127 = tpu.memref_slice %arg10[%dma_start3A_125, %dma_start3A_126] : memref<10240x128xf32, #tpu.memory_space<vmem_shared>> -> memref<10240x128xf32, #tpu.memory_space<vmem_shared>>
      tpu.enqueue_indirect_dma source(%arg8 : memref<128x128xf32, #tpu.memory_space<vmem>>) target(%dma_start3A_127 : memref<10240x128xf32, #tpu.memory_space<vmem_shared>>) offsets(%dma_start3A_124 : memref<128xi32, #tpu.memory_space<vmem>>) semaphore(%run_scoped3A_121 : memref<!tpu.dma_semaphore, #tpu.memory_space<semaphore_mem>>) {add = true}
      %dma_wait3A_128 = arith.constant 0 : i32
      %dma_wait3A_129 = tpu.memref_slice %arg6[%run_scoped3A_119, %dma_wait3A_128] : memref<2x128xi32, #tpu.memory_space<vmem>> -> memref<1x128xi32, #tpu.memory_space<vmem>>
      %dma_wait3A_130 = tpu.memref_squeeze %dma_wait3A_129 : memref<1x128xi32, #tpu.memory_space<vmem>> -> memref<128xi32, #tpu.memory_space<vmem>>
      %dma_wait3A_131 = arith.constant 0 : i32
      %dma_wait3A_132 = arith.constant 0 : i32
      %dma_wait3A_133 = tpu.memref_slice %arg10[%dma_wait3A_131, %dma_wait3A_132] : memref<10240x128xf32, #tpu.memory_space<vmem_shared>> -> memref<10240x128xf32, #tpu.memory_space<vmem_shared>>
      tpu.wait_indirect_dma semaphore(%run_scoped3A_121 : memref<!tpu.dma_semaphore, #tpu.memory_space<semaphore_mem>>) src(%arg8 : memref<128x128xf32, #tpu.memory_space<vmem>>) dst(%dma_wait3A_133 : memref<10240x128xf32, #tpu.memory_space<vmem_shared>>)
      tpu.yield
    }) : () -> ()
    %barrier3A_120 = arith.constant 0 : index
    tpu.barrier barrier_id(%barrier3A_120)
    "tpu.region"() ({
      %run_scoped3A_121 = tpu.sem_alloc : memref<!tpu.dma_semaphore, #tpu.memory_space<semaphore_mem>>
      %dma_start3A_122 = arith.constant 0 : i32
      %dma_start3A_123 = tpu.memref_slice %arg4[%arg0, %mul3A_26, %dma_start3A_122] : memref<2x10240x128xf32, #tpu.memory_space<hbm>> -> memref<1x640x128xf32, #tpu.memory_space<hbm>>
      %dma_start3A_124 = tpu.memref_squeeze %dma_start3A_123 : memref<1x640x128xf32, #tpu.memory_space<hbm>> -> memref<640x128xf32, #tpu.memory_space<hbm>>
      %dma_start3A_125 = arith.constant 0 : i32
      %dma_start3A_126 = tpu.memref_slice %arg10[%mul3A_26, %dma_start3A_125] : memref<10240x128xf32, #tpu.memory_space<vmem_shared>> -> memref<640x128xf32, #tpu.memory_space<vmem_shared>>
      tpu.enqueue_dma source(%dma_start3A_126 : memref<640x128xf32, #tpu.memory_space<vmem_shared>>) target(%dma_start3A_124 : memref<640x128xf32, #tpu.memory_space<hbm>>) target_semaphore(%run_scoped3A_121 : memref<!tpu.dma_semaphore, #tpu.memory_space<semaphore_mem>>)
      %dma_wait3A_127 = arith.constant 0 : i32
      %dma_wait3A_128 = tpu.memref_slice %arg4[%arg0, %mul3A_26, %dma_wait3A_127] : memref<2x10240x128xf32, #tpu.memory_space<hbm>> -> memref<1x640x128xf32, #tpu.memory_space<hbm>>
      %dma_wait3A_129 = tpu.memref_squeeze %dma_wait3A_128 : memref<1x640x128xf32, #tpu.memory_space<hbm>> -> memref<640x128xf32, #tpu.memory_space<hbm>>
      %dma_wait3A_130 = arith.constant 0 : i32
      %dma_wait3A_131 = tpu.memref_slice %arg10[%mul3A_26, %dma_wait3A_130] : memref<10240x128xf32, #tpu.memory_space<vmem_shared>> -> memref<640x128xf32, #tpu.memory_space<vmem_shared>>
      tpu.wait_dma2 semaphore(%run_scoped3A_121 : memref<!tpu.dma_semaphore, #tpu.memory_space<semaphore_mem>>) src(%dma_wait3A_131 : memref<640x128xf32, #tpu.memory_space<vmem_shared>>) dst(%dma_wait3A_129 : memref<640x128xf32, #tpu.memory_space<hbm>>)
      tpu.yield
    }) : () -> ()
    return
  }
}

module attributes {stable_mosaic.version = 14 : i64} {
  func.func @_tc_a_body(%arg0: i32, %arg1: memref<2000x128xf32, #tpu.memory_space<vmem>>, %arg2: memref<128x128xf32, #tpu.memory_space<vmem>>, %arg3: memref<2x2000x128xf32, #tpu.memory_space<vmem>>, %arg4: memref<2000x128xf32, #tpu.memory_space<vmem>>, %arg5: memref<2000x128xf32, #tpu.memory_space<vmem>>) attributes {dimension_semantics = [#tpu.dimension_semantics<arbitrary>], iteration_bounds = array<i64: 5>, scalar_prefetch = 0 : i64, scratch_operands = 0 : i64, tpu.core_type = #tpu.core_type<tc>, window_params = [{transform_indices = @transform_0, window_bounds = array<i64: 2000, 128>}, {pipeline_mode = #tpu.pipeline_mode<synchronous>, transform_indices = @transform_1, window_bounds = array<i64: 128, 128>}, {transform_indices = @transform_2, window_bounds = array<i64: 2, 2000, 128>}, {transform_indices = @transform_3, window_bounds = array<i64: 2000, 128>}, {transform_indices = @transform_4, window_bounds = array<i64: 2000, 128>}]} {
    %get3A = arith.constant 0 : index
    %get3A_0 = arith.constant 0 : index
    %get3A_1 = arith.constant 0 : index
    %get3A_2 = vector.load %arg3[%get3A, %get3A_0, %get3A_1] : memref<2x2000x128xf32, #tpu.memory_space<vmem>>, vector<1x2000x1xf32>
    %get3A_3 = vector.shape_cast %get3A_2 : vector<1x2000x1xf32> to vector<2000x1xf32>
    %get3A_4 = arith.constant 1 : index
    %get3A_5 = arith.constant 0 : index
    %get3A_6 = arith.constant 0 : index
    %get3A_7 = vector.load %arg3[%get3A_4, %get3A_5, %get3A_6] : memref<2x2000x128xf32, #tpu.memory_space<vmem>>, vector<1x2000x1xf32>
    %get3A_8 = vector.shape_cast %get3A_7 : vector<1x2000x1xf32> to vector<2000x1xf32>
    %add3A = arith.addf %get3A_3, %get3A_8 : vector<2000x1xf32>
    %add3A_9 = arith.constant 1.000000e+00 : f32
    %add3A_10 = vector.broadcast %add3A_9 : f32 to vector<2000x1xf32>
    %add3A_11 = arith.addf %add3A, %add3A_10 : vector<2000x1xf32>
    %rsqrt3A = math.rsqrt %add3A_11 : vector<2000x1xf32>
    %get3A_12 = arith.constant 0 : index
    %get3A_13 = arith.constant 0 : index
    %get3A_14 = vector.load %arg1[%get3A_12, %get3A_13] : memref<2000x128xf32, #tpu.memory_space<vmem>>, vector<2000x128xf32>
    %get3A_15 = arith.constant 0 : index
    %get3A_16 = arith.constant 0 : index
    %get3A_17 = vector.load %arg2[%get3A_15, %get3A_16] : memref<128x128xf32, #tpu.memory_space<vmem>>, vector<128x128xf32>
    %dot_general3A = arith.constant dense<0.000000e+00> : vector<2000x128xf32>
    %dot_general3A_18 = tpu.matmul %get3A_14, %get3A_17, %dot_general3A {dimension_numbers = #tpu.dot_dimension_numbers<[1], [0], [0], [1], [0, 0, 1, 1], [], []>, transpose_lhs_hint = false} : vector<2000x128xf32>, vector<128x128xf32>, vector<2000x128xf32> -> vector<2000x128xf32>
    %mul3A = vector.broadcast %rsqrt3A : vector<2000x1xf32> to vector<2000x128xf32>
    %mul3A_19 = arith.mulf %dot_general3A_18, %mul3A : vector<2000x128xf32>
    %swap3A = arith.constant 0 : index
    %swap3A_20 = arith.constant 0 : index
    %swap3A_21 = vector.load %arg4[%swap3A, %swap3A_20] : memref<2000x128xf32, #tpu.memory_space<vmem>>, vector<2000x128xf32>
    tpu.vector_store %arg4[%swap3A, %swap3A_20], %mul3A_19 {strides = array<i32>} : memref<2000x128xf32, #tpu.memory_space<vmem>>, vector<2000x128xf32>,
    %broadcast_in_dim3A = vector.shape_cast %rsqrt3A : vector<2000x1xf32> to vector<2000x1xf32>
    %broadcast_in_dim3A_22 = vector.broadcast %broadcast_in_dim3A : vector<2000x1xf32> to vector<2000x128xf32>
    %swap3A_23 = arith.constant 0 : index
    %swap3A_24 = arith.constant 0 : index
    %swap3A_25 = vector.load %arg5[%swap3A_23, %swap3A_24] : memref<2000x128xf32, #tpu.memory_space<vmem>>, vector<2000x128xf32>
    tpu.vector_store %arg5[%swap3A_23, %swap3A_24], %broadcast_in_dim3A_22 {strides = array<i32>} : memref<2000x128xf32, #tpu.memory_space<vmem>>, vector<2000x128xf32>,
    return
  }
  func.func @transform_0(%arg0: i32) -> (i32, i32) {
    %c0_i32 = arith.constant 0 : i32
    %c0_i32_0 = arith.constant 0 : i32
    return %arg0, %c0_i32 : i32, i32
  }
  func.func @transform_1(%arg0: i32) -> (i32, i32) {
    %c0_i32 = arith.constant 0 : i32
    %c0_i32_0 = arith.constant 0 : i32
    %c0_i32_1 = arith.constant 0 : i32
    return %c0_i32, %c0_i32_0 : i32, i32
  }
  func.func @transform_2(%arg0: i32) -> (i32, i32, i32) {
    %c0_i32 = arith.constant 0 : i32
    %c0_i32_0 = arith.constant 0 : i32
    %c0_i32_1 = arith.constant 0 : i32
    return %c0_i32, %arg0, %c0_i32_0 : i32, i32, i32
  }
  func.func @transform_3(%arg0: i32) -> (i32, i32) {
    %c0_i32 = arith.constant 0 : i32
    %c0_i32_0 = arith.constant 0 : i32
    return %arg0, %c0_i32 : i32, i32
  }
  func.func @transform_4(%arg0: i32) -> (i32, i32) {
    %c0_i32 = arith.constant 0 : i32
    %c0_i32_0 = arith.constant 0 : i32
    return %arg0, %c0_i32 : i32, i32
  }
}

module attributes {stable_mosaic.version = 14 : i64} {
  func.func @_tc_b_body(%arg0: i32, %arg1: memref<2x2000x128xf32, #tpu.memory_space<vmem>>, %arg2: memref<2000x128xf32, #tpu.memory_space<vmem>>, %arg3: memref<2000x128xf32, #tpu.memory_space<vmem>>, %arg4: memref<128xf32, #tpu.memory_space<vmem>>, %arg5: memref<128x128xf32, #tpu.memory_space<vmem>>, %arg6: memref<2000x128xf32, #tpu.memory_space<vmem>>) attributes {dimension_semantics = [#tpu.dimension_semantics<arbitrary>], iteration_bounds = array<i64: 5>, scalar_prefetch = 0 : i64, scratch_operands = 0 : i64, tpu.core_type = #tpu.core_type<tc>, window_params = [{transform_indices = @transform_0, window_bounds = array<i64: 2, 2000, 128>}, {transform_indices = @transform_1, window_bounds = array<i64: 2000, 128>}, {transform_indices = @transform_2, window_bounds = array<i64: 2000, 128>}, {pipeline_mode = #tpu.pipeline_mode<synchronous>, transform_indices = @transform_3, window_bounds = array<i64: 128>}, {pipeline_mode = #tpu.pipeline_mode<synchronous>, transform_indices = @transform_4, window_bounds = array<i64: 128, 128>}, {transform_indices = @transform_5, window_bounds = array<i64: 2000, 128>}]} {
    %get3A = arith.constant 0 : index
    %get3A_0 = arith.constant 0 : index
    %get3A_1 = arith.constant 0 : index
    %get3A_2 = vector.load %arg1[%get3A, %get3A_0, %get3A_1] : memref<2x2000x128xf32, #tpu.memory_space<vmem>>, vector<1x2000x128xf32>
    %get3A_3 = vector.shape_cast %get3A_2 : vector<1x2000x128xf32> to vector<2000x128xf32>
    %get3A_4 = arith.constant 1 : index
    %get3A_5 = arith.constant 0 : index
    %get3A_6 = arith.constant 0 : index
    %get3A_7 = vector.load %arg1[%get3A_4, %get3A_5, %get3A_6] : memref<2x2000x128xf32, #tpu.memory_space<vmem>>, vector<1x2000x128xf32>
    %get3A_8 = vector.shape_cast %get3A_7 : vector<1x2000x128xf32> to vector<2000x128xf32>
    %add3A = arith.addf %get3A_3, %get3A_8 : vector<2000x128xf32>
    %get3A_9 = arith.constant 0 : index
    %get3A_10 = arith.constant 0 : index
    %get3A_11 = vector.load %arg2[%get3A_9, %get3A_10] : memref<2000x128xf32, #tpu.memory_space<vmem>>, vector<2000x128xf32>
    %add3A_12 = arith.addf %add3A, %get3A_11 : vector<2000x128xf32>
    %get3A_13 = arith.constant 0 : index
    %get3A_14 = arith.constant 0 : index
    %get3A_15 = vector.load %arg3[%get3A_13, %get3A_14] : memref<2000x128xf32, #tpu.memory_space<vmem>>, vector<2000x128xf32>
    %mul3A = arith.mulf %add3A_12, %get3A_15 : vector<2000x128xf32>
    %get3A_16 = arith.constant 0 : index
    %get3A_17 = vector.load %arg4[%get3A_16] : memref<128xf32, #tpu.memory_space<vmem>>, vector<128xf32>
    %broadcast_in_dim3A = vector.shape_cast %get3A_17 : vector<128xf32> to vector<1x128xf32>
    %add3A_18 = vector.broadcast %broadcast_in_dim3A : vector<1x128xf32> to vector<2000x128xf32>
    %add3A_19 = arith.addf %mul3A, %add3A_18 : vector<2000x128xf32>
    %mul3A_20 = arith.constant 5.000000e-01 : f32
    %mul3A_21 = vector.broadcast %mul3A_20 : f32 to vector<2000x128xf32>
    %mul3A_22 = arith.mulf %mul3A_21, %add3A_19 : vector<2000x128xf32>
    %mul3A_23 = arith.constant 0.707106769 : f32
    %mul3A_24 = vector.broadcast %mul3A_23 : f32 to vector<2000x128xf32>
    %mul3A_25 = arith.mulf %add3A_19, %mul3A_24 : vector<2000x128xf32>
    %erf3A = math.erf %mul3A_25 : vector<2000x128xf32>
    %add3A_26 = arith.constant 1.000000e+00 : f32
    %add3A_27 = vector.broadcast %add3A_26 : f32 to vector<2000x128xf32>
    %add3A_28 = arith.addf %add3A_27, %erf3A : vector<2000x128xf32>
    %mul3A_29 = arith.mulf %mul3A_22, %add3A_28 : vector<2000x128xf32>
    %get3A_30 = arith.constant 0 : index
    %get3A_31 = arith.constant 0 : index
    %get3A_32 = vector.load %arg5[%get3A_30, %get3A_31] : memref<128x128xf32, #tpu.memory_space<vmem>>, vector<128x128xf32>
    %dot_general3A = arith.constant dense<0.000000e+00> : vector<2000x128xf32>
    %dot_general3A_33 = tpu.matmul %mul3A_29, %get3A_32, %dot_general3A {dimension_numbers = #tpu.dot_dimension_numbers<[1], [0], [0], [1], [0, 0, 1, 1], [], []>, transpose_lhs_hint = false} : vector<2000x128xf32>, vector<128x128xf32>, vector<2000x128xf32> -> vector<2000x128xf32>
    %get3A_34 = arith.constant 0 : index
    %get3A_35 = arith.constant 0 : index
    %get3A_36 = vector.load %arg3[%get3A_34, %get3A_35] : memref<2000x128xf32, #tpu.memory_space<vmem>>, vector<2000x128xf32>
    %mul3A_37 = arith.mulf %dot_general3A_33, %get3A_36 : vector<2000x128xf32>
    %swap3A = arith.constant 0 : index
    %swap3A_38 = arith.constant 0 : index
    %swap3A_39 = vector.load %arg6[%swap3A, %swap3A_38] : memref<2000x128xf32, #tpu.memory_space<vmem>>, vector<2000x128xf32>
    tpu.vector_store %arg6[%swap3A, %swap3A_38], %mul3A_37 {strides = array<i32>} : memref<2000x128xf32, #tpu.memory_space<vmem>>, vector<2000x128xf32>,
    return
  }
  func.func @transform_0(%arg0: i32) -> (i32, i32, i32) {
    %c0_i32 = arith.constant 0 : i32
    %c0_i32_0 = arith.constant 0 : i32
    %c0_i32_1 = arith.constant 0 : i32
    return %c0_i32, %arg0, %c0_i32_0 : i32, i32, i32
  }
  func.func @transform_1(%arg0: i32) -> (i32, i32) {
    %c0_i32 = arith.constant 0 : i32
    %c0_i32_0 = arith.constant 0 : i32
    return %arg0, %c0_i32 : i32, i32
  }
  func.func @transform_2(%arg0: i32) -> (i32, i32) {
    %c0_i32 = arith.constant 0 : i32
    %c0_i32_0 = arith.constant 0 : i32
    return %arg0, %c0_i32 : i32, i32
  }
  func.func @transform_3(%arg0: i32) -> i32 {
    %c0_i32 = arith.constant 0 : i32
    %c0_i32_0 = arith.constant 0 : i32
    return %c0_i32 : i32
  }
  func.func @transform_4(%arg0: i32) -> (i32, i32) {
    %c0_i32 = arith.constant 0 : i32
    %c0_i32_0 = arith.constant 0 : i32
    %c0_i32_1 = arith.constant 0 : i32
    return %c0_i32, %c0_i32_0 : i32, i32
  }
  func.func @transform_5(%arg0: i32) -> (i32, i32) {
    %c0_i32 = arith.constant 0 : i32
    %c0_i32_0 = arith.constant 0 : i32
    return %arg0, %c0_i32 : i32, i32
  }
}

module attributes {stable_mosaic.version = 14 : i64} {
  func.func @_tc_c_body(%arg0: i32, %arg1: memref<2x2000x128xf32, #tpu.memory_space<vmem>>, %arg2: memref<2000x128xf32, #tpu.memory_space<vmem>>, %arg3: memref<2000x128xf32, #tpu.memory_space<vmem>>, %arg4: memref<128xf32, #tpu.memory_space<vmem>>, %arg5: memref<2000x128xf32, #tpu.memory_space<vmem>>) attributes {dimension_semantics = [#tpu.dimension_semantics<arbitrary>], iteration_bounds = array<i64: 5>, scalar_prefetch = 0 : i64, scratch_operands = 0 : i64, tpu.core_type = #tpu.core_type<tc>, window_params = [{transform_indices = @transform_0, window_bounds = array<i64: 2, 2000, 128>}, {transform_indices = @transform_1, window_bounds = array<i64: 2000, 128>}, {transform_indices = @transform_2, window_bounds = array<i64: 2000, 128>}, {pipeline_mode = #tpu.pipeline_mode<synchronous>, transform_indices = @transform_3, window_bounds = array<i64: 128>}, {transform_indices = @transform_4, window_bounds = array<i64: 2000, 128>}]} {
    %get3A = arith.constant 0 : index
    %get3A_0 = arith.constant 0 : index
    %get3A_1 = arith.constant 0 : index
    %get3A_2 = vector.load %arg1[%get3A, %get3A_0, %get3A_1] : memref<2x2000x128xf32, #tpu.memory_space<vmem>>, vector<1x2000x128xf32>
    %get3A_3 = vector.shape_cast %get3A_2 : vector<1x2000x128xf32> to vector<2000x128xf32>
    %get3A_4 = arith.constant 1 : index
    %get3A_5 = arith.constant 0 : index
    %get3A_6 = arith.constant 0 : index
    %get3A_7 = vector.load %arg1[%get3A_4, %get3A_5, %get3A_6] : memref<2x2000x128xf32, #tpu.memory_space<vmem>>, vector<1x2000x128xf32>
    %get3A_8 = vector.shape_cast %get3A_7 : vector<1x2000x128xf32> to vector<2000x128xf32>
    %add3A = arith.addf %get3A_3, %get3A_8 : vector<2000x128xf32>
    %get3A_9 = arith.constant 0 : index
    %get3A_10 = arith.constant 0 : index
    %get3A_11 = vector.load %arg2[%get3A_9, %get3A_10] : memref<2000x128xf32, #tpu.memory_space<vmem>>, vector<2000x128xf32>
    %add3A_12 = arith.addf %add3A, %get3A_11 : vector<2000x128xf32>
    %get3A_13 = arith.constant 0 : index
    %get3A_14 = arith.constant 0 : index
    %get3A_15 = vector.load %arg3[%get3A_13, %get3A_14] : memref<2000x128xf32, #tpu.memory_space<vmem>>, vector<2000x128xf32>
    %mul3A = arith.mulf %add3A_12, %get3A_15 : vector<2000x128xf32>
    %get3A_16 = arith.constant 0 : index
    %get3A_17 = vector.load %arg4[%get3A_16] : memref<128xf32, #tpu.memory_space<vmem>>, vector<128xf32>
    %broadcast_in_dim3A = vector.shape_cast %get3A_17 : vector<128xf32> to vector<1x128xf32>
    %add3A_18 = vector.broadcast %broadcast_in_dim3A : vector<1x128xf32> to vector<2000x128xf32>
    %add3A_19 = arith.addf %mul3A, %add3A_18 : vector<2000x128xf32>
    %swap3A = arith.constant 0 : index
    %swap3A_20 = arith.constant 0 : index
    %swap3A_21 = vector.load %arg5[%swap3A, %swap3A_20] : memref<2000x128xf32, #tpu.memory_space<vmem>>, vector<2000x128xf32>
    tpu.vector_store %arg5[%swap3A, %swap3A_20], %add3A_19 {strides = array<i32>} : memref<2000x128xf32, #tpu.memory_space<vmem>>, vector<2000x128xf32>,
    return
  }
  func.func @transform_0(%arg0: i32) -> (i32, i32, i32) {
    %c0_i32 = arith.constant 0 : i32
    %c0_i32_0 = arith.constant 0 : i32
    %c0_i32_1 = arith.constant 0 : i32
    return %c0_i32, %arg0, %c0_i32_0 : i32, i32, i32
  }
  func.func @transform_1(%arg0: i32) -> (i32, i32) {
    %c0_i32 = arith.constant 0 : i32
    %c0_i32_0 = arith.constant 0 : i32
    return %arg0, %c0_i32 : i32, i32
  }
  func.func @transform_2(%arg0: i32) -> (i32, i32) {
    %c0_i32 = arith.constant 0 : i32
    %c0_i32_0 = arith.constant 0 : i32
    return %arg0, %c0_i32 : i32, i32
  }
  func.func @transform_3(%arg0: i32) -> i32 {
    %c0_i32 = arith.constant 0 : i32
    %c0_i32_0 = arith.constant 0 : i32
    return %c0_i32 : i32
  }
  func.func @transform_4(%arg0: i32) -> (i32, i32) {
    %c0_i32 = arith.constant 0 : i32
    %c0_i32_0 = arith.constant 0 : i32
    return %arg0, %c0_i32 : i32, i32
  }
}

</mosaic_0001>

<sc_bundles>
// kernel: kernel.11.cloned.1.call-start
scs
__scs_entry_jumppad:
0x0: {  	(pc) =	sbr.rel $0x88, $3  }
0x1: {  	(tag) =	ssettag $0x0;
	lr =	simm.s32 $0x1  }
0x2: {  	[smem:$0x3F9B] =	sst lr;
	_ =	strace $0xD0000000  }
0x3: {  	_ = 	snop  }
0x4: {  	_ = 	snop  }
0x5: {  	_ = 	snop  }
0x6: {  	_ = 	snop  }
0x7: {  	_ = 	snop  }
__scs_overlays_trampoline_lowered:
0x8: {  	[smem:$0x3FAA] =	sst s0  }
0x9: {  	[smem:$0x3FAB] =	sst s1  }
0xa: {  	[smem:$0x3FAC] =	sst s2  }
0xb: {  	[smem:$0x3FAD] =	sst s3  }
0xc: {  	[smem:$0x3FAE] =	sst s4  }
0xd: {  	[smem:$0x3FAF] =	sst s5  }
0xe: {  	[smem:$0x3FB0] =	sst s6  }
0xf: {  	[smem:$0x3FB1] =	sst s7  }
0x10: {  	[smem:$0x3FB2] =	sst s8  }
0x11: {  	[smem:$0x3FB3] =	sst s9;
	s0 =	simm.s32 @!p0 $0x0  }
0x12: {  	s1 =	sld [smem:$0x3F99];
	s0 =	simm.s32 @p0 $0x1  }
0x13: {  	[smem:$0x3FB4] =	sst s0;
	s0 =	simm.s32 @!p1 $0x0  }
0x14: {  	s2 =	sld [smem:$0x3F98];
	s0 =	simm.s32 @p1 $0x1  }
0x15: {  	[smem:$0x3FB5] =	sst s0;
	s0 =	simm.s32 @!p2 $0x0  }
0x16: {  	s3 =	sld [smem:$0x3FDB];
	s0 =	simm.s32 @p2 $0x1  }
0x17: {  	s4 =	simm.s32 $0x1BF5;
	[smem:$0x3FB7] =	sst s0  }
0x18: {  	s0 =	sld [smem:$0x3F9A];
	_ =	swait.ge [sflag:s4], $0x0  }
0x19: {  	s7 =	sld [smem:$0x3F9B]  }
0x1a: {  	s8 =	sadd.s32 $0xFFFFE003, lr  }
0x1b: {  	s9 =	sadd.s32 $0xFFFFFEF7, lr;
	s5 =	simm.s32 $0xFFFFFFFF;
	p2 =	slt.u32 s8, $0xFFFFF086  }
0x1c: {  	p1 =	slt.u32 s9, $0xF7A;
	s5 =	simm.s32 @!p2 $0x0  }
0x1d: {  	s5 =	simm.s32 @p1 $0x1;
	p0 =	seq.s32 s7, s2  }
0x1e: {  	s7 =	smul.u32 @!p0 $0xF7A, s2;
	p2 =	seq.s32 @!p0 s5, $0x0  }
0x1f: {  	s9 =	smul.u32 $0xF7A, s1;
	s8 =	simm.s32 @!p0 $0x1BF5;
	p2 =	por !p2, p0  }
0x20: {  	[sflag:s8] =	ssyncset.s32 @!p0 $0xFFFFF086;
	s6 =	sadd.s32 @!p0 s3, s7;
	s7 =	simm.s32 @!p0 $0x108  }
0x21: {  	s3 =	sadd.s32 s3, s9;
	s6 =	sadd.s32 @!p0 $0x88, s6;
	s7 =	simm.s32 @p2 $0x1082  }
0x22: {  	[simem:s7], [sflag:s8] =	dma.local @!p0 [hbm:s6], $0xF7A  }
0x23: {  	s9 =	sor.u32 $0xD0000000, s2;
	s6 =	simm.s32 $0x108;
	_ =	swait.ge @!p0 [sflag:s8], $0x0  }
0x24: {  	s3 =	sadd.s32 $0x88, s3;
	s6 =	simm.s32 @!p1 $0x1082;
	[sflag:s4] =	ssyncset.s32 $0xFFFFF086  }
0x25: {  	[simem:s6], [sflag:s4] =	dma.local [hbm:s3], $0xF7A  }
0x26: {  	[smem:$0x3F9B] =	sst s1;
	(tag) =	ssettag s2;
	_ =	strace s9  }
0x27: {  	s1 =	sld [smem:$0x3FAB]  }
0x28: {  	s2 =	sld [smem:$0x3FAC]  }
0x29: {  	s4 =	sld [smem:$0x3FAE]  }
0x2a: {  	p0 =	seq.s32 s5, $0x0;
	s5 =	sld [smem:$0x3FAF]  }
0x2b: {  	s6 =	sld [smem:$0x3FB0]  }
0x2c: {  	s7 =	sld [smem:$0x3FB1]  }
0x2d: {  	s3 =	simm.s32 $0x108;
	s8 =	sld [smem:$0x3FB2]  }
0x2e: {  	s3 =	simm.s32 @!p0 $0x1082;
	s9 =	sld [smem:$0x3FB3]  }
0x2f: {  	lr =	sadd.s32 s0, s3;
	s0 =	sld [smem:$0x3FAA]  }
0x30: {  	s3 =	sld [smem:$0x3FAD]  }
0x31: {  	[smem:$0x3FB6] =	sst s10  }
0x32: {  	s10 =	sld [smem:$0x3FB4];
	_ =	sdelay $0x3  }
0x33: {  	p0 =	seq.s32 s10, $0x1;
	s10 =	sld [smem:$0x3FB6];
	_ =	sdelay $0x3  }
0x34: {  	[smem:$0x3FB6] =	sst s10  }
0x35: {  	s10 =	sld [smem:$0x3FB5];
	_ =	sdelay $0x3  }
0x36: {  	p1 =	seq.s32 s10, $0x1;
	s10 =	sld [smem:$0x3FB6];
	_ =	sdelay $0x3  }
0x37: {  	[smem:$0x3FB6] =	sst s10  }
0x38: {  	s10 =	sld [smem:$0x3FB7]  }
0x39: {  	_ = 	snop;
	(pc) =	sbr.ind lr, $3  }
0x3a: {  	_ = 	snop  }
0x3b: {  	_ = 	snop  }
0x3c: {  	p2 =	seq.s32 s10, $0x1;
	s10 =	sld [smem:$0x3FB6]  }
0x3d: {  	_ =	shalt  }
0x3e: {  	_ =	shalt  }
0x3f: {  	_ =	shalt  }
0x40: {  	_ =	shalt  }
0x41: {  	_ =	shalt  }
0x42: {  	_ =	shalt  }
0x43: {  	_ =	shalt  }
0x44: {  	_ =	shalt  }
0x45: {  	_ =	shalt  }
0x46: {  	_ =	shalt  }
0x47: {  	_ =	shalt  }
0x48: {  	_ =	shalt  }
0x49: {  	_ =	shalt  }
0x4a: {  	_ =	shalt  }
0x4b: {  	_ =	shalt  }
0x4c: {  	_ =	shalt  }
0x4d: {  	_ =	shalt  }
0x4e: {  	_ =	shalt  }
0x4f: {  	_ =	shalt  }
0x50: {  	_ =	shalt  }
0x51: {  	_ =	shalt  }
0x52: {  	_ =	shalt  }
0x53: {  	_ =	shalt  }
0x54: {  	_ =	shalt  }
0x55: {  	_ =	shalt  }
0x56: {  	_ =	shalt  }
0x57: {  	_ =	shalt  }
0x58: {  	_ =	shalt  }
0x59: {  	_ =	shalt  }
0x5a: {  	_ =	shalt  }
0x5b: {  	_ =	shalt  }
0x5c: {  	_ =	shalt  }
0x5d: {  	_ =	shalt  }
0x5e: {  	_ =	shalt  }
0x5f: {  	_ =	shalt  }
0x60: {  	_ =	shalt  }
0x61: {  	_ =	shalt  }
0x62: {  	_ =	shalt  }
0x63: {  	_ =	shalt  }
0x64: {  	_ =	shalt  }
0x65: {  	_ =	shalt  }
0x66: {  	_ =	shalt  }
0x67: {  	_ =	shalt  }
0x68: {  	_ =	shalt  }
0x69: {  	_ =	shalt  }
0x6a: {  	_ =	shalt  }
0x6b: {  	_ =	shalt  }
0x6c: {  	_ =	shalt  }
0x6d: {  	_ =	shalt  }
0x6e: {  	_ =	shalt  }
0x6f: {  	_ =	shalt  }
0x70: {  	_ =	shalt  }
0x71: {  	_ =	shalt  }
0x72: {  	_ =	shalt  }
0x73: {  	_ =	shalt  }
0x74: {  	_ =	shalt  }
0x75: {  	_ =	shalt  }
0x76: {  	_ =	shalt  }
0x77: {  	_ =	shalt  }
0x78: {  	_ =	shalt  }
0x79: {  	_ =	shalt  }
0x7a: {  	_ =	shalt  }
0x7b: {  	_ =	shalt  }
0x7c: {  	_ =	shalt  }
0x7d: {  	_ =	shalt  }
0x7e: {  	_ =	shalt  }
0x7f: {  	_ =	shalt  }
0x80: {  	_ =	shalt  }
0x81: {  	_ =	shalt  }
0x82: {  	_ =	shalt  }
0x83: {  	_ =	shalt  }
0x84: {  	_ =	shalt  }
0x85: {  	_ =	shalt  }
0x86: {  	_ =	shalt  }
0x87: {  	_ =	shalt  }
.Lfunc_end0:
.L_simem_size_0:
called_computation.1_lowered:
.L_overlay_start_0:
0x88: {  	s2 =	sld [smem:$0x3FD9]  }
0x89: {  	s3 =	sld [smem:$0x3FFE];
	_ =	sdelay $0x1  }
0x8a: {  	s1 =	srdreg.scid  }
0x8b: {  	s0 =	sand.u32 $0x1, s1  }
0x8c: {  	s17 =	sshll.u32 s0, $0xA;
	s2 =	sadd.s32 s3, s2  }
0x8d: {  	s2 =	sadd.s32 s2, s17  }
0x8e: {  	[smem:$0x3FC2] =	sst s2  }
0x8f: {  	_ = 	snop  }
0x90: {  	s2 =	sld [smem:$0x3FD0];
	(tm) =	ssettm $0x1  }
0x91: {  	s18 =	sld [smem:$0x3FFB];
	_ =	sdelay $0x3  }
0x92: {  	_ =	strace s18  }
0x93: {  	s3 =	sld [smem:$0x3FFC];
	_ =	sdelay $0x3  }
0x94: {  	_ =	strace s3  }
0x95: {  	s3 =	sld [smem:$0x3FFD];
	_ =	sdelay $0x3  }
0x96: {  	_ =	strace s3  }
0x97: {  	_ =	strace $0x8FFFFFFF  }
0x98: {  	s19 =	sld [smem:$0x3FDB];
	_ =	sdelay $0x1  }
0x99: {  	s4 =	simm.s32 $_scs_section_size  }
0x9a: {  	s5 =	simm.s32 $_size__tile_overlayer_lowered;
	s6 =	simm.s32 $_tile_overlayer_lowered  }
0x9b: {  	s22 =	simm.s32 $0x1BFF;
	s21 =	sshll.u32 s6, $0x1;
	s3 =	sadd.s32 s4, s19  }
0x9c: {  	s7 =	simm.s32 $0x0;
	s20 =	sshll.u32 s5, $0x1;
	s5 =	sadd.s32 s21, s3  }
0x9d: {  	[timem:s7], [sflag:s22] =	dma.local [hbm:s5], s20  }
0x9e: {  	_ =	swait.ge [sflag:s22], s20  }
0x9f: {  	s4 =	ssub.s32 $0x0, s20;
	[sflag:s22] =	ssyncset.done $0x0  }
0xa0: {  	[sflag:s22] =	ssyncadd.s32 s4;
	_ =	sdelay $0x1  }
0xa1: {  	s23 =	simm.s32 $0x1B8B  }
0xa2: {  	_ =	swait.ge [sflag:s23], $0x1  }
0xa3: {  	[sflag:s23] =	ssyncset.done $0x0  }
0xa4: {  	s25 =	simm.s32 $0x1B8E;
	s24 =	sld [smem:$0x3FFE];
	[sflag:s23] =	ssyncadd.s32 $0xFFFFFFFF  }
0xa5: {  	s26 =	simm.s32 $execute0_lowered;
	[smem:$0x3FD2] =	sst s25  }
0xa6: {  	s5 =	sshll.u32 s26, $0x1;
	_ =	strace $0x80000049;
	[dreg:$0x1] =	wrdreg $0xFFFFFFFF  }
0xa7: {  	s28 =	simm.s32 $_size_execute0_lowered;
	s3 =	sadd.s32 s3, s5;
	[dreg:$0x0] =	wrdreg $0x0  }
0xa8: {  	s5 =	sshll.u32 s28, $0x1;
	[dreg:$0x2] =	wrdreg s3  }
0xa9: {  	[dreg:$0x3] =	wrdreg s5  }
0xaa: {  	[dreg:$0x4] =	wrdreg $0xC0  }
0xab: {  	_ =	task [dreg:s7], $0x5FFFF  }
0xac: {  	[dreg:$0x1] =	wrdreg $0xFFFFFFFF  }
0xad: {  	[dreg:$0x0] =	wrdreg $0x60  }
0xae: {  	[dreg:$0x2] =	wrdreg s2  }
0xaf: {  	[dreg:$0x3] =	wrdreg s24  }
0xb0: {  	[dreg:$0x4] =	wrdreg $0x92000  }
0xb1: {  	[dreg:$0x5] =	wrdreg $0x9  }
0xb2: {  	_ =	task.clear_ibuf [dreg:s7], $0x6FFFF;
	_ =	strace $0x90000049  }
0xb3: {  	s29 =	simm.s32 $0x9;
	_ =	strace $0x8000004B  }
0xb4: {  	_ =	swait.ge [sflag:s29], $0x1  }
0xb5: {  	[sflag:s29] =	ssyncadd.s32 $0xFFFFFFFF  }
0xb6: {  	_ =	strace $0x9000004B  }
0xb7: {  	_ =	sfence  }
0xb8: {  	s30 =	sld [smem:$0x0];
	_ =	sdelay $0x2  }
0xb9: {  	s31 =	sshll.u32 s1, $0xD;
	s1 =	sshrl.u32 s1, $0x2  }
0xba: {  	s3 =	sand.u32 $0x4000, s31;
	s1 =	sadd.s32 s1, s30  }
0xbb: {  	s0 =	sor.u32 s3, s0;
	s1 =	sshll.u32 s1, $0x11  }
0xbc: {  	s0 =	sor.u32 s1, s0  }
0xbd: {  	s0 =	sadd.s32 $0x8F2B, s0  }
0xbe: {  	[sflag:s0] =	ssyncadd.remote.s32 $0x1  }
0xbf: {  	_ =	sfence.sel $0xFFFF  }
0xc0: {  	[dreg:$0x0] =	wrdreg $0xFFFFFFFF;
	(pc) =	sbr.abs _section_cstart, $3  }
0xc1: {  	[dreg:$0x1] =	wrdreg $0xFFFFFFFF  }
0xc2: {  	_ =	task.clear_ibuf [dreg:s7], $0x2FFFF;
	_ =	strace $0x9FFFFFFF  }
0xc3: {  	(tm) =	ssettm $0x7FFFFFFF  }
tec
execute0_lowered:
.L_overlay_start_1:
0x0: {  	(tag) =	ssettag $0x1  }
0x1: {  	s1 =	rddreg [dreg:$0x0]  }
0x2: {  	s0 =	rddreg [dreg:$0x1];
	s10 =	stileid.u32  }
0x3: {  	s3 =	rddreg [dreg:$0x2];
	s6 =	smul.u32 $0x14000, s10  }
0x4: {  	s2 =	srdreg.scid;
	s26 =	smul.u32 $0x50000, s10  }
0x5: {  	s4 =	simm.s32 $0x0;
	s2 =	sand.u32 $0x1, s2;
	s18 =	smul.u32 $0x5000, s10  }
0x6: {  	[smem:$0x7FF] =	sst s4;
	s8 =	sadd.s32 $0x2800, s0;
	s5 =	smul.u32 $0x140000, s2  }
0x7: {  	s7 =	sshll.u32 s2, $0x4;
	_ =	strace $0x8000004A;
	s12 =	ssub.s32 $0x2, s2  }
0x8: {  	s2 =	smul.u32 $0x50000, s2;
	s7 =	sor.u32 s10, s7;
	s9 =	sshrl.u32 s12, $0x1  }
0x9: {  	s13 =	sshrl.u32 s26, $0x2;
	s10 =	simm.s32 $0x200;
	s5 =	sadd.s32 s6, s5  }
0xa: {  	s25 =	smul.u32 $0x5000, s7;
	s7 =	sadd.s32 s13, s3;
	s2 =	sadd.s32 s18, s2  }
0xb: {  	s13 =	simm.s32 $0x2;
	s5 =	sshrl.u32 s5, $0x3;
	s15 =	sadd.s32 $0x2000, s7  }
0xc: {  	s16 =	sadd.s32 $0x3000, s7;
	s17 =	sadd.s32 $0x4000, s7;
	[dreg:$0x7] =	wrdreg s15  }
0xd: {  	s19 =	sadd.s32 $0x5000, s7;
	s20 =	sadd.s32 $0x6000, s7;
	[dreg:$0x8] =	wrdreg s16  }
0xe: {  	s21 =	sadd.s32 $0x7000, s7;
	s22 =	sadd.s32 $0x8000, s7;
	[dreg:$0x9] =	wrdreg s17  }
0xf: {  	s23 =	sadd.s32 $0x9000, s7;
	s24 =	sadd.s32 $0xA000, s7;
	[dreg:$0xa] =	wrdreg s19  }
0x10: {  	s26 =	sor.u32 $0x300, s2;
	s2 =	sor.u32 $0x200, s2;
	[dreg:$0xb] =	wrdreg s20  }
0x11: {  	s28 =	sadd.s32 $0x10000, s7;
	s29 =	sadd.s32 $0x11000, s7;
	[dreg:$0xc] =	wrdreg s21  }
0x12: {  	s30 =	sadd.s32 $0x12000, s7;
	s31 =	sadd.s32 $0x13000, s7;
	[dreg:$0xd] =	wrdreg s22  }
0x13: {  	s0 =	sadd.s32 s5, s0;
	s6 =	sshrl.u32 s25, $0x3;
	[dreg:$0xe] =	wrdreg s23  }
0x14: {  	s5 =	ssub.s32 s12, s9;
	[dreg:$0xf] =	wrdreg s24;
	s25 =	sadd.s32 $0xB000, s7  }
0x15: {  	s19 =	sadd.s32 $0xC000, s7;
	s20 =	sadd.s32 $0xD000, s7;
	s2 =	sshrl.u32 s2, $0x3  }
0x16: {  	s23 =	sadd.s32 $0xE000, s7;
	s9 =	simm.s32 $0x80;
	s12 =	simm.s32 $0x1  }
0x17: {  	s15 =	simm.s32 $0x0;
	s11 =	sadd.s32 s8, s6;
	s6 =	sadd.s32 $0x1000, s7  }
0x18: {  	[dreg:$0x10] =	wrdreg s25;
	s22 =	sadd.s32 s2, s8;
	s24 =	sadd.s32 $0x16800, s0  }
0x19: {  	s25 =	smax.u32 s5, $0x1;
	s0 =	simm.s32 $0x100;
	s2 =	simm.s32 $0x8200  }
0x1a: {  	s5 =	simm.s32 $0x4200;
	[dreg:$0x4] =	wrdreg s11;
	s14 =	sadd.s32 $0x20, s11  }
0x1b: {  	[dreg:$0x6] =	wrdreg s6;
	s6 =	sshrl.u32 s26, $0x3;
	s26 =	sadd.s32 $0xF000, s7  }
0x1c: {  	s11 =	simm.s32 $0x4;
	[dreg:$0x5] =	wrdreg s14;
	s21 =	sadd.s32 s6, s8  }
0x1d: {  	v0 =	vimm.f32 $0.0e+00;
	s6 =	simm.s32 $0x5;
	s8 =	simm.s32 $0x3;
	s14 =	simm.s32 $0x180  }
.LBB2_1:
0x1e: {  	s16 =	rddreg [dreg:$0x4]  }
0x1f: {  	[tilespmem:s4], [sflag:$0x3] =	stream.linear.gather [hbm4b:s16+s4], $0x100, $0x38;
	[tilespmem:$0x1D200] =	vst v63  }
0x20: {  	s18 =	rddreg [dreg:$0x5];
	s17 =	simm.s32 $0x200;
	s16 =	simm.s32 $0x0  }
0x21: {  	[tilespmem:s0], [sflag:$0x4] =	stream.linear.gather [hbm4b:s18+s4], $0x100, $0x38;
	[tilespmem:$0x1D200] =	vst v63  }
.LBB2_2:
0x22: {  	p0 =	sne.s32 s17, $0x3E00;
	[tilespmem:s16+$0x8270] =	vst v0  }
0x23: {  	[tilespmem:s16+$0x8200] =	vst v0  }
0x24: {  	[tilespmem:s16+$0x8210] =	vst v0  }
.Ltmp0:
0x25: {  	[tilespmem:s16+$0x8220] =	vst v0;
	(pc) =	sbr.rel @p0 .LBB2_2-.Ltmp0, $4  }
0x26: {  	[tilespmem:s16+$0x8230] =	vst v0  }
0x27: {  	[tilespmem:s16+$0x8240] =	vst v0  }
0x28: {  	[tilespmem:s16+$0x8250] =	vst v0  }
0x29: {  	[tilespmem:s16+$0x8260] =	vst v0;
	s16 =	sshra.s32 s17, $0x2;
	s17 =	sadd.s32 $0x200, s17  }
0x2a: {  	[tilespmem:s16+$0x8270] =	vst v0  }
0x2b: {  	[tilespmem:s16+$0x8200] =	vst v0  }
0x2c: {  	[tilespmem:s16+$0x8210] =	vst v0  }
0x2d: {  	[tilespmem:s16+$0x8220] =	vst v0  }
0x2e: {  	[tilespmem:s16+$0x8230] =	vst v0  }
0x2f: {  	[tilespmem:s16+$0x8240] =	vst v0  }
0x30: {  	[tilespmem:s16+$0x8250] =	vst v0  }
0x31: {  	[tilespmem:s16+$0x8260] =	vst v0  }
0x32: {  	[spmem:s7] =	stream.linear.scatter [tilespmem:s2], [sflag:$0x5], $0x1000, $0x38;
	[tilespmem:$0x1D200] =	vst v63  }
0x33: {  	_ =	swait.ge [sflag:s6], $0x1000  }
0x34: {  	[sflag:s6] =	ssyncset.done $0x0  }
0x35: {  	s18 =	rddreg [dreg:$0x6];
	[sflag:s6] =	ssyncadd.s32 $0xFFFFF000  }
0x36: {  	[spmem:s18] =	stream.linear.scatter [tilespmem:s2], [sflag:$0x5], $0x1000, $0x38;
	[tilespmem:$0x1D200] =	vst v63  }
0x37: {  	_ =	swait.ge [sflag:s6], $0x1000  }
0x38: {  	[sflag:s6] =	ssyncset.done $0x0  }
0x39: {  	s17 =	rddreg [dreg:$0x7];
	[sflag:s6] =	ssyncadd.s32 $0xFFFFF000  }
0x3a: {  	[spmem:s17] =	stream.linear.scatter [tilespmem:s2], [sflag:$0x5], $0x1000, $0x38;
	[tilespmem:$0x1D200] =	vst v63  }
0x3b: {  	_ =	swait.ge [sflag:s6], $0x1000  }
0x3c: {  	[sflag:s6] =	ssyncset.done $0x0  }
0x3d: {  	s18 =	rddreg [dreg:$0x8];
	[sflag:s6] =	ssyncadd.s32 $0xFFFFF000  }
0x3e: {  	[spmem:s18] =	stream.linear.scatter [tilespmem:s2], [sflag:$0x5], $0x1000, $0x38;
	[tilespmem:$0x1D200] =	vst v63  }
0x3f: {  	_ =	swait.ge [sflag:s6], $0x1000  }
0x40: {  	[sflag:s6] =	ssyncset.done $0x0  }
0x41: {  	s17 =	rddreg [dreg:$0x9];
	[sflag:s6] =	ssyncadd.s32 $0xFFFFF000  }
0x42: {  	[spmem:s17] =	stream.linear.scatter [tilespmem:s2], [sflag:$0x5], $0x1000, $0x38;
	[tilespmem:$0x1D200] =	vst v63  }
0x43: {  	_ =	swait.ge [sflag:s6], $0x1000  }
0x44: {  	[sflag:s6] =	ssyncset.done $0x0  }
0x45: {  	s18 =	rddreg [dreg:$0xa];
	[sflag:s6] =	ssyncadd.s32 $0xFFFFF000  }
0x46: {  	[spmem:s18] =	stream.linear.scatter [tilespmem:s2], [sflag:$0x5], $0x1000, $0x38;
	[tilespmem:$0x1D200] =	vst v63  }
0x47: {  	_ =	swait.ge [sflag:s6], $0x1000  }
0x48: {  	[sflag:s6] =	ssyncset.done $0x0  }
0x49: {  	s17 =	rddreg [dreg:$0xb];
	[sflag:s6] =	ssyncadd.s32 $0xFFFFF000  }
0x4a: {  	[spmem:s17] =	stream.linear.scatter [tilespmem:s2], [sflag:$0x5], $0x1000, $0x38;
	[tilespmem:$0x1D200] =	vst v63  }
0x4b: {  	_ =	swait.ge [sflag:s6], $0x1000  }
0x4c: {  	[sflag:s6] =	ssyncset.done $0x0  }
0x4d: {  	s18 =	rddreg [dreg:$0xc];
	[sflag:s6] =	ssyncadd.s32 $0xFFFFF000  }
0x4e: {  	[spmem:s18] =	stream.linear.scatter [tilespmem:s2], [sflag:$0x5], $0x1000, $0x38;
	[tilespmem:$0x1D200] =	vst v63  }
0x4f: {  	_ =	swait.ge [sflag:s6], $0x1000  }
0x50: {  	[sflag:s6] =	ssyncset.done $0x0  }
0x51: {  	s17 =	rddreg [dreg:$0xd];
	[sflag:s6] =	ssyncadd.s32 $0xFFFFF000  }
0x52: {  	[spmem:s17] =	stream.linear.scatter [tilespmem:s2], [sflag:$0x5], $0x1000, $0x38;
	[tilespmem:$0x1D200] =	vst v63  }
0x53: {  	_ =	swait.ge [sflag:s6], $0x1000  }
0x54: {  	[sflag:s6] =	ssyncset.done $0x0  }
0x55: {  	s18 =	rddreg [dreg:$0xe];
	[sflag:s6] =	ssyncadd.s32 $0xFFFFF000  }
0x56: {  	[spmem:s18] =	stream.linear.scatter [tilespmem:s2], [sflag:$0x5], $0x1000, $0x38;
	[tilespmem:$0x1D200] =	vst v63  }
0x57: {  	_ =	swait.ge [sflag:s6], $0x1000  }
0x58: {  	[sflag:s6] =	ssyncset.done $0x0  }
0x59: {  	s17 =	rddreg [dreg:$0xf];
	[sflag:s6] =	ssyncadd.s32 $0xFFFFF000  }
0x5a: {  	[spmem:s17] =	stream.linear.scatter [tilespmem:s2], [sflag:$0x5], $0x1000, $0x38;
	[tilespmem:$0x1D200] =	vst v63  }
0x5b: {  	_ =	swait.ge [sflag:s6], $0x1000  }
0x5c: {  	[sflag:s6] =	ssyncset.done $0x0  }
0x5d: {  	s18 =	rddreg [dreg:$0x10];
	[sflag:s6] =	ssyncadd.s32 $0xFFFFF000  }
0x5e: {  	[spmem:s18] =	stream.linear.scatter [tilespmem:s2], [sflag:$0x5], $0x1000, $0x38;
	[tilespmem:$0x1D200] =	vst v63  }
0x5f: {  	_ =	swait.ge [sflag:s6], $0x1000  }
0x60: {  	[sflag:s6] =	ssyncset.done $0x0  }
0x61: {  	[sflag:s6] =	ssyncadd.s32 $0xFFFFF000  }
0x62: {  	[spmem:s19] =	stream.linear.scatter [tilespmem:s2], [sflag:$0x5], $0x1000, $0x38;
	[tilespmem:$0x1D200] =	vst v63  }
0x63: {  	_ =	swait.ge [sflag:s6], $0x1000  }
0x64: {  	[sflag:s6] =	ssyncset.done $0x0  }
0x65: {  	[sflag:s6] =	ssyncadd.s32 $0xFFFFF000  }
0x66: {  	[spmem:s20] =	stream.linear.scatter [tilespmem:s2], [sflag:$0x5], $0x1000, $0x38;
	[tilespmem:$0x1D200] =	vst v63  }
0x67: {  	_ =	swait.ge [sflag:s6], $0x1000  }
0x68: {  	[sflag:s6] =	ssyncset.done $0x0  }
0x69: {  	[sflag:s6] =	ssyncadd.s32 $0xFFFFF000  }
0x6a: {  	[spmem:s23] =	stream.linear.scatter [tilespmem:s2], [sflag:$0x5], $0x1000, $0x38;
	[tilespmem:$0x1D200] =	vst v63  }
0x6b: {  	_ =	swait.ge [sflag:s6], $0x1000  }
0x6c: {  	[sflag:s6] =	ssyncset.done $0x0  }
0x6d: {  	[sflag:s6] =	ssyncadd.s32 $0xFFFFF000  }
0x6e: {  	[spmem:s26] =	stream.linear.scatter [tilespmem:s2], [sflag:$0x5], $0x1000, $0x38;
	[tilespmem:$0x1D200] =	vst v63  }
0x6f: {  	_ =	swait.ge [sflag:s6], $0x1000  }
0x70: {  	[sflag:s6] =	ssyncset.done $0x0  }
0x71: {  	[sflag:s6] =	ssyncadd.s32 $0xFFFFF000  }
0x72: {  	[spmem:s28] =	stream.linear.scatter [tilespmem:s2], [sflag:$0x5], $0x1000, $0x38;
	[tilespmem:$0x1D200] =	vst v63  }
0x73: {  	_ =	swait.ge [sflag:s6], $0x1000  }
0x74: {  	[sflag:s6] =	ssyncset.done $0x0  }
0x75: {  	[sflag:s6] =	ssyncadd.s32 $0xFFFFF000  }
0x76: {  	[spmem:s29] =	stream.linear.scatter [tilespmem:s2], [sflag:$0x5], $0x1000, $0x38;
	[tilespmem:$0x1D200] =	vst v63  }
0x77: {  	_ =	swait.ge [sflag:s6], $0x1000  }
0x78: {  	[sflag:s6] =	ssyncset.done $0x0  }
0x79: {  	[sflag:s6] =	ssyncadd.s32 $0xFFFFF000  }
0x7a: {  	[spmem:s30] =	stream.linear.scatter [tilespmem:s2], [sflag:$0x5], $0x1000, $0x38;
	[tilespmem:$0x1D200] =	vst v63  }
0x7b: {  	_ =	swait.ge [sflag:s6], $0x1000  }
0x7c: {  	[sflag:s6] =	ssyncset.done $0x0  }
0x7d: {  	[sflag:s6] =	ssyncadd.s32 $0xFFFFF000  }
0x7e: {  	[spmem:s31] =	stream.linear.scatter [tilespmem:s2], [sflag:$0x5], $0x1000, $0x38;
	[tilespmem:$0x1D200] =	vst v63  }
0x7f: {  	_ =	swait.ge [sflag:s6], $0x1000  }
0x80: {  	[sflag:s6] =	ssyncset.done $0x0  }
0x81: {  	[sflag:s6] =	ssyncadd.s32 $0xFFFFF000  }
0x82: {  	_ =	swait.ge [sflag:s8], $0x100  }
0x83: {  	[sflag:s8] =	ssyncset.done $0x0  }
0x84: {  	s17 =	simm.s32 $0x0;
	[sflag:s8] =	ssyncadd.s32 $0xFFFFFF00  }
0x85: {  	[tilespmem:s10], [sflag:$0x1] =	stream.indirect.gather [hbm4b:s1+s9], $0x80, s17, s9, $0xb8;
	[tilespmem:$0x1D200] =	vst v63  }
0x86: {  	[bflag:$0x0] =	sbarrier.arrive $0xFFFF  }
0x87: {  	_ =	swait.ge [sflag:s11], $0x100  }
0x88: {  	[sflag:s11] =	ssyncset.done $0x0  }
0x89: {  	[sflag:s11] =	ssyncadd.s32 $0xFFFFFF00  }
0x8a: {  	[tilespmem:s5], [sflag:$0x2] =	stream.indirect.gather [hbm4b:s1+s9], $0x80, s0, s9, $0xb8;
	[tilespmem:$0x1D200] =	vst v63  }
0x8b: {  	_ =	swait.ge [sflag:s12], $0x4000  }
0x8c: {  	[sflag:s12] =	ssyncset.done $0x0  }
0x8d: {  	[sflag:s12] =	ssyncadd.s32 $0xFFFFC000  }
0x8e: {  	[spmem:s3] =	stream.indirect.scatter.add.f32 [tilespmem:s10], [sflag:$0x5], $0x80, s9, s9, $0xb8;
	[tilespmem:$0x1D200] =	vst v63  }
0x8f: {  	_ =	swait.ge [sflag:s6], $0x4000  }
0x90: {  	[sflag:s6] =	ssyncset.done $0x0  }
0x91: {  	s18 =	sadd.s32 $0x0, s22;
	[sflag:s6] =	ssyncadd.s32 $0xFFFFC000  }
0x92: {  	[tilespmem:s4], [sflag:$0x3] =	stream.linear.gather [hbm4b:s18+s4], $0x100, $0x38;
	[tilespmem:$0x1D200] =	vst v63  }
0x93: {  	_ =	swait.ge [sflag:s8], $0x100  }
0x94: {  	[sflag:s8] =	ssyncset.done $0x0  }
0x95: {  	[sflag:s8] =	ssyncadd.s32 $0xFFFFFF00  }
0x96: {  	[tilespmem:s10], [sflag:$0x1] =	stream.indirect.gather [hbm4b:s1+s9], $0x80, s4, s9, $0xb8;
	[tilespmem:$0x1D200] =	vst v63  }
0x97: {  	_ =	swait.ge [sflag:s13], $0x4000  }
0x98: {  	[sflag:s13] =	ssyncset.done $0x0  }
0x99: {  	[sflag:s13] =	ssyncadd.s32 $0xFFFFC000  }
0x9a: {  	[spmem:s3] =	stream.indirect.scatter.add.f32 [tilespmem:s5], [sflag:$0x5], $0x80, s14, s9, $0xb8;
	[tilespmem:$0x1D200] =	vst v63  }
0x9b: {  	_ =	swait.ge [sflag:s6], $0x4000  }
0x9c: {  	[sflag:s6] =	ssyncset.done $0x0  }
0x9d: {  	s16 =	simm.s32 $0x40;
	s17 =	sadd.s32 $0x0, s21;
	[sflag:s6] =	ssyncadd.s32 $0xFFFFC000  }
.LBB2_4:
0x9e: {  	[tilespmem:s0], [sflag:$0x4] =	stream.linear.gather [hbm4b:s17+s4], $0x100, $0x38;
	[tilespmem:$0x1D200] =	vst v63  }
0x9f: {  	s17 =	smov.u32 s16  }
0xa0: {  	p0 =	sne.s32 s16, $0x980;
	s16 =	sadd.s32 $0x40, s16;
	_ =	swait.ge [sflag:s11], $0x100  }
0xa1: {  	[sflag:s11] =	ssyncset.done $0x0  }
0xa2: {  	[sflag:s11] =	ssyncadd.s32 $0xFFFFFF00  }
0xa3: {  	[tilespmem:s5], [sflag:$0x2] =	stream.indirect.gather [hbm4b:s1+s9], $0x80, s0, s9, $0xb8;
	[tilespmem:$0x1D200] =	vst v63  }
0xa4: {  	_ =	swait.ge [sflag:s12], $0x4000  }
0xa5: {  	[sflag:s12] =	ssyncset.done $0x0  }
0xa6: {  	[sflag:s12] =	ssyncadd.s32 $0xFFFFC000  }
0xa7: {  	[spmem:s3] =	stream.indirect.scatter.add.f32 [tilespmem:s10], [sflag:$0x5], $0x80, s9, s9, $0xb8;
	[tilespmem:$0x1D200] =	vst v63  }
0xa8: {  	_ =	swait.ge [sflag:s6], $0x4000  }
0xa9: {  	[sflag:s6] =	ssyncset.done $0x0  }
0xaa: {  	s18 =	sadd.s32 s17, s22;
	[sflag:s6] =	ssyncadd.s32 $0xFFFFC000  }
0xab: {  	[tilespmem:s4], [sflag:$0x3] =	stream.linear.gather [hbm4b:s18+s4], $0x100, $0x38;
	[tilespmem:$0x1D200] =	vst v63  }
0xac: {  	_ =	swait.ge [sflag:s8], $0x100  }
0xad: {  	[sflag:s8] =	ssyncset.done $0x0  }
0xae: {  	[sflag:s8] =	ssyncadd.s32 $0xFFFFFF00  }
0xaf: {  	[tilespmem:s10], [sflag:$0x1] =	stream.indirect.gather [hbm4b:s1+s9], $0x80, s4, s9, $0xb8;
	[tilespmem:$0x1D200] =	vst v63  }
0xb0: {  	_ =	swait.ge [sflag:s13], $0x4000  }
0xb1: {  	[sflag:s13] =	ssyncset.done $0x0  }
.Ltmp1:
0xb2: {  	[sflag:s13] =	ssyncadd.s32 $0xFFFFC000;
	(pc) =	sbr.rel @p0 .LBB2_4-.Ltmp1, $4  }
0xb3: {  	[spmem:s3] =	stream.indirect.scatter.add.f32 [tilespmem:s5], [sflag:$0x5], $0x80, s14, s9, $0xb8;
	[tilespmem:$0x1D200] =	vst v63  }
0xb4: {  	_ =	swait.ge [sflag:s6], $0x4000  }
0xb5: {  	[sflag:s6] =	ssyncset.done $0x0  }
0xb6: {  	s17 =	sadd.s32 s17, s21;
	[sflag:s6] =	ssyncadd.s32 $0xFFFFC000  }
0xb7: {  	[tilespmem:s0], [sflag:$0x4] =	stream.linear.gather [hbm4b:s17+s4], $0x100, $0x38;
	[tilespmem:$0x1D200] =	vst v63  }
0xb8: {  	_ =	swait.ge [sflag:s11], $0x100  }
0xb9: {  	[sflag:s11] =	ssyncset.done $0x0  }
0xba: {  	[sflag:s11] =	ssyncadd.s32 $0xFFFFFF00  }
0xbb: {  	[tilespmem:s5], [sflag:$0x2] =	stream.indirect.gather [hbm4b:s1+s9], $0x80, s0, s9, $0xb8;
	[tilespmem:$0x1D200] =	vst v63  }
0xbc: {  	_ =	swait.ge [sflag:s12], $0x4000  }
0xbd: {  	[sflag:s12] =	ssyncset.done $0x0  }
0xbe: {  	[sflag:s12] =	ssyncadd.s32 $0xFFFFC000  }
0xbf: {  	[spmem:s3] =	stream.indirect.scatter.add.f32 [tilespmem:s10], [sflag:$0x5], $0x80, s9, s9, $0xb8;
	[tilespmem:$0x1D200] =	vst v63  }
0xc0: {  	_ =	swait.ge [sflag:s6], $0x4000  }
0xc1: {  	[sflag:s6] =	ssyncset.done $0x0  }
0xc2: {  	[sflag:s6] =	ssyncadd.s32 $0xFFFFC000  }
0xc3: {  	_ =	swait.ge [sflag:s13], $0x4000  }
0xc4: {  	[sflag:s13] =	ssyncset.done $0x0  }
0xc5: {  	[sflag:s13] =	ssyncadd.s32 $0xFFFFC000  }
0xc6: {  	[spmem:s3] =	stream.indirect.scatter.add.f32 [tilespmem:s5], [sflag:$0x5], $0x80, s14, s9, $0xb8;
	[tilespmem:$0x1D200] =	vst v63  }
0xc7: {  	s16 =	stileid.u32;
	_ =	swait.ge [sflag:s6], $0x4000  }
0xc8: {  	s18 =	sshrl.u32 s7, $0x3;
	s15 =	sadd.s32 $0x1, s15;
	[sflag:s6] =	ssyncset.done $0x0  }
0xc9: {  	s16 =	sshll.u32 s16, $0x6;
	p0 =	sne.s32 s15, s25;
	[sflag:s6] =	ssyncadd.s32 $0xFFFFC000  }
.Ltmp2:
0xca: {  	s16 =	sor.u32 $0x1C05, s16;
	[bflag:$0x0] =	sbarrier.arrive $0xFFFF;
	(pc) =	sbr.rel @p0 .LBB2_1-.Ltmp2, $4  }
0xcb: {  	[hbm:s24], [sflag:s16] =	dma.local [spmem:s18], $0x2800  }
0xcc: {  	_ =	swait.ge [sflag:s6], $0x2800  }
0xcd: {  	[sflag:s6] =	ssyncset.done $0x0  }
0xce: {  	[sflag:s6] =	ssyncadd.s32 $0xFFFFD800  }
0xcf: {  	_ =	sfence.sel $0x180000  }
0xd0: {  	[bflag:$0x0] =	sbarrier.arrive $0xFFFF  }
0xd1: {  	_ =	strace $0x9000004A  }
0xd2: {  	s0 =	stileid.u32;
	[bflag:$0x2] =	sbarrier.arrive $0xFFFF  }
0xd3: {  	p0 =	sne.s32 s0, $0x0;
	s0 =	rddreg [dreg:$0x3]  }
0xd4: {  	s0 =	sadd.s32 @!p0 $0x100000, s0  }
0xd5: {  	[sflag:s0] =	ssyncadd.tile.s32 @!p0 $0x1;
	_ =	shalt  }
.Lfunc_end2:
_tile_overlayer_lowered:
.L_overlay_start_2:
0xd6: {  	(tag) =	ssettag $0x2  }
0xd7: {  	s0 =	rddreg [dreg:$0x0];
	s2 =	stileid.u32  }
0xd8: {  	s1 =	rddreg [dreg:$0x1];
	p0 =	sne.s32 s2, $0x0  }
0xd9: {  	s3 =	rddreg [dreg:$0x2];
	[bflag:$0x3] =	sbarrier.arrive $0xFFFF;
	s2 =	simm.s32 @!p0 $0x1C05  }
0xda: {  	[timem:s3], [sflag:s2] =	dma.local @!p0 [hbm:s0], s1  }
0xdb: {  	s0 =	simm.s32 @!p0 $0x5  }
0xdc: {  	_ =	swait.ge @!p0 [sflag:s0], s1  }
0xdd: {  	s1 =	ssub.s32 @!p0 $0x0, s1;
	[sflag:s0] =	ssyncset.done @!p0 $0x0  }
0xde: {  	[sflag:s0] =	ssyncadd.s32 @!p0 s1  }
0xdf: {  	[bflag:$0x3] =	sbarrier.arrive $0xFFFF  }
0xe0: {  	_ =	shalt  }

// kernel: kernel.14.cloned.1.call-start
scs
__scs_entry_jumppad:
0x0: {  	(pc) =	sbr.rel $0x88, $3  }
0x1: {  	(tag) =	ssettag $0x0;
	lr =	simm.s32 $0x1  }
0x2: {  	[smem:$0x3F9B] =	sst lr;
	_ =	strace $0xD0000000  }
0x3: {  	_ = 	snop  }
0x4: {  	_ = 	snop  }
0x5: {  	_ = 	snop  }
0x6: {  	_ = 	snop  }
0x7: {  	_ = 	snop  }
__scs_overlays_trampoline_lowered:
0x8: {  	[smem:$0x3FAA] =	sst s0  }
0x9: {  	[smem:$0x3FAB] =	sst s1  }
0xa: {  	[smem:$0x3FAC] =	sst s2  }
0xb: {  	[smem:$0x3FAD] =	sst s3  }
0xc: {  	[smem:$0x3FAE] =	sst s4  }
0xd: {  	[smem:$0x3FAF] =	sst s5  }
0xe: {  	[smem:$0x3FB0] =	sst s6  }
0xf: {  	[smem:$0x3FB1] =	sst s7  }
0x10: {  	[smem:$0x3FB2] =	sst s8  }
0x11: {  	[smem:$0x3FB3] =	sst s9;
	s0 =	simm.s32 @!p0 $0x0  }
0x12: {  	s1 =	sld [smem:$0x3F99];
	s0 =	simm.s32 @p0 $0x1  }
0x13: {  	[smem:$0x3FB4] =	sst s0;
	s0 =	simm.s32 @!p1 $0x0  }
0x14: {  	s2 =	sld [smem:$0x3F98];
	s0 =	simm.s32 @p1 $0x1  }
0x15: {  	[smem:$0x3FB5] =	sst s0;
	s0 =	simm.s32 @!p2 $0x0  }
0x16: {  	s3 =	sld [smem:$0x3FDB];
	s0 =	simm.s32 @p2 $0x1  }
0x17: {  	s4 =	simm.s32 $0x1BF5;
	[smem:$0x3FB7] =	sst s0  }
0x18: {  	s0 =	sld [smem:$0x3F9A];
	_ =	swait.ge [sflag:s4], $0x0  }
0x19: {  	s7 =	sld [smem:$0x3F9B]  }
0x1a: {  	s8 =	sadd.s32 $0xFFFFE003, lr  }
0x1b: {  	s9 =	sadd.s32 $0xFFFFFEF7, lr;
	s5 =	simm.s32 $0xFFFFFFFF;
	p2 =	slt.u32 s8, $0xFFFFF086  }
0x1c: {  	p1 =	slt.u32 s9, $0xF7A;
	s5 =	simm.s32 @!p2 $0x0  }
0x1d: {  	s5 =	simm.s32 @p1 $0x1;
	p0 =	seq.s32 s7, s2  }
0x1e: {  	s7 =	smul.u32 @!p0 $0xF7A, s2;
	p2 =	seq.s32 @!p0 s5, $0x0  }
0x1f: {  	s9 =	smul.u32 $0xF7A, s1;
	s8 =	simm.s32 @!p0 $0x1BF5;
	p2 =	por !p2, p0  }
0x20: {  	[sflag:s8] =	ssyncset.s32 @!p0 $0xFFFFF086;
	s6 =	sadd.s32 @!p0 s3, s7;
	s7 =	simm.s32 @!p0 $0x108  }
0x21: {  	s3 =	sadd.s32 s3, s9;
	s6 =	sadd.s32 @!p0 $0x88, s6;
	s7 =	simm.s32 @p2 $0x1082  }
0x22: {  	[simem:s7], [sflag:s8] =	dma.local @!p0 [hbm:s6], $0xF7A  }
0x23: {  	s9 =	sor.u32 $0xD0000000, s2;
	s6 =	simm.s32 $0x108;
	_ =	swait.ge @!p0 [sflag:s8], $0x0  }
0x24: {  	s3 =	sadd.s32 $0x88, s3;
	s6 =	simm.s32 @!p1 $0x1082;
	[sflag:s4] =	ssyncset.s32 $0xFFFFF086  }
0x25: {  	[simem:s6], [sflag:s4] =	dma.local [hbm:s3], $0xF7A  }
0x26: {  	[smem:$0x3F9B] =	sst s1;
	(tag) =	ssettag s2;
	_ =	strace s9  }
0x27: {  	s1 =	sld [smem:$0x3FAB]  }
0x28: {  	s2 =	sld [smem:$0x3FAC]  }
0x29: {  	s4 =	sld [smem:$0x3FAE]  }
0x2a: {  	p0 =	seq.s32 s5, $0x0;
	s5 =	sld [smem:$0x3FAF]  }
0x2b: {  	s6 =	sld [smem:$0x3FB0]  }
0x2c: {  	s7 =	sld [smem:$0x3FB1]  }
0x2d: {  	s3 =	simm.s32 $0x108;
	s8 =	sld [smem:$0x3FB2]  }
0x2e: {  	s3 =	simm.s32 @!p0 $0x1082;
	s9 =	sld [smem:$0x3FB3]  }
0x2f: {  	lr =	sadd.s32 s0, s3;
	s0 =	sld [smem:$0x3FAA]  }
0x30: {  	s3 =	sld [smem:$0x3FAD]  }
0x31: {  	[smem:$0x3FB6] =	sst s10  }
0x32: {  	s10 =	sld [smem:$0x3FB4];
	_ =	sdelay $0x3  }
0x33: {  	p0 =	seq.s32 s10, $0x1;
	s10 =	sld [smem:$0x3FB6];
	_ =	sdelay $0x3  }
0x34: {  	[smem:$0x3FB6] =	sst s10  }
0x35: {  	s10 =	sld [smem:$0x3FB5];
	_ =	sdelay $0x3  }
0x36: {  	p1 =	seq.s32 s10, $0x1;
	s10 =	sld [smem:$0x3FB6];
	_ =	sdelay $0x3  }
0x37: {  	[smem:$0x3FB6] =	sst s10  }
0x38: {  	s10 =	sld [smem:$0x3FB7]  }
0x39: {  	_ = 	snop;
	(pc) =	sbr.ind lr, $3  }
0x3a: {  	_ = 	snop  }
0x3b: {  	_ = 	snop  }
0x3c: {  	p2 =	seq.s32 s10, $0x1;
	s10 =	sld [smem:$0x3FB6]  }
0x3d: {  	_ =	shalt  }
0x3e: {  	_ =	shalt  }
0x3f: {  	_ =	shalt  }
0x40: {  	_ =	shalt  }
0x41: {  	_ =	shalt  }
0x42: {  	_ =	shalt  }
0x43: {  	_ =	shalt  }
0x44: {  	_ =	shalt  }
0x45: {  	_ =	shalt  }
0x46: {  	_ =	shalt  }
0x47: {  	_ =	shalt  }
0x48: {  	_ =	shalt  }
0x49: {  	_ =	shalt  }
0x4a: {  	_ =	shalt  }
0x4b: {  	_ =	shalt  }
0x4c: {  	_ =	shalt  }
0x4d: {  	_ =	shalt  }
0x4e: {  	_ =	shalt  }
0x4f: {  	_ =	shalt  }
0x50: {  	_ =	shalt  }
0x51: {  	_ =	shalt  }
0x52: {  	_ =	shalt  }
0x53: {  	_ =	shalt  }
0x54: {  	_ =	shalt  }
0x55: {  	_ =	shalt  }
0x56: {  	_ =	shalt  }
0x57: {  	_ =	shalt  }
0x58: {  	_ =	shalt  }
0x59: {  	_ =	shalt  }
0x5a: {  	_ =	shalt  }
0x5b: {  	_ =	shalt  }
0x5c: {  	_ =	shalt  }
0x5d: {  	_ =	shalt  }
0x5e: {  	_ =	shalt  }
0x5f: {  	_ =	shalt  }
0x60: {  	_ =	shalt  }
0x61: {  	_ =	shalt  }
0x62: {  	_ =	shalt  }
0x63: {  	_ =	shalt  }
0x64: {  	_ =	shalt  }
0x65: {  	_ =	shalt  }
0x66: {  	_ =	shalt  }
0x67: {  	_ =	shalt  }
0x68: {  	_ =	shalt  }
0x69: {  	_ =	shalt  }
0x6a: {  	_ =	shalt  }
0x6b: {  	_ =	shalt  }
0x6c: {  	_ =	shalt  }
0x6d: {  	_ =	shalt  }
0x6e: {  	_ =	shalt  }
0x6f: {  	_ =	shalt  }
0x70: {  	_ =	shalt  }
0x71: {  	_ =	shalt  }
0x72: {  	_ =	shalt  }
0x73: {  	_ =	shalt  }
0x74: {  	_ =	shalt  }
0x75: {  	_ =	shalt  }
0x76: {  	_ =	shalt  }
0x77: {  	_ =	shalt  }
0x78: {  	_ =	shalt  }
0x79: {  	_ =	shalt  }
0x7a: {  	_ =	shalt  }
0x7b: {  	_ =	shalt  }
0x7c: {  	_ =	shalt  }
0x7d: {  	_ =	shalt  }
0x7e: {  	_ =	shalt  }
0x7f: {  	_ =	shalt  }
0x80: {  	_ =	shalt  }
0x81: {  	_ =	shalt  }
0x82: {  	_ =	shalt  }
0x83: {  	_ =	shalt  }
0x84: {  	_ =	shalt  }
0x85: {  	_ =	shalt  }
0x86: {  	_ =	shalt  }
0x87: {  	_ =	shalt  }
.Lfunc_end0:
.L_simem_size_0:
called_computation.2_lowered:
.L_overlay_start_0:
0x88: {  	s2 =	sld [smem:$0x3FD9]  }
0x89: {  	s3 =	sld [smem:$0x3FFE];
	_ =	sdelay $0x1  }
0x8a: {  	s1 =	srdreg.scid  }
0x8b: {  	s0 =	sand.u32 $0x1, s1  }
0x8c: {  	s17 =	sshll.u32 s0, $0xA;
	s2 =	sadd.s32 s3, s2  }
0x8d: {  	s2 =	sadd.s32 s2, s17  }
0x8e: {  	[smem:$0x3FC2] =	sst s2  }
0x8f: {  	_ = 	snop  }
0x90: {  	s2 =	sld [smem:$0x3FD0];
	(tm) =	ssettm $0x1  }
0x91: {  	s18 =	sld [smem:$0x3FFB];
	_ =	sdelay $0x3  }
0x92: {  	_ =	strace s18  }
0x93: {  	s3 =	sld [smem:$0x3FFC];
	_ =	sdelay $0x3  }
0x94: {  	_ =	strace s3  }
0x95: {  	s3 =	sld [smem:$0x3FFD];
	_ =	sdelay $0x3  }
0x96: {  	_ =	strace s3  }
0x97: {  	_ =	strace $0x8FFFFFFF  }
0x98: {  	s19 =	sld [smem:$0x3FDB];
	_ =	sdelay $0x1  }
0x99: {  	s4 =	simm.s32 $_scs_section_size  }
0x9a: {  	s5 =	simm.s32 $_size__tile_overlayer_lowered;
	s6 =	simm.s32 $_tile_overlayer_lowered  }
0x9b: {  	s22 =	simm.s32 $0x1BFF;
	s21 =	sshll.u32 s6, $0x1;
	s3 =	sadd.s32 s4, s19  }
0x9c: {  	s7 =	simm.s32 $0x0;
	s20 =	sshll.u32 s5, $0x1;
	s5 =	sadd.s32 s21, s3  }
0x9d: {  	[timem:s7], [sflag:s22] =	dma.local [hbm:s5], s20  }
0x9e: {  	_ =	swait.ge [sflag:s22], s20  }
0x9f: {  	s4 =	ssub.s32 $0x0, s20;
	[sflag:s22] =	ssyncset.done $0x0  }
0xa0: {  	[sflag:s22] =	ssyncadd.s32 s4;
	_ =	sdelay $0x1  }
0xa1: {  	s23 =	simm.s32 $0x1B8B  }
0xa2: {  	_ =	swait.ge [sflag:s23], $0x1  }
0xa3: {  	[sflag:s23] =	ssyncset.done $0x0  }
0xa4: {  	s25 =	simm.s32 $0x1B8E;
	s24 =	sld [smem:$0x3FFE];
	[sflag:s23] =	ssyncadd.s32 $0xFFFFFFFF  }
0xa5: {  	s26 =	simm.s32 $execute0_lowered;
	[smem:$0x3FD2] =	sst s25  }
0xa6: {  	s5 =	sshll.u32 s26, $0x1;
	_ =	strace $0x8000004C;
	[dreg:$0x1] =	wrdreg $0xFFFFFFFF  }
0xa7: {  	s28 =	simm.s32 $_size_execute0_lowered;
	s3 =	sadd.s32 s3, s5;
	[dreg:$0x0] =	wrdreg $0x0  }
0xa8: {  	s5 =	sshll.u32 s28, $0x1;
	[dreg:$0x2] =	wrdreg s3  }
0xa9: {  	[dreg:$0x3] =	wrdreg s5  }
0xaa: {  	[dreg:$0x4] =	wrdreg $0xC0  }
0xab: {  	_ =	task [dreg:s7], $0x5FFFF  }
0xac: {  	[dreg:$0x1] =	wrdreg $0xFFFFFFFF  }
0xad: {  	[dreg:$0x0] =	wrdreg $0x60  }
0xae: {  	[dreg:$0x2] =	wrdreg s2  }
0xaf: {  	[dreg:$0x3] =	wrdreg s24  }
0xb0: {  	[dreg:$0x4] =	wrdreg $0x92000  }
0xb1: {  	[dreg:$0x5] =	wrdreg $0x9  }
0xb2: {  	_ =	task.clear_ibuf [dreg:s7], $0x6FFFF;
	_ =	strace $0x9000004C  }
0xb3: {  	s29 =	simm.s32 $0x9;
	_ =	strace $0x8000004E  }
0xb4: {  	_ =	swait.ge [sflag:s29], $0x1  }
0xb5: {  	[sflag:s29] =	ssyncadd.s32 $0xFFFFFFFF  }
0xb6: {  	_ =	strace $0x9000004E  }
0xb7: {  	_ =	sfence  }
0xb8: {  	s30 =	sld [smem:$0x0];
	_ =	sdelay $0x2  }
0xb9: {  	s31 =	sshll.u32 s1, $0xD;
	s1 =	sshrl.u32 s1, $0x2  }
0xba: {  	s3 =	sand.u32 $0x4000, s31;
	s1 =	sadd.s32 s1, s30  }
0xbb: {  	s0 =	sor.u32 s3, s0;
	s1 =	sshll.u32 s1, $0x11  }
0xbc: {  	s0 =	sor.u32 s1, s0  }
0xbd: {  	s0 =	sadd.s32 $0x8F2B, s0  }
0xbe: {  	[sflag:s0] =	ssyncadd.remote.s32 $0x1  }
0xbf: {  	_ =	sfence.sel $0xFFFF  }
0xc0: {  	[dreg:$0x0] =	wrdreg $0xFFFFFFFF;
	(pc) =	sbr.abs _section_cstart, $3  }
0xc1: {  	[dreg:$0x1] =	wrdreg $0xFFFFFFFF  }
0xc2: {  	_ =	task.clear_ibuf [dreg:s7], $0x2FFFF;
	_ =	strace $0x9FFFFFFF  }
0xc3: {  	(tm) =	ssettm $0x7FFFFFFF  }
tec
execute0_lowered:
.L_overlay_start_1:
0x0: {  	(tag) =	ssettag $0x1  }
0x1: {  	s1 =	rddreg [dreg:$0x0]  }
0x2: {  	s0 =	rddreg [dreg:$0x1];
	s10 =	stileid.u32  }
0x3: {  	s3 =	rddreg [dreg:$0x2];
	s6 =	smul.u32 $0x14000, s10  }
0x4: {  	s2 =	srdreg.scid;
	s26 =	smul.u32 $0x50000, s10  }
0x5: {  	s4 =	simm.s32 $0x0;
	s2 =	sand.u32 $0x1, s2;
	s18 =	smul.u32 $0x5000, s10  }
0x6: {  	[smem:$0x7FF] =	sst s4;
	s8 =	sadd.s32 $0x2800, s0;
	s5 =	smul.u32 $0x140000, s2  }
0x7: {  	s7 =	sshll.u32 s2, $0x4;
	_ =	strace $0x8000004D;
	s12 =	ssub.s32 $0x2, s2  }
0x8: {  	s2 =	smul.u32 $0x50000, s2;
	s7 =	sor.u32 s10, s7;
	s9 =	sshrl.u32 s12, $0x1  }
0x9: {  	s13 =	sshrl.u32 s26, $0x2;
	s10 =	simm.s32 $0x200;
	s5 =	sadd.s32 s6, s5  }
0xa: {  	s25 =	smul.u32 $0x5000, s7;
	s7 =	sadd.s32 s13, s3;
	s2 =	sadd.s32 s18, s2  }
0xb: {  	s13 =	simm.s32 $0x2;
	s5 =	sshrl.u32 s5, $0x3;
	s15 =	sadd.s32 $0x2000, s7  }
0xc: {  	s16 =	sadd.s32 $0x3000, s7;
	s17 =	sadd.s32 $0x4000, s7;
	[dreg:$0x7] =	wrdreg s15  }
0xd: {  	s19 =	sadd.s32 $0x5000, s7;
	s20 =	sadd.s32 $0x6000, s7;
	[dreg:$0x8] =	wrdreg s16  }
0xe: {  	s21 =	sadd.s32 $0x7000, s7;
	s22 =	sadd.s32 $0x8000, s7;
	[dreg:$0x9] =	wrdreg s17  }
0xf: {  	s23 =	sadd.s32 $0x9000, s7;
	s24 =	sadd.s32 $0xA000, s7;
	[dreg:$0xa] =	wrdreg s19  }
0x10: {  	s26 =	sor.u32 $0x300, s2;
	s2 =	sor.u32 $0x200, s2;
	[dreg:$0xb] =	wrdreg s20  }
0x11: {  	s28 =	sadd.s32 $0x10000, s7;
	s29 =	sadd.s32 $0x11000, s7;
	[dreg:$0xc] =	wrdreg s21  }
0x12: {  	s30 =	sadd.s32 $0x12000, s7;
	s31 =	sadd.s32 $0x13000, s7;
	[dreg:$0xd] =	wrdreg s22  }
0x13: {  	s0 =	sadd.s32 s5, s0;
	s6 =	sshrl.u32 s25, $0x3;
	[dreg:$0xe] =	wrdreg s23  }
0x14: {  	s5 =	ssub.s32 s12, s9;
	[dreg:$0xf] =	wrdreg s24;
	s25 =	sadd.s32 $0xB000, s7  }
0x15: {  	s19 =	sadd.s32 $0xC000, s7;
	s20 =	sadd.s32 $0xD000, s7;
	s2 =	sshrl.u32 s2, $0x3  }
0x16: {  	s23 =	sadd.s32 $0xE000, s7;
	s9 =	simm.s32 $0x80;
	s12 =	simm.s32 $0x1  }
0x17: {  	s15 =	simm.s32 $0x0;
	s11 =	sadd.s32 s8, s6;
	s6 =	sadd.s32 $0x1000, s7  }
0x18: {  	[dreg:$0x10] =	wrdreg s25;
	s22 =	sadd.s32 s2, s8;
	s24 =	sadd.s32 $0x16800, s0  }
0x19: {  	s25 =	smax.u32 s5, $0x1;
	s0 =	simm.s32 $0x100;
	s2 =	simm.s32 $0x8200  }
0x1a: {  	s5 =	simm.s32 $0x4200;
	[dreg:$0x4] =	wrdreg s11;
	s14 =	sadd.s32 $0x20, s11  }
0x1b: {  	[dreg:$0x6] =	wrdreg s6;
	s6 =	sshrl.u32 s26, $0x3;
	s26 =	sadd.s32 $0xF000, s7  }
0x1c: {  	s11 =	simm.s32 $0x4;
	[dreg:$0x5] =	wrdreg s14;
	s21 =	sadd.s32 s6, s8  }
0x1d: {  	v0 =	vimm.f32 $0.0e+00;
	s6 =	simm.s32 $0x5;
	s8 =	simm.s32 $0x3;
	s14 =	simm.s32 $0x180  }
.LBB2_1:
0x1e: {  	s16 =	rddreg [dreg:$0x4]  }
0x1f: {  	[tilespmem:s4], [sflag:$0x3] =	stream.linear.gather [hbm4b:s16+s4], $0x100, $0x38;
	[tilespmem:$0x1D200] =	vst v63  }
0x20: {  	s18 =	rddreg [dreg:$0x5];
	s17 =	simm.s32 $0x200;
	s16 =	simm.s32 $0x0  }
0x21: {  	[tilespmem:s0], [sflag:$0x4] =	stream.linear.gather [hbm4b:s18+s4], $0x100, $0x38;
	[tilespmem:$0x1D200] =	vst v63  }
.LBB2_2:
0x22: {  	p0 =	sne.s32 s17, $0x3E00;
	[tilespmem:s16+$0x8270] =	vst v0  }
0x23: {  	[tilespmem:s16+$0x8200] =	vst v0  }
0x24: {  	[tilespmem:s16+$0x8210] =	vst v0  }
.Ltmp0:
0x25: {  	[tilespmem:s16+$0x8220] =	vst v0;
	(pc) =	sbr.rel @p0 .LBB2_2-.Ltmp0, $4  }
0x26: {  	[tilespmem:s16+$0x8230] =	vst v0  }
0x27: {  	[tilespmem:s16+$0x8240] =	vst v0  }
0x28: {  	[tilespmem:s16+$0x8250] =	vst v0  }
0x29: {  	[tilespmem:s16+$0x8260] =	vst v0;
	s16 =	sshra.s32 s17, $0x2;
	s17 =	sadd.s32 $0x200, s17  }
0x2a: {  	[tilespmem:s16+$0x8270] =	vst v0  }
0x2b: {  	[tilespmem:s16+$0x8200] =	vst v0  }
0x2c: {  	[tilespmem:s16+$0x8210] =	vst v0  }
0x2d: {  	[tilespmem:s16+$0x8220] =	vst v0  }
0x2e: {  	[tilespmem:s16+$0x8230] =	vst v0  }
0x2f: {  	[tilespmem:s16+$0x8240] =	vst v0  }
0x30: {  	[tilespmem:s16+$0x8250] =	vst v0  }
0x31: {  	[tilespmem:s16+$0x8260] =	vst v0  }
0x32: {  	[spmem:s7] =	stream.linear.scatter [tilespmem:s2], [sflag:$0x5], $0x1000, $0x38;
	[tilespmem:$0x1D200] =	vst v63  }
0x33: {  	_ =	swait.ge [sflag:s6], $0x1000  }
0x34: {  	[sflag:s6] =	ssyncset.done $0x0  }
0x35: {  	s18 =	rddreg [dreg:$0x6];
	[sflag:s6] =	ssyncadd.s32 $0xFFFFF000  }
0x36: {  	[spmem:s18] =	stream.linear.scatter [tilespmem:s2], [sflag:$0x5], $0x1000, $0x38;
	[tilespmem:$0x1D200] =	vst v63  }
0x37: {  	_ =	swait.ge [sflag:s6], $0x1000  }
0x38: {  	[sflag:s6] =	ssyncset.done $0x0  }
0x39: {  	s17 =	rddreg [dreg:$0x7];
	[sflag:s6] =	ssyncadd.s32 $0xFFFFF000  }
0x3a: {  	[spmem:s17] =	stream.linear.scatter [tilespmem:s2], [sflag:$0x5], $0x1000, $0x38;
	[tilespmem:$0x1D200] =	vst v63  }
0x3b: {  	_ =	swait.ge [sflag:s6], $0x1000  }
0x3c: {  	[sflag:s6] =	ssyncset.done $0x0  }
0x3d: {  	s18 =	rddreg [dreg:$0x8];
	[sflag:s6] =	ssyncadd.s32 $0xFFFFF000  }
0x3e: {  	[spmem:s18] =	stream.linear.scatter [tilespmem:s2], [sflag:$0x5], $0x1000, $0x38;
	[tilespmem:$0x1D200] =	vst v63  }
0x3f: {  	_ =	swait.ge [sflag:s6], $0x1000  }
0x40: {  	[sflag:s6] =	ssyncset.done $0x0  }
0x41: {  	s17 =	rddreg [dreg:$0x9];
	[sflag:s6] =	ssyncadd.s32 $0xFFFFF000  }
0x42: {  	[spmem:s17] =	stream.linear.scatter [tilespmem:s2], [sflag:$0x5], $0x1000, $0x38;
	[tilespmem:$0x1D200] =	vst v63  }
0x43: {  	_ =	swait.ge [sflag:s6], $0x1000  }
0x44: {  	[sflag:s6] =	ssyncset.done $0x0  }
0x45: {  	s18 =	rddreg [dreg:$0xa];
	[sflag:s6] =	ssyncadd.s32 $0xFFFFF000  }
0x46: {  	[spmem:s18] =	stream.linear.scatter [tilespmem:s2], [sflag:$0x5], $0x1000, $0x38;
	[tilespmem:$0x1D200] =	vst v63  }
0x47: {  	_ =	swait.ge [sflag:s6], $0x1000  }
0x48: {  	[sflag:s6] =	ssyncset.done $0x0  }
0x49: {  	s17 =	rddreg [dreg:$0xb];
	[sflag:s6] =	ssyncadd.s32 $0xFFFFF000  }
0x4a: {  	[spmem:s17] =	stream.linear.scatter [tilespmem:s2], [sflag:$0x5], $0x1000, $0x38;
	[tilespmem:$0x1D200] =	vst v63  }
0x4b: {  	_ =	swait.ge [sflag:s6], $0x1000  }
0x4c: {  	[sflag:s6] =	ssyncset.done $0x0  }
0x4d: {  	s18 =	rddreg [dreg:$0xc];
	[sflag:s6] =	ssyncadd.s32 $0xFFFFF000  }
0x4e: {  	[spmem:s18] =	stream.linear.scatter [tilespmem:s2], [sflag:$0x5], $0x1000, $0x38;
	[tilespmem:$0x1D200] =	vst v63  }
0x4f: {  	_ =	swait.ge [sflag:s6], $0x1000  }
0x50: {  	[sflag:s6] =	ssyncset.done $0x0  }
0x51: {  	s17 =	rddreg [dreg:$0xd];
	[sflag:s6] =	ssyncadd.s32 $0xFFFFF000  }
0x52: {  	[spmem:s17] =	stream.linear.scatter [tilespmem:s2], [sflag:$0x5], $0x1000, $0x38;
	[tilespmem:$0x1D200] =	vst v63  }
0x53: {  	_ =	swait.ge [sflag:s6], $0x1000  }
0x54: {  	[sflag:s6] =	ssyncset.done $0x0  }
0x55: {  	s18 =	rddreg [dreg:$0xe];
	[sflag:s6] =	ssyncadd.s32 $0xFFFFF000  }
0x56: {  	[spmem:s18] =	stream.linear.scatter [tilespmem:s2], [sflag:$0x5], $0x1000, $0x38;
	[tilespmem:$0x1D200] =	vst v63  }
0x57: {  	_ =	swait.ge [sflag:s6], $0x1000  }
0x58: {  	[sflag:s6] =	ssyncset.done $0x0  }
0x59: {  	s17 =	rddreg [dreg:$0xf];
	[sflag:s6] =	ssyncadd.s32 $0xFFFFF000  }
0x5a: {  	[spmem:s17] =	stream.linear.scatter [tilespmem:s2], [sflag:$0x5], $0x1000, $0x38;
	[tilespmem:$0x1D200] =	vst v63  }
0x5b: {  	_ =	swait.ge [sflag:s6], $0x1000  }
0x5c: {  	[sflag:s6] =	ssyncset.done $0x0  }
0x5d: {  	s18 =	rddreg [dreg:$0x10];
	[sflag:s6] =	ssyncadd.s32 $0xFFFFF000  }
0x5e: {  	[spmem:s18] =	stream.linear.scatter [tilespmem:s2], [sflag:$0x5], $0x1000, $0x38;
	[tilespmem:$0x1D200] =	vst v63  }
0x5f: {  	_ =	swait.ge [sflag:s6], $0x1000  }
0x60: {  	[sflag:s6] =	ssyncset.done $0x0  }
0x61: {  	[sflag:s6] =	ssyncadd.s32 $0xFFFFF000  }
0x62: {  	[spmem:s19] =	stream.linear.scatter [tilespmem:s2], [sflag:$0x5], $0x1000, $0x38;
	[tilespmem:$0x1D200] =	vst v63  }
0x63: {  	_ =	swait.ge [sflag:s6], $0x1000  }
0x64: {  	[sflag:s6] =	ssyncset.done $0x0  }
0x65: {  	[sflag:s6] =	ssyncadd.s32 $0xFFFFF000  }
0x66: {  	[spmem:s20] =	stream.linear.scatter [tilespmem:s2], [sflag:$0x5], $0x1000, $0x38;
	[tilespmem:$0x1D200] =	vst v63  }
0x67: {  	_ =	swait.ge [sflag:s6], $0x1000  }
0x68: {  	[sflag:s6] =	ssyncset.done $0x0  }
0x69: {  	[sflag:s6] =	ssyncadd.s32 $0xFFFFF000  }
0x6a: {  	[spmem:s23] =	stream.linear.scatter [tilespmem:s2], [sflag:$0x5], $0x1000, $0x38;
	[tilespmem:$0x1D200] =	vst v63  }
0x6b: {  	_ =	swait.ge [sflag:s6], $0x1000  }
0x6c: {  	[sflag:s6] =	ssyncset.done $0x0  }
0x6d: {  	[sflag:s6] =	ssyncadd.s32 $0xFFFFF000  }
0x6e: {  	[spmem:s26] =	stream.linear.scatter [tilespmem:s2], [sflag:$0x5], $0x1000, $0x38;
	[tilespmem:$0x1D200] =	vst v63  }
0x6f: {  	_ =	swait.ge [sflag:s6], $0x1000  }
0x70: {  	[sflag:s6] =	ssyncset.done $0x0  }
0x71: {  	[sflag:s6] =	ssyncadd.s32 $0xFFFFF000  }
0x72: {  	[spmem:s28] =	stream.linear.scatter [tilespmem:s2], [sflag:$0x5], $0x1000, $0x38;
	[tilespmem:$0x1D200] =	vst v63  }
0x73: {  	_ =	swait.ge [sflag:s6], $0x1000  }
0x74: {  	[sflag:s6] =	ssyncset.done $0x0  }
0x75: {  	[sflag:s6] =	ssyncadd.s32 $0xFFFFF000  }
0x76: {  	[spmem:s29] =	stream.linear.scatter [tilespmem:s2], [sflag:$0x5], $0x1000, $0x38;
	[tilespmem:$0x1D200] =	vst v63  }
0x77: {  	_ =	swait.ge [sflag:s6], $0x1000  }
0x78: {  	[sflag:s6] =	ssyncset.done $0x0  }
0x79: {  	[sflag:s6] =	ssyncadd.s32 $0xFFFFF000  }
0x7a: {  	[spmem:s30] =	stream.linear.scatter [tilespmem:s2], [sflag:$0x5], $0x1000, $0x38;
	[tilespmem:$0x1D200] =	vst v63  }
0x7b: {  	_ =	swait.ge [sflag:s6], $0x1000  }
0x7c: {  	[sflag:s6] =	ssyncset.done $0x0  }
0x7d: {  	[sflag:s6] =	ssyncadd.s32 $0xFFFFF000  }
0x7e: {  	[spmem:s31] =	stream.linear.scatter [tilespmem:s2], [sflag:$0x5], $0x1000, $0x38;
	[tilespmem:$0x1D200] =	vst v63  }
0x7f: {  	_ =	swait.ge [sflag:s6], $0x1000  }
0x80: {  	[sflag:s6] =	ssyncset.done $0x0  }
0x81: {  	[sflag:s6] =	ssyncadd.s32 $0xFFFFF000  }
0x82: {  	_ =	swait.ge [sflag:s8], $0x100  }
0x83: {  	[sflag:s8] =	ssyncset.done $0x0  }
0x84: {  	s17 =	simm.s32 $0x0;
	[sflag:s8] =	ssyncadd.s32 $0xFFFFFF00  }
0x85: {  	[tilespmem:s10], [sflag:$0x1] =	stream.indirect.gather [hbm4b:s1+s9], $0x80, s17, s9, $0xb8;
	[tilespmem:$0x1D200] =	vst v63  }
0x86: {  	[bflag:$0x0] =	sbarrier.arrive $0xFFFF  }
0x87: {  	_ =	swait.ge [sflag:s11], $0x100  }
0x88: {  	[sflag:s11] =	ssyncset.done $0x0  }
0x89: {  	[sflag:s11] =	ssyncadd.s32 $0xFFFFFF00  }
0x8a: {  	[tilespmem:s5], [sflag:$0x2] =	stream.indirect.gather [hbm4b:s1+s9], $0x80, s0, s9, $0xb8;
	[tilespmem:$0x1D200] =	vst v63  }
0x8b: {  	_ =	swait.ge [sflag:s12], $0x4000  }
0x8c: {  	[sflag:s12] =	ssyncset.done $0x0  }
0x8d: {  	[sflag:s12] =	ssyncadd.s32 $0xFFFFC000  }
0x8e: {  	[spmem:s3] =	stream.indirect.scatter.add.f32 [tilespmem:s10], [sflag:$0x5], $0x80, s9, s9, $0xb8;
	[tilespmem:$0x1D200] =	vst v63  }
0x8f: {  	_ =	swait.ge [sflag:s6], $0x4000  }
0x90: {  	[sflag:s6] =	ssyncset.done $0x0  }
0x91: {  	s18 =	sadd.s32 $0x0, s22;
	[sflag:s6] =	ssyncadd.s32 $0xFFFFC000  }
0x92: {  	[tilespmem:s4], [sflag:$0x3] =	stream.linear.gather [hbm4b:s18+s4], $0x100, $0x38;
	[tilespmem:$0x1D200] =	vst v63  }
0x93: {  	_ =	swait.ge [sflag:s8], $0x100  }
0x94: {  	[sflag:s8] =	ssyncset.done $0x0  }
0x95: {  	[sflag:s8] =	ssyncadd.s32 $0xFFFFFF00  }
0x96: {  	[tilespmem:s10], [sflag:$0x1] =	stream.indirect.gather [hbm4b:s1+s9], $0x80, s4, s9, $0xb8;
	[tilespmem:$0x1D200] =	vst v63  }
0x97: {  	_ =	swait.ge [sflag:s13], $0x4000  }
0x98: {  	[sflag:s13] =	ssyncset.done $0x0  }
0x99: {  	[sflag:s13] =	ssyncadd.s32 $0xFFFFC000  }
0x9a: {  	[spmem:s3] =	stream.indirect.scatter.add.f32 [tilespmem:s5], [sflag:$0x5], $0x80, s14, s9, $0xb8;
	[tilespmem:$0x1D200] =	vst v63  }
0x9b: {  	_ =	swait.ge [sflag:s6], $0x4000  }
0x9c: {  	[sflag:s6] =	ssyncset.done $0x0  }
0x9d: {  	s16 =	simm.s32 $0x40;
	s17 =	sadd.s32 $0x0, s21;
	[sflag:s6] =	ssyncadd.s32 $0xFFFFC000  }
.LBB2_4:
0x9e: {  	[tilespmem:s0], [sflag:$0x4] =	stream.linear.gather [hbm4b:s17+s4], $0x100, $0x38;
	[tilespmem:$0x1D200] =	vst v63  }
0x9f: {  	s17 =	smov.u32 s16  }
0xa0: {  	p0 =	sne.s32 s16, $0x980;
	s16 =	sadd.s32 $0x40, s16;
	_ =	swait.ge [sflag:s11], $0x100  }
0xa1: {  	[sflag:s11] =	ssyncset.done $0x0  }
0xa2: {  	[sflag:s11] =	ssyncadd.s32 $0xFFFFFF00  }
0xa3: {  	[tilespmem:s5], [sflag:$0x2] =	stream.indirect.gather [hbm4b:s1+s9], $0x80, s0, s9, $0xb8;
	[tilespmem:$0x1D200] =	vst v63  }
0xa4: {  	_ =	swait.ge [sflag:s12], $0x4000  }
0xa5: {  	[sflag:s12] =	ssyncset.done $0x0  }
0xa6: {  	[sflag:s12] =	ssyncadd.s32 $0xFFFFC000  }
0xa7: {  	[spmem:s3] =	stream.indirect.scatter.add.f32 [tilespmem:s10], [sflag:$0x5], $0x80, s9, s9, $0xb8;
	[tilespmem:$0x1D200] =	vst v63  }
0xa8: {  	_ =	swait.ge [sflag:s6], $0x4000  }
0xa9: {  	[sflag:s6] =	ssyncset.done $0x0  }
0xaa: {  	s18 =	sadd.s32 s17, s22;
	[sflag:s6] =	ssyncadd.s32 $0xFFFFC000  }
0xab: {  	[tilespmem:s4], [sflag:$0x3] =	stream.linear.gather [hbm4b:s18+s4], $0x100, $0x38;
	[tilespmem:$0x1D200] =	vst v63  }
0xac: {  	_ =	swait.ge [sflag:s8], $0x100  }
0xad: {  	[sflag:s8] =	ssyncset.done $0x0  }
0xae: {  	[sflag:s8] =	ssyncadd.s32 $0xFFFFFF00  }
0xaf: {  	[tilespmem:s10], [sflag:$0x1] =	stream.indirect.gather [hbm4b:s1+s9], $0x80, s4, s9, $0xb8;
	[tilespmem:$0x1D200] =	vst v63  }
0xb0: {  	_ =	swait.ge [sflag:s13], $0x4000  }
0xb1: {  	[sflag:s13] =	ssyncset.done $0x0  }
.Ltmp1:
0xb2: {  	[sflag:s13] =	ssyncadd.s32 $0xFFFFC000;
	(pc) =	sbr.rel @p0 .LBB2_4-.Ltmp1, $4  }
0xb3: {  	[spmem:s3] =	stream.indirect.scatter.add.f32 [tilespmem:s5], [sflag:$0x5], $0x80, s14, s9, $0xb8;
	[tilespmem:$0x1D200] =	vst v63  }
0xb4: {  	_ =	swait.ge [sflag:s6], $0x4000  }
0xb5: {  	[sflag:s6] =	ssyncset.done $0x0  }
0xb6: {  	s17 =	sadd.s32 s17, s21;
	[sflag:s6] =	ssyncadd.s32 $0xFFFFC000  }
0xb7: {  	[tilespmem:s0], [sflag:$0x4] =	stream.linear.gather [hbm4b:s17+s4], $0x100, $0x38;
	[tilespmem:$0x1D200] =	vst v63  }
0xb8: {  	_ =	swait.ge [sflag:s11], $0x100  }
0xb9: {  	[sflag:s11] =	ssyncset.done $0x0  }
0xba: {  	[sflag:s11] =	ssyncadd.s32 $0xFFFFFF00  }
0xbb: {  	[tilespmem:s5], [sflag:$0x2] =	stream.indirect.gather [hbm4b:s1+s9], $0x80, s0, s9, $0xb8;
	[tilespmem:$0x1D200] =	vst v63  }
0xbc: {  	_ =	swait.ge [sflag:s12], $0x4000  }
0xbd: {  	[sflag:s12] =	ssyncset.done $0x0  }
0xbe: {  	[sflag:s12] =	ssyncadd.s32 $0xFFFFC000  }
0xbf: {  	[spmem:s3] =	stream.indirect.scatter.add.f32 [tilespmem:s10], [sflag:$0x5], $0x80, s9, s9, $0xb8;
	[tilespmem:$0x1D200] =	vst v63  }
0xc0: {  	_ =	swait.ge [sflag:s6], $0x4000  }
0xc1: {  	[sflag:s6] =	ssyncset.done $0x0  }
0xc2: {  	[sflag:s6] =	ssyncadd.s32 $0xFFFFC000  }
0xc3: {  	_ =	swait.ge [sflag:s13], $0x4000  }
0xc4: {  	[sflag:s13] =	ssyncset.done $0x0  }
0xc5: {  	[sflag:s13] =	ssyncadd.s32 $0xFFFFC000  }
0xc6: {  	[spmem:s3] =	stream.indirect.scatter.add.f32 [tilespmem:s5], [sflag:$0x5], $0x80, s14, s9, $0xb8;
	[tilespmem:$0x1D200] =	vst v63  }
0xc7: {  	s16 =	stileid.u32;
	_ =	swait.ge [sflag:s6], $0x4000  }
0xc8: {  	s18 =	sshrl.u32 s7, $0x3;
	s15 =	sadd.s32 $0x1, s15;
	[sflag:s6] =	ssyncset.done $0x0  }
0xc9: {  	s16 =	sshll.u32 s16, $0x6;
	p0 =	sne.s32 s15, s25;
	[sflag:s6] =	ssyncadd.s32 $0xFFFFC000  }
.Ltmp2:
0xca: {  	s16 =	sor.u32 $0x1C05, s16;
	[bflag:$0x0] =	sbarrier.arrive $0xFFFF;
	(pc) =	sbr.rel @p0 .LBB2_1-.Ltmp2, $4  }
0xcb: {  	[hbm:s24], [sflag:s16] =	dma.local [spmem:s18], $0x2800  }
0xcc: {  	_ =	swait.ge [sflag:s6], $0x2800  }
0xcd: {  	[sflag:s6] =	ssyncset.done $0x0  }
0xce: {  	[sflag:s6] =	ssyncadd.s32 $0xFFFFD800  }
0xcf: {  	_ =	sfence.sel $0x180000  }
0xd0: {  	[bflag:$0x0] =	sbarrier.arrive $0xFFFF  }
0xd1: {  	_ =	strace $0x9000004D  }
0xd2: {  	s0 =	stileid.u32;
	[bflag:$0x2] =	sbarrier.arrive $0xFFFF  }
0xd3: {  	p0 =	sne.s32 s0, $0x0;
	s0 =	rddreg [dreg:$0x3]  }
0xd4: {  	s0 =	sadd.s32 @!p0 $0x100000, s0  }
0xd5: {  	[sflag:s0] =	ssyncadd.tile.s32 @!p0 $0x1;
	_ =	shalt  }
.Lfunc_end2:
_tile_overlayer_lowered:
.L_overlay_start_2:
0xd6: {  	(tag) =	ssettag $0x2  }
0xd7: {  	s0 =	rddreg [dreg:$0x0];
	s2 =	stileid.u32  }
0xd8: {  	s1 =	rddreg [dreg:$0x1];
	p0 =	sne.s32 s2, $0x0  }
0xd9: {  	s3 =	rddreg [dreg:$0x2];
	[bflag:$0x3] =	sbarrier.arrive $0xFFFF;
	s2 =	simm.s32 @!p0 $0x1C05  }
0xda: {  	[timem:s3], [sflag:s2] =	dma.local @!p0 [hbm:s0], s1  }
0xdb: {  	s0 =	simm.s32 @!p0 $0x5  }
0xdc: {  	_ =	swait.ge @!p0 [sflag:s0], s1  }
0xdd: {  	s1 =	ssub.s32 @!p0 $0x0, s1;
	[sflag:s0] =	ssyncset.done @!p0 $0x0  }
0xde: {  	[sflag:s0] =	ssyncadd.s32 @!p0 s1  }
0xdf: {  	[bflag:$0x3] =	sbarrier.arrive $0xFFFF  }
0xe0: {  	_ =	shalt  }

// kernel: kernel.8.cloned.1.call-start
scs
__scs_entry_jumppad:
0x0: {  	(pc) =	sbr.rel $0x88, $3  }
0x1: {  	(tag) =	ssettag $0x0;
	lr =	simm.s32 $0x1  }
0x2: {  	[smem:$0x3F9B] =	sst lr;
	_ =	strace $0xD0000000  }
0x3: {  	_ = 	snop  }
0x4: {  	_ = 	snop  }
0x5: {  	_ = 	snop  }
0x6: {  	_ = 	snop  }
0x7: {  	_ = 	snop  }
__scs_overlays_trampoline_lowered:
0x8: {  	[smem:$0x3FAA] =	sst s0  }
0x9: {  	[smem:$0x3FAB] =	sst s1  }
0xa: {  	[smem:$0x3FAC] =	sst s2  }
0xb: {  	[smem:$0x3FAD] =	sst s3  }
0xc: {  	[smem:$0x3FAE] =	sst s4  }
0xd: {  	[smem:$0x3FAF] =	sst s5  }
0xe: {  	[smem:$0x3FB0] =	sst s6  }
0xf: {  	[smem:$0x3FB1] =	sst s7  }
0x10: {  	[smem:$0x3FB2] =	sst s8  }
0x11: {  	[smem:$0x3FB3] =	sst s9;
	s0 =	simm.s32 @!p0 $0x0  }
0x12: {  	s1 =	sld [smem:$0x3F99];
	s0 =	simm.s32 @p0 $0x1  }
0x13: {  	[smem:$0x3FB4] =	sst s0;
	s0 =	simm.s32 @!p1 $0x0  }
0x14: {  	s2 =	sld [smem:$0x3F98];
	s0 =	simm.s32 @p1 $0x1  }
0x15: {  	[smem:$0x3FB5] =	sst s0;
	s0 =	simm.s32 @!p2 $0x0  }
0x16: {  	s3 =	sld [smem:$0x3FDB];
	s0 =	simm.s32 @p2 $0x1  }
0x17: {  	s4 =	simm.s32 $0x1BF5;
	[smem:$0x3FB7] =	sst s0  }
0x18: {  	s0 =	sld [smem:$0x3F9A];
	_ =	swait.ge [sflag:s4], $0x0  }
0x19: {  	s7 =	sld [smem:$0x3F9B]  }
0x1a: {  	s8 =	sadd.s32 $0xFFFFE003, lr  }
0x1b: {  	s9 =	sadd.s32 $0xFFFFFEF7, lr;
	s5 =	simm.s32 $0xFFFFFFFF;
	p2 =	slt.u32 s8, $0xFFFFF086  }
0x1c: {  	p1 =	slt.u32 s9, $0xF7A;
	s5 =	simm.s32 @!p2 $0x0  }
0x1d: {  	s5 =	simm.s32 @p1 $0x1;
	p0 =	seq.s32 s7, s2  }
0x1e: {  	s7 =	smul.u32 @!p0 $0xF7A, s2;
	p2 =	seq.s32 @!p0 s5, $0x0  }
0x1f: {  	s9 =	smul.u32 $0xF7A, s1;
	s8 =	simm.s32 @!p0 $0x1BF5;
	p2 =	por !p2, p0  }
0x20: {  	[sflag:s8] =	ssyncset.s32 @!p0 $0xFFFFF086;
	s6 =	sadd.s32 @!p0 s3, s7;
	s7 =	simm.s32 @!p0 $0x108  }
0x21: {  	s3 =	sadd.s32 s3, s9;
	s6 =	sadd.s32 @!p0 $0x88, s6;
	s7 =	simm.s32 @p2 $0x1082  }
0x22: {  	[simem:s7], [sflag:s8] =	dma.local @!p0 [hbm:s6], $0xF7A  }
0x23: {  	s9 =	sor.u32 $0xD0000000, s2;
	s6 =	simm.s32 $0x108;
	_ =	swait.ge @!p0 [sflag:s8], $0x0  }
0x24: {  	s3 =	sadd.s32 $0x88, s3;
	s6 =	simm.s32 @!p1 $0x1082;
	[sflag:s4] =	ssyncset.s32 $0xFFFFF086  }
0x25: {  	[simem:s6], [sflag:s4] =	dma.local [hbm:s3], $0xF7A  }
0x26: {  	[smem:$0x3F9B] =	sst s1;
	(tag) =	ssettag s2;
	_ =	strace s9  }
0x27: {  	s1 =	sld [smem:$0x3FAB]  }
0x28: {  	s2 =	sld [smem:$0x3FAC]  }
0x29: {  	s4 =	sld [smem:$0x3FAE]  }
0x2a: {  	p0 =	seq.s32 s5, $0x0;
	s5 =	sld [smem:$0x3FAF]  }
0x2b: {  	s6 =	sld [smem:$0x3FB0]  }
0x2c: {  	s7 =	sld [smem:$0x3FB1]  }
0x2d: {  	s3 =	simm.s32 $0x108;
	s8 =	sld [smem:$0x3FB2]  }
0x2e: {  	s3 =	simm.s32 @!p0 $0x1082;
	s9 =	sld [smem:$0x3FB3]  }
0x2f: {  	lr =	sadd.s32 s0, s3;
	s0 =	sld [smem:$0x3FAA]  }
0x30: {  	s3 =	sld [smem:$0x3FAD]  }
0x31: {  	[smem:$0x3FB6] =	sst s10  }
0x32: {  	s10 =	sld [smem:$0x3FB4];
	_ =	sdelay $0x3  }
0x33: {  	p0 =	seq.s32 s10, $0x1;
	s10 =	sld [smem:$0x3FB6];
	_ =	sdelay $0x3  }
0x34: {  	[smem:$0x3FB6] =	sst s10  }
0x35: {  	s10 =	sld [smem:$0x3FB5];
	_ =	sdelay $0x3  }
0x36: {  	p1 =	seq.s32 s10, $0x1;
	s10 =	sld [smem:$0x3FB6];
	_ =	sdelay $0x3  }
0x37: {  	[smem:$0x3FB6] =	sst s10  }
0x38: {  	s10 =	sld [smem:$0x3FB7]  }
0x39: {  	_ = 	snop;
	(pc) =	sbr.ind lr, $3  }
0x3a: {  	_ = 	snop  }
0x3b: {  	_ = 	snop  }
0x3c: {  	p2 =	seq.s32 s10, $0x1;
	s10 =	sld [smem:$0x3FB6]  }
0x3d: {  	_ =	shalt  }
0x3e: {  	_ =	shalt  }
0x3f: {  	_ =	shalt  }
0x40: {  	_ =	shalt  }
0x41: {  	_ =	shalt  }
0x42: {  	_ =	shalt  }
0x43: {  	_ =	shalt  }
0x44: {  	_ =	shalt  }
0x45: {  	_ =	shalt  }
0x46: {  	_ =	shalt  }
0x47: {  	_ =	shalt  }
0x48: {  	_ =	shalt  }
0x49: {  	_ =	shalt  }
0x4a: {  	_ =	shalt  }
0x4b: {  	_ =	shalt  }
0x4c: {  	_ =	shalt  }
0x4d: {  	_ =	shalt  }
0x4e: {  	_ =	shalt  }
0x4f: {  	_ =	shalt  }
0x50: {  	_ =	shalt  }
0x51: {  	_ =	shalt  }
0x52: {  	_ =	shalt  }
0x53: {  	_ =	shalt  }
0x54: {  	_ =	shalt  }
0x55: {  	_ =	shalt  }
0x56: {  	_ =	shalt  }
0x57: {  	_ =	shalt  }
0x58: {  	_ =	shalt  }
0x59: {  	_ =	shalt  }
0x5a: {  	_ =	shalt  }
0x5b: {  	_ =	shalt  }
0x5c: {  	_ =	shalt  }
0x5d: {  	_ =	shalt  }
0x5e: {  	_ =	shalt  }
0x5f: {  	_ =	shalt  }
0x60: {  	_ =	shalt  }
0x61: {  	_ =	shalt  }
0x62: {  	_ =	shalt  }
0x63: {  	_ =	shalt  }
0x64: {  	_ =	shalt  }
0x65: {  	_ =	shalt  }
0x66: {  	_ =	shalt  }
0x67: {  	_ =	shalt  }
0x68: {  	_ =	shalt  }
0x69: {  	_ =	shalt  }
0x6a: {  	_ =	shalt  }
0x6b: {  	_ =	shalt  }
0x6c: {  	_ =	shalt  }
0x6d: {  	_ =	shalt  }
0x6e: {  	_ =	shalt  }
0x6f: {  	_ =	shalt  }
0x70: {  	_ =	shalt  }
0x71: {  	_ =	shalt  }
0x72: {  	_ =	shalt  }
0x73: {  	_ =	shalt  }
0x74: {  	_ =	shalt  }
0x75: {  	_ =	shalt  }
0x76: {  	_ =	shalt  }
0x77: {  	_ =	shalt  }
0x78: {  	_ =	shalt  }
0x79: {  	_ =	shalt  }
0x7a: {  	_ =	shalt  }
0x7b: {  	_ =	shalt  }
0x7c: {  	_ =	shalt  }
0x7d: {  	_ =	shalt  }
0x7e: {  	_ =	shalt  }
0x7f: {  	_ =	shalt  }
0x80: {  	_ =	shalt  }
0x81: {  	_ =	shalt  }
0x82: {  	_ =	shalt  }
0x83: {  	_ =	shalt  }
0x84: {  	_ =	shalt  }
0x85: {  	_ =	shalt  }
0x86: {  	_ =	shalt  }
0x87: {  	_ =	shalt  }
.Lfunc_end0:
.L_simem_size_0:
called_computation_lowered:
.L_overlay_start_0:
0x88: {  	s2 =	sld [smem:$0x3FD9]  }
0x89: {  	s3 =	sld [smem:$0x3FFE];
	_ =	sdelay $0x1  }
0x8a: {  	s1 =	srdreg.scid  }
0x8b: {  	s0 =	sand.u32 $0x1, s1  }
0x8c: {  	s16 =	sshll.u32 s0, $0xA;
	s2 =	sadd.s32 s3, s2  }
0x8d: {  	s2 =	sadd.s32 s2, s16  }
0x8e: {  	[smem:$0x3FC2] =	sst s2  }
0x8f: {  	_ = 	snop  }
0x90: {  	(tm) =	ssettm $0x1  }
0x91: {  	s17 =	sld [smem:$0x3FFB];
	_ =	sdelay $0x3  }
0x92: {  	_ =	strace s17  }
0x93: {  	s2 =	sld [smem:$0x3FFC];
	_ =	sdelay $0x3  }
0x94: {  	_ =	strace s2  }
0x95: {  	s2 =	sld [smem:$0x3FFD];
	_ =	sdelay $0x3  }
0x96: {  	_ =	strace s2  }
0x97: {  	_ =	strace $0x8FFFFFFF  }
0x98: {  	s18 =	sld [smem:$0x3FDB];
	_ =	sdelay $0x1  }
0x99: {  	s19 =	simm.s32 $_scs_section_size  }
0x9a: {  	s4 =	simm.s32 $_size__tile_overlayer_lowered;
	s5 =	simm.s32 $_tile_overlayer_lowered  }
0x9b: {  	s22 =	simm.s32 $0x1BFF;
	s21 =	sshll.u32 s5, $0x1;
	s2 =	sadd.s32 s19, s18  }
0x9c: {  	s6 =	simm.s32 $0x0;
	s20 =	sshll.u32 s4, $0x1;
	s4 =	sadd.s32 s21, s2  }
0x9d: {  	[timem:s6], [sflag:s22] =	dma.local [hbm:s4], s20  }
0x9e: {  	_ =	swait.ge [sflag:s22], s20  }
0x9f: {  	s3 =	ssub.s32 $0x0, s20;
	[sflag:s22] =	ssyncset.done $0x0  }
0xa0: {  	[sflag:s22] =	ssyncadd.s32 s3;
	_ =	sdelay $0x1  }
0xa1: {  	s23 =	simm.s32 $0x1B8B  }
0xa2: {  	_ =	swait.ge [sflag:s23], $0x1  }
0xa3: {  	[sflag:s23] =	ssyncset.done $0x0  }
0xa4: {  	s25 =	simm.s32 $0x1B8E;
	s24 =	sld [smem:$0x3FFE];
	[sflag:s23] =	ssyncadd.s32 $0xFFFFFFFF  }
0xa5: {  	s26 =	simm.s32 $execute0_lowered;
	[smem:$0x3FD2] =	sst s25  }
0xa6: {  	s4 =	sshll.u32 s26, $0x1;
	_ =	strace $0x80000046;
	[dreg:$0x1] =	wrdreg $0xFFFFFFFF  }
0xa7: {  	s28 =	simm.s32 $_size_execute0_lowered;
	s2 =	sadd.s32 s2, s4;
	[dreg:$0x0] =	wrdreg $0x0  }
0xa8: {  	s4 =	sshll.u32 s28, $0x1;
	[dreg:$0x2] =	wrdreg s2  }
0xa9: {  	[dreg:$0x3] =	wrdreg s4  }
0xaa: {  	[dreg:$0x4] =	wrdreg $0xC0  }
0xab: {  	_ =	task [dreg:s6], $0x5FFFF  }
0xac: {  	[dreg:$0x1] =	wrdreg $0xFFFFFFFF  }
0xad: {  	[dreg:$0x0] =	wrdreg $0x60  }
0xae: {  	[dreg:$0x2] =	wrdreg s24  }
0xaf: {  	[dreg:$0x3] =	wrdreg $0x52000  }
0xb0: {  	[dreg:$0x4] =	wrdreg $0x9  }
0xb1: {  	_ =	task.clear_ibuf [dreg:s6], $0x5FFFF;
	_ =	strace $0x90000046  }
0xb2: {  	s29 =	simm.s32 $0x9;
	_ =	strace $0x80000048  }
0xb3: {  	_ =	swait.ge [sflag:s29], $0x1  }
0xb4: {  	[sflag:s29] =	ssyncadd.s32 $0xFFFFFFFF  }
0xb5: {  	_ =	strace $0x90000048  }
0xb6: {  	_ =	sfence  }
0xb7: {  	s30 =	sld [smem:$0x0];
	_ =	sdelay $0x2  }
0xb8: {  	s31 =	sshll.u32 s1, $0xD;
	s1 =	sshrl.u32 s1, $0x2  }
0xb9: {  	s3 =	sand.u32 $0x4000, s31;
	s1 =	sadd.s32 s1, s30  }
0xba: {  	s0 =	sor.u32 s3, s0;
	s1 =	sshll.u32 s1, $0x11  }
0xbb: {  	s0 =	sor.u32 s1, s0  }
0xbc: {  	s0 =	sadd.s32 $0x8F2B, s0  }
0xbd: {  	[sflag:s0] =	ssyncadd.remote.s32 $0x1  }
0xbe: {  	_ =	sfence.sel $0xFFFF  }
0xbf: {  	[dreg:$0x0] =	wrdreg $0xFFFFFFFF;
	(pc) =	sbr.abs _section_cstart, $3  }
0xc0: {  	[dreg:$0x1] =	wrdreg $0xFFFFFFFF  }
0xc1: {  	_ =	task.clear_ibuf [dreg:s6], $0x2FFFF;
	_ =	strace $0x9FFFFFFF  }
0xc2: {  	(tm) =	ssettm $0x7FFFFFFF  }
0xc3: {  	_ =	shalt  }
tec
execute0_lowered:
.L_overlay_start_1:
0x0: {  	(tag) =	ssettag $0x1  }
0x1: {  	s0 =	rddreg [dreg:$0x0]  }
0x2: {  	s2 =	rddreg [dreg:$0x1];
	s9 =	stileid.u32  }
0x3: {  	s1 =	srdreg.scid;
	s5 =	smul.u32 $0x14000, s9  }
0x4: {  	s3 =	simm.s32 $0x0;
	s31 =	simm.s32 $0x100;
	s16 =	smul.u32 $0x50000, s9  }
0x5: {  	s1 =	sand.u32 $0x1, s1;
	[smem:$0x7FF] =	sst s3;
	s26 =	smul.u32 $0x5000, s9  }
0x6: {  	s7 =	sadd.s32 $0x2800, s0;
	s4 =	smul.u32 $0x140000, s1;
	s6 =	sshll.u32 s1, $0x4  }
0x7: {  	_ =	strace $0x80000047;
	s17 =	ssub.s32 $0x2, s1;
	s1 =	smul.u32 $0x50000, s1  }
0x8: {  	s6 =	sor.u32 s9, s6;
	s8 =	sshrl.u32 s17, $0x1;
	s18 =	sshrl.u32 s16, $0x2  }
0x9: {  	s9 =	simm.s32 $0x2;
	s4 =	sadd.s32 s5, s4;
	s15 =	smul.u32 $0x5000, s6  }
0xa: {  	s6 =	sadd.s32 s18, s2;
	s1 =	sadd.s32 s26, s1;
	s4 =	sshrl.u32 s4, $0x3  }
0xb: {  	s20 =	sadd.s32 $0x2000, s6;
	s21 =	sadd.s32 $0x3000, s6;
	s22 =	sadd.s32 $0x4000, s6  }
0xc: {  	s23 =	sadd.s32 $0x5000, s6;
	s24 =	sadd.s32 $0x6000, s6;
	s25 =	sadd.s32 $0x7000, s6  }
0xd: {  	s14 =	sadd.s32 $0x8000, s6;
	s16 =	sadd.s32 $0xA000, s6;
	[dreg:$0x6] =	wrdreg s20  }
0xe: {  	s18 =	sadd.s32 $0xC000, s6;
	s26 =	sadd.s32 $0x10000, s6;
	[dreg:$0x7] =	wrdreg s21  }
0xf: {  	s28 =	sadd.s32 $0x11000, s6;
	s29 =	sadd.s32 $0x12000, s6;
	[dreg:$0x8] =	wrdreg s22  }
0x10: {  	s30 =	sadd.s32 $0x13000, s6;
	s0 =	sadd.s32 s4, s0;
	[dreg:$0x9] =	wrdreg s23  }
0x11: {  	s5 =	sshrl.u32 s15, $0x3;
	s4 =	ssub.s32 s17, s8;
	[dreg:$0xa] =	wrdreg s24  }
0x12: {  	[dreg:$0xb] =	wrdreg s25;
	s15 =	sadd.s32 $0x9000, s6;
	s17 =	sadd.s32 $0xB000, s6  }
0x13: {  	s20 =	sadd.s32 $0xE000, s6;
	s23 =	sadd.s32 $0xF000, s6;
	s8 =	simm.s32 $0x200  }
0x14: {  	s10 =	sadd.s32 s7, s5;
	s5 =	sadd.s32 $0x1000, s6;
	s24 =	sadd.s32 $0x16800, s0  }
0x15: {  	s25 =	smax.u32 s4, $0x1;
	s0 =	simm.s32 $0x4200;
	[dreg:$0x3] =	wrdreg s10  }
0x16: {  	s4 =	simm.s32 $0x0;
	s19 =	sadd.s32 $0x20, s10;
	[dreg:$0x5] =	wrdreg s5  }
0x17: {  	s5 =	sor.u32 $0x300, s1;
	s1 =	sor.u32 $0x200, s1;
	s10 =	simm.s32 $0x180  }
0x18: {  	[dreg:$0x4] =	wrdreg s19;
	s5 =	sshrl.u32 s5, $0x3;
	s1 =	sshrl.u32 s1, $0x3  }
0x19: {  	s19 =	sadd.s32 $0xD000, s6;
	s21 =	sadd.s32 s5, s7;
	s22 =	sadd.s32 s1, s7  }
0x1a: {  	v0 =	vimm.f32 $1.000000000e+00;
	v1 =	vimm.f32 $0.0e+00;
	s1 =	simm.s32 $0x3;
	s5 =	simm.s32 $0x1;
	s7 =	simm.s32 $0x80  }
.LBB2_1:
0x1b: {  	s11 =	rddreg [dreg:$0x3]  }
0x1c: {  	[tilespmem:s3], [sflag:$0x1] =	stream.linear.gather [hbm4b:s11+s3], $0x100, $0x38;
	[tilespmem:$0x19200] =	vst v63  }
0x1d: {  	s13 =	rddreg [dreg:$0x4];
	s12 =	simm.s32 $0x200;
	s11 =	simm.s32 $0x0  }
0x1e: {  	[tilespmem:s31], [sflag:$0x2] =	stream.linear.gather [hbm4b:s13+s3], $0x100, $0x38;
	[tilespmem:$0x19200] =	vst v63  }
.LBB2_2:
0x1f: {  	p0 =	sne.s32 s12, $0xFE00;
	[tilespmem:s11+$0x270] =	vst v0  }
0x20: {  	[tilespmem:s11+$0x200] =	vst v0  }
0x21: {  	[tilespmem:s11+$0x210] =	vst v0  }
.Ltmp0:
0x22: {  	[tilespmem:s11+$0x220] =	vst v0;
	(pc) =	sbr.rel @p0 .LBB2_2-.Ltmp0, $4  }
0x23: {  	[tilespmem:s11+$0x230] =	vst v0  }
0x24: {  	[tilespmem:s11+$0x240] =	vst v0  }
0x25: {  	[tilespmem:s11+$0x250] =	vst v0  }
0x26: {  	[tilespmem:s11+$0x260] =	vst v0;
	s11 =	sshra.s32 s12, $0x2;
	s12 =	sadd.s32 $0x200, s12  }
0x27: {  	[tilespmem:s11+$0x270] =	vst v0  }
0x28: {  	[tilespmem:s11+$0x200] =	vst v0  }
0x29: {  	[tilespmem:s11+$0x210] =	vst v0  }
0x2a: {  	[tilespmem:s11+$0x220] =	vst v0  }
0x2b: {  	[tilespmem:s11+$0x230] =	vst v0  }
0x2c: {  	[tilespmem:s11+$0x240] =	vst v0  }
0x2d: {  	[tilespmem:s11+$0x250] =	vst v0  }
0x2e: {  	[tilespmem:s11+$0x260] =	vst v0;
	s11 =	simm.s32 $0x0;
	s12 =	simm.s32 $0x200  }
.LBB2_4:
0x2f: {  	p0 =	sne.s32 s12, $0x3E00;
	[tilespmem:s11+$0x4270] =	vst v1  }
0x30: {  	[tilespmem:s11+$0x4200] =	vst v1  }
0x31: {  	[tilespmem:s11+$0x4210] =	vst v1  }
.Ltmp1:
0x32: {  	[tilespmem:s11+$0x4220] =	vst v1;
	(pc) =	sbr.rel @p0 .LBB2_4-.Ltmp1, $4  }
0x33: {  	[tilespmem:s11+$0x4230] =	vst v1  }
0x34: {  	[tilespmem:s11+$0x4240] =	vst v1  }
0x35: {  	[tilespmem:s11+$0x4250] =	vst v1  }
0x36: {  	[tilespmem:s11+$0x4260] =	vst v1;
	s11 =	sshra.s32 s12, $0x2;
	s12 =	sadd.s32 $0x200, s12  }
0x37: {  	[tilespmem:s11+$0x4270] =	vst v1  }
0x38: {  	[tilespmem:s11+$0x4200] =	vst v1  }
0x39: {  	[tilespmem:s11+$0x4210] =	vst v1  }
0x3a: {  	[tilespmem:s11+$0x4220] =	vst v1  }
0x3b: {  	[tilespmem:s11+$0x4230] =	vst v1  }
0x3c: {  	[tilespmem:s11+$0x4240] =	vst v1  }
0x3d: {  	[tilespmem:s11+$0x4250] =	vst v1  }
0x3e: {  	[tilespmem:s11+$0x4260] =	vst v1  }
0x3f: {  	[spmem:s6] =	stream.linear.scatter [tilespmem:s0], [sflag:$0x3], $0x1000, $0x38;
	[tilespmem:$0x19200] =	vst v63  }
0x40: {  	_ =	swait.ge [sflag:s1], $0x1000  }
0x41: {  	[sflag:s1] =	ssyncset.done $0x0  }
0x42: {  	s12 =	rddreg [dreg:$0x5];
	[sflag:s1] =	ssyncadd.s32 $0xFFFFF000  }
0x43: {  	[spmem:s12] =	stream.linear.scatter [tilespmem:s0], [sflag:$0x3], $0x1000, $0x38;
	[tilespmem:$0x19200] =	vst v63  }
0x44: {  	_ =	swait.ge [sflag:s1], $0x1000  }
0x45: {  	[sflag:s1] =	ssyncset.done $0x0  }
0x46: {  	s13 =	rddreg [dreg:$0x6];
	[sflag:s1] =	ssyncadd.s32 $0xFFFFF000  }
0x47: {  	[spmem:s13] =	stream.linear.scatter [tilespmem:s0], [sflag:$0x3], $0x1000, $0x38;
	[tilespmem:$0x19200] =	vst v63  }
0x48: {  	_ =	swait.ge [sflag:s1], $0x1000  }
0x49: {  	[sflag:s1] =	ssyncset.done $0x0  }
0x4a: {  	s12 =	rddreg [dreg:$0x7];
	[sflag:s1] =	ssyncadd.s32 $0xFFFFF000  }
0x4b: {  	[spmem:s12] =	stream.linear.scatter [tilespmem:s0], [sflag:$0x3], $0x1000, $0x38;
	[tilespmem:$0x19200] =	vst v63  }
0x4c: {  	_ =	swait.ge [sflag:s1], $0x1000  }
0x4d: {  	[sflag:s1] =	ssyncset.done $0x0  }
0x4e: {  	s13 =	rddreg [dreg:$0x8];
	[sflag:s1] =	ssyncadd.s32 $0xFFFFF000  }
0x4f: {  	[spmem:s13] =	stream.linear.scatter [tilespmem:s0], [sflag:$0x3], $0x1000, $0x38;
	[tilespmem:$0x19200] =	vst v63  }
0x50: {  	_ =	swait.ge [sflag:s1], $0x1000  }
0x51: {  	[sflag:s1] =	ssyncset.done $0x0  }
0x52: {  	s12 =	rddreg [dreg:$0x9];
	[sflag:s1] =	ssyncadd.s32 $0xFFFFF000  }
0x53: {  	[spmem:s12] =	stream.linear.scatter [tilespmem:s0], [sflag:$0x3], $0x1000, $0x38;
	[tilespmem:$0x19200] =	vst v63  }
0x54: {  	_ =	swait.ge [sflag:s1], $0x1000  }
0x55: {  	[sflag:s1] =	ssyncset.done $0x0  }
0x56: {  	s13 =	rddreg [dreg:$0xa];
	[sflag:s1] =	ssyncadd.s32 $0xFFFFF000  }
0x57: {  	[spmem:s13] =	stream.linear.scatter [tilespmem:s0], [sflag:$0x3], $0x1000, $0x38;
	[tilespmem:$0x19200] =	vst v63  }
0x58: {  	_ =	swait.ge [sflag:s1], $0x1000  }
0x59: {  	[sflag:s1] =	ssyncset.done $0x0  }
0x5a: {  	s12 =	rddreg [dreg:$0xb];
	[sflag:s1] =	ssyncadd.s32 $0xFFFFF000  }
0x5b: {  	[spmem:s12] =	stream.linear.scatter [tilespmem:s0], [sflag:$0x3], $0x1000, $0x38;
	[tilespmem:$0x19200] =	vst v63  }
0x5c: {  	_ =	swait.ge [sflag:s1], $0x1000  }
0x5d: {  	[sflag:s1] =	ssyncset.done $0x0  }
0x5e: {  	[sflag:s1] =	ssyncadd.s32 $0xFFFFF000  }
0x5f: {  	[spmem:s14] =	stream.linear.scatter [tilespmem:s0], [sflag:$0x3], $0x1000, $0x38;
	[tilespmem:$0x19200] =	vst v63  }
0x60: {  	_ =	swait.ge [sflag:s1], $0x1000  }
0x61: {  	[sflag:s1] =	ssyncset.done $0x0  }
0x62: {  	[sflag:s1] =	ssyncadd.s32 $0xFFFFF000  }
0x63: {  	[spmem:s15] =	stream.linear.scatter [tilespmem:s0], [sflag:$0x3], $0x1000, $0x38;
	[tilespmem:$0x19200] =	vst v63  }
0x64: {  	_ =	swait.ge [sflag:s1], $0x1000  }
0x65: {  	[sflag:s1] =	ssyncset.done $0x0  }
0x66: {  	[sflag:s1] =	ssyncadd.s32 $0xFFFFF000  }
0x67: {  	[spmem:s16] =	stream.linear.scatter [tilespmem:s0], [sflag:$0x3], $0x1000, $0x38;
	[tilespmem:$0x19200] =	vst v63  }
0x68: {  	_ =	swait.ge [sflag:s1], $0x1000  }
0x69: {  	[sflag:s1] =	ssyncset.done $0x0  }
0x6a: {  	[sflag:s1] =	ssyncadd.s32 $0xFFFFF000  }
0x6b: {  	[spmem:s17] =	stream.linear.scatter [tilespmem:s0], [sflag:$0x3], $0x1000, $0x38;
	[tilespmem:$0x19200] =	vst v63  }
0x6c: {  	_ =	swait.ge [sflag:s1], $0x1000  }
0x6d: {  	[sflag:s1] =	ssyncset.done $0x0  }
0x6e: {  	[sflag:s1] =	ssyncadd.s32 $0xFFFFF000  }
0x6f: {  	[spmem:s18] =	stream.linear.scatter [tilespmem:s0], [sflag:$0x3], $0x1000, $0x38;
	[tilespmem:$0x19200] =	vst v63  }
0x70: {  	_ =	swait.ge [sflag:s1], $0x1000  }
0x71: {  	[sflag:s1] =	ssyncset.done $0x0  }
0x72: {  	[sflag:s1] =	ssyncadd.s32 $0xFFFFF000  }
0x73: {  	[spmem:s19] =	stream.linear.scatter [tilespmem:s0], [sflag:$0x3], $0x1000, $0x38;
	[tilespmem:$0x19200] =	vst v63  }
0x74: {  	_ =	swait.ge [sflag:s1], $0x1000  }
0x75: {  	[sflag:s1] =	ssyncset.done $0x0  }
0x76: {  	[sflag:s1] =	ssyncadd.s32 $0xFFFFF000  }
0x77: {  	[spmem:s20] =	stream.linear.scatter [tilespmem:s0], [sflag:$0x3], $0x1000, $0x38;
	[tilespmem:$0x19200] =	vst v63  }
0x78: {  	_ =	swait.ge [sflag:s1], $0x1000  }
0x79: {  	[sflag:s1] =	ssyncset.done $0x0  }
0x7a: {  	[sflag:s1] =	ssyncadd.s32 $0xFFFFF000  }
0x7b: {  	[spmem:s23] =	stream.linear.scatter [tilespmem:s0], [sflag:$0x3], $0x1000, $0x38;
	[tilespmem:$0x19200] =	vst v63  }
0x7c: {  	_ =	swait.ge [sflag:s1], $0x1000  }
0x7d: {  	[sflag:s1] =	ssyncset.done $0x0  }
0x7e: {  	[sflag:s1] =	ssyncadd.s32 $0xFFFFF000  }
0x7f: {  	[spmem:s26] =	stream.linear.scatter [tilespmem:s0], [sflag:$0x3], $0x1000, $0x38;
	[tilespmem:$0x19200] =	vst v63  }
0x80: {  	_ =	swait.ge [sflag:s1], $0x1000  }
0x81: {  	[sflag:s1] =	ssyncset.done $0x0  }
0x82: {  	[sflag:s1] =	ssyncadd.s32 $0xFFFFF000  }
0x83: {  	[spmem:s28] =	stream.linear.scatter [tilespmem:s0], [sflag:$0x3], $0x1000, $0x38;
	[tilespmem:$0x19200] =	vst v63  }
0x84: {  	_ =	swait.ge [sflag:s1], $0x1000  }
0x85: {  	[sflag:s1] =	ssyncset.done $0x0  }
0x86: {  	[sflag:s1] =	ssyncadd.s32 $0xFFFFF000  }
0x87: {  	[spmem:s29] =	stream.linear.scatter [tilespmem:s0], [sflag:$0x3], $0x1000, $0x38;
	[tilespmem:$0x19200] =	vst v63  }
0x88: {  	_ =	swait.ge [sflag:s1], $0x1000  }
0x89: {  	[sflag:s1] =	ssyncset.done $0x0  }
0x8a: {  	[sflag:s1] =	ssyncadd.s32 $0xFFFFF000  }
0x8b: {  	[spmem:s30] =	stream.linear.scatter [tilespmem:s0], [sflag:$0x3], $0x1000, $0x38;
	[tilespmem:$0x19200] =	vst v63  }
0x8c: {  	_ =	swait.ge [sflag:s1], $0x1000  }
0x8d: {  	[sflag:s1] =	ssyncset.done $0x0  }
0x8e: {  	[sflag:s1] =	ssyncadd.s32 $0xFFFFF000  }
0x8f: {  	[bflag:$0x0] =	sbarrier.arrive $0xFFFF  }
0x90: {  	_ =	swait.ge [sflag:s5], $0x100  }
0x91: {  	[sflag:s5] =	ssyncset.done $0x0  }
0x92: {  	[sflag:s5] =	ssyncadd.s32 $0xFFFFFF00  }
0x93: {  	[spmem:s2] =	stream.indirect.scatter.add.f32 [tilespmem:s8], [sflag:$0x3], $0x80, s7, s7, $0xb8;
	[tilespmem:$0x19200] =	vst v63  }
0x94: {  	_ =	swait.ge [sflag:s1], $0x4000  }
0x95: {  	[sflag:s1] =	ssyncset.done $0x0  }
0x96: {  	s13 =	sadd.s32 $0x0, s22;
	[sflag:s1] =	ssyncadd.s32 $0xFFFFC000  }
0x97: {  	[tilespmem:s3], [sflag:$0x1] =	stream.linear.gather [hbm4b:s13+s3], $0x100, $0x38;
	[tilespmem:$0x19200] =	vst v63  }
0x98: {  	_ =	swait.ge [sflag:s9], $0x100  }
0x99: {  	[sflag:s9] =	ssyncset.done $0x0  }
0x9a: {  	[sflag:s9] =	ssyncadd.s32 $0xFFFFFF00  }
0x9b: {  	[spmem:s2] =	stream.indirect.scatter.add.f32 [tilespmem:s8], [sflag:$0x3], $0x80, s10, s7, $0xb8;
	[tilespmem:$0x19200] =	vst v63  }
0x9c: {  	_ =	swait.ge [sflag:s1], $0x4000  }
0x9d: {  	[sflag:s1] =	ssyncset.done $0x0  }
0x9e: {  	s11 =	simm.s32 $0x40;
	s12 =	sadd.s32 $0x0, s21;
	[sflag:s1] =	ssyncadd.s32 $0xFFFFC000  }
.LBB2_6:
0x9f: {  	[tilespmem:s31], [sflag:$0x2] =	stream.linear.gather [hbm4b:s12+s3], $0x100, $0x38;
	[tilespmem:$0x19200] =	vst v63  }
0xa0: {  	s12 =	smov.u32 s11  }
0xa1: {  	p0 =	sne.s32 s11, $0x980;
	s11 =	sadd.s32 $0x40, s11;
	_ =	swait.ge [sflag:s5], $0x100  }
0xa2: {  	[sflag:s5] =	ssyncset.done $0x0  }
0xa3: {  	[sflag:s5] =	ssyncadd.s32 $0xFFFFFF00  }
0xa4: {  	[spmem:s2] =	stream.indirect.scatter.add.f32 [tilespmem:s8], [sflag:$0x3], $0x80, s7, s7, $0xb8;
	[tilespmem:$0x19200] =	vst v63  }
0xa5: {  	_ =	swait.ge [sflag:s1], $0x4000  }
0xa6: {  	[sflag:s1] =	ssyncset.done $0x0  }
0xa7: {  	s13 =	sadd.s32 s12, s22;
	[sflag:s1] =	ssyncadd.s32 $0xFFFFC000  }
0xa8: {  	[tilespmem:s3], [sflag:$0x1] =	stream.linear.gather [hbm4b:s13+s3], $0x100, $0x38;
	[tilespmem:$0x19200] =	vst v63  }
0xa9: {  	_ =	swait.ge [sflag:s9], $0x100  }
0xaa: {  	[sflag:s9] =	ssyncset.done $0x0  }
.Ltmp2:
0xab: {  	[sflag:s9] =	ssyncadd.s32 $0xFFFFFF00;
	(pc) =	sbr.rel @p0 .LBB2_6-.Ltmp2, $4  }
0xac: {  	[spmem:s2] =	stream.indirect.scatter.add.f32 [tilespmem:s8], [sflag:$0x3], $0x80, s10, s7, $0xb8;
	[tilespmem:$0x19200] =	vst v63  }
0xad: {  	_ =	swait.ge [sflag:s1], $0x4000  }
0xae: {  	[sflag:s1] =	ssyncset.done $0x0  }
0xaf: {  	s12 =	sadd.s32 s12, s21;
	[sflag:s1] =	ssyncadd.s32 $0xFFFFC000  }
0xb0: {  	[tilespmem:s31], [sflag:$0x2] =	stream.linear.gather [hbm4b:s12+s3], $0x100, $0x38;
	[tilespmem:$0x19200] =	vst v63  }
0xb1: {  	_ =	swait.ge [sflag:s5], $0x100  }
0xb2: {  	[sflag:s5] =	ssyncset.done $0x0  }
0xb3: {  	[sflag:s5] =	ssyncadd.s32 $0xFFFFFF00  }
0xb4: {  	[spmem:s2] =	stream.indirect.scatter.add.f32 [tilespmem:s8], [sflag:$0x3], $0x80, s7, s7, $0xb8;
	[tilespmem:$0x19200] =	vst v63  }
0xb5: {  	_ =	swait.ge [sflag:s1], $0x4000  }
0xb6: {  	[sflag:s1] =	ssyncset.done $0x0  }
0xb7: {  	[sflag:s1] =	ssyncadd.s32 $0xFFFFC000  }
0xb8: {  	_ =	swait.ge [sflag:s9], $0x100  }
0xb9: {  	[sflag:s9] =	ssyncset.done $0x0  }
0xba: {  	[sflag:s9] =	ssyncadd.s32 $0xFFFFFF00  }
0xbb: {  	[spmem:s2] =	stream.indirect.scatter.add.f32 [tilespmem:s8], [sflag:$0x3], $0x80, s10, s7, $0xb8;
	[tilespmem:$0x19200] =	vst v63  }
0xbc: {  	s11 =	stileid.u32;
	_ =	swait.ge [sflag:s1], $0x4000  }
0xbd: {  	s13 =	sshrl.u32 s6, $0x3;
	s4 =	sadd.s32 $0x1, s4;
	[sflag:s1] =	ssyncset.done $0x0  }
0xbe: {  	s11 =	sshll.u32 s11, $0x6;
	p0 =	sne.s32 s4, s25;
	[sflag:s1] =	ssyncadd.s32 $0xFFFFC000  }
.Ltmp3:
0xbf: {  	s11 =	sor.u32 $0x1C03, s11;
	[bflag:$0x0] =	sbarrier.arrive $0xFFFF;
	(pc) =	sbr.rel @p0 .LBB2_1-.Ltmp3, $4  }
0xc0: {  	[hbm:s24], [sflag:s11] =	dma.local [spmem:s13], $0x2800  }
0xc1: {  	_ =	swait.ge [sflag:s1], $0x2800  }
0xc2: {  	[sflag:s1] =	ssyncset.done $0x0  }
0xc3: {  	[sflag:s1] =	ssyncadd.s32 $0xFFFFD800  }
0xc4: {  	_ =	sfence.sel $0x180000  }
0xc5: {  	[bflag:$0x0] =	sbarrier.arrive $0xFFFF  }
0xc6: {  	_ =	strace $0x90000047  }
0xc7: {  	s0 =	stileid.u32;
	[bflag:$0x2] =	sbarrier.arrive $0xFFFF  }
0xc8: {  	p0 =	sne.s32 s0, $0x0;
	s0 =	rddreg [dreg:$0x2]  }
0xc9: {  	s0 =	sadd.s32 @!p0 $0x100000, s0  }
0xca: {  	[sflag:s0] =	ssyncadd.tile.s32 @!p0 $0x1;
	_ =	shalt  }
.Lfunc_end2:
_tile_overlayer_lowered:
.L_overlay_start_2:
0xcb: {  	(tag) =	ssettag $0x2  }
0xcc: {  	s0 =	rddreg [dreg:$0x0];
	s2 =	stileid.u32  }
0xcd: {  	s1 =	rddreg [dreg:$0x1];
	p0 =	sne.s32 s2, $0x0  }
0xce: {  	s3 =	rddreg [dreg:$0x2];
	[bflag:$0x3] =	sbarrier.arrive $0xFFFF;
	s2 =	simm.s32 @!p0 $0x1C03  }
0xcf: {  	[timem:s3], [sflag:s2] =	dma.local @!p0 [hbm:s0], s1  }
0xd0: {  	s0 =	simm.s32 @!p0 $0x3  }
0xd1: {  	_ =	swait.ge @!p0 [sflag:s0], s1  }
0xd2: {  	s1 =	ssub.s32 @!p0 $0x0, s1;
	[sflag:s0] =	ssyncset.done @!p0 $0x0  }
0xd3: {  	[sflag:s0] =	ssyncadd.s32 @!p0 s1  }
0xd4: {  	[bflag:$0x3] =	sbarrier.arrive $0xFFFF  }
0xd5: {  	_ =	shalt  }

</sc_bundles>
